<compile_context>
chip_gen: v7x
topology: tpu7x:2x2x1
jax: 0.10.2.dev20260603
libtpu: 0.0.44.dev20260713+nightly
codegen_flags: <defaults>
</compile_context>

<pallas_src>
import functools

import jax
import jax.numpy as jnp
from jax import lax
from jax.experimental import pallas as pl
from jax.experimental.pallas import tpu as pltpu
from jax.experimental.pallas import tpu_sc as plsc

SEQ = 200
D = 64
BATCH = 1024

BB = BATCH // 128
NTASK = SEQ * BB
NC, NS = 2, 16
NW = NC * NS
TPW = NTASK // NW
PAIRS = TPW // 2


def _make_kernel():
    mesh = plsc.VectorSubcoreMesh(core_axis_name="c", subcore_axis_name="s")

    @functools.partial(
        pl.kernel,
        out_type=jax.ShapeDtypeStruct((SEQ, D // 8, BB, 8, 128), jnp.float32),
        mesh=mesh,
        compiler_params=pltpu.CompilerParams(
            use_tc_tiling_on_sc=False, needs_layout_passes=False),
        scratch_types=[
            pltpu.VMEM((TPW, 128), jnp.int32),
            pltpu.VMEM((SEQ, D), jnp.float32),
            pltpu.VMEM((128, D), jnp.float32),
            pltpu.VMEM((128, D), jnp.float32),
            pltpu.VMEM((D, 129), jnp.float32),
            pltpu.VMEM((D, 129), jnp.float32),
            pltpu.SemaphoreType.DMA,
            pltpu.SemaphoreType.DMA,
            pltpu.SemaphoreType.DMA,
            pltpu.SemaphoreType.DMA,
        ],
    )
    def k(idx_hbm, word_hbm, pos_hbm, out_hbm,
          idx_v, pos_v, rows0, rows1, trans0, trans1, sg0, sg1, ss0, ss1):
        wid = lax.axis_index("s") * NC + lax.axis_index("c")
        t_base = wid * TPW
        pltpu.sync_copy(pos_hbm, pos_v)
        pltpu.sync_copy(idx_hbm.at[pl.ds(t_base, TPW)], idx_v)

        j = lax.iota(jnp.int32, 16)

        def gather(tl, rows_v, sem):
            return pltpu.make_async_copy(
                word_hbm.at[idx_v.at[tl]], rows_v, sem)

        def store_one(t, trans_v, db, sem):
            l = lax.div(t, BB)
            bb = lax.rem(t, BB)
            return pltpu.make_async_copy(
                trans_v.at[pl.ds(db * 8, 8), pl.ds(0, 128)],
                out_hbm.at[l, db, bb], sem)

        def store_start(t, trans_v, sem):
            for db in range(D // 8):
                store_one(t, trans_v, db, sem).start()

        def store_wait(t, trans_v, sem):
            for db in range(D // 8):
                store_one(t, trans_v, db, sem).wait()

        def scatter_add(t, rows_v, trans_v):
            l = lax.div(t, BB)
            p = [pos_v[l, pl.ds(c * 16, 16)] for c in range(D // 16)]
            dv = [j + (16 * c) for c in range(D // 16)]

            zeros = j - j

            @plsc.parallel_loop(0, 128, step=1, unroll=16)
            def row_body(i):
                for c in range(D // 16):
                    v = rows_v[i, pl.ds(c * 16, 16)] + p[c]
                    plsc.store_scatter(trans_v, [dv[c], zeros + i], v)

        gather(0, rows0, sg0).start()

        def pair_body(pp, _):
            tl0 = 2 * pp
            t0 = t_base + tl0
            gather(tl0 + 1, rows1, sg1).start()
            gather(tl0, rows0, sg0).wait()

            @pl.when(pp > 0)
            def _():
                store_wait(t0 - 2, trans0, ss0)

            scatter_add(t0, rows0, trans0)
            store_start(t0, trans0, ss0)

            @pl.when(pp + 1 < PAIRS)
            def _():
                gather(tl0 + 2, rows0, sg0).start()

            gather(tl0 + 1, rows1, sg1).wait()

            @pl.when(pp > 0)
            def _():
                store_wait(t0 - 1, trans1, ss1)

            scatter_add(t0 + 1, rows1, trans1)
            store_start(t0 + 1, trans1, ss1)
            return 0

        lax.fori_loop(0, PAIRS, pair_body, 0)
        store_wait(t_base + TPW - 2, trans0, ss0)
        store_wait(t_base + TPW - 1, trans1, ss1)

    return k


_kernel = _make_kernel()


@jax.jit
def kernel(inputs, word_table, pos_table):
    word2 = jnp.pad(word_table, ((0, 0), (0, D))).reshape(-1, D)
    idx = (inputs.astype(jnp.int32) * 2).T.reshape(SEQ * BB, 128)
    out5 = _kernel(idx, word2, pos_table)
    return out5.transpose(2, 4, 0, 1, 3).reshape(BATCH, SEQ, D)

# --- scband reference (transcript-rebuilt; emitter-appended) ---
"""Pipeline reference for scband-position-embedding-layer-7825430413612 (READ-ONLY COPY).

The authoritative reference and input builder live on the scoring server;
editing this copy changes nothing except your own understanding.
"""

import jax, jax.numpy as jnp
import numpy as np

SEQ_LENGTH = 200
VOCAB_SIZE = 100000
OUTPUT_DIM = 64
BATCH = 1024

def setup_inputs(seed: int = 0) -> dict:
    key = jax.random.key(seed)
    k_idx, k_w, k_p = jax.random.split(key, 3)
    inputs = jax.random.randint(k_idx, (BATCH, SEQ_LENGTH), 0, VOCAB_SIZE, dtype=jnp.int64 if jax.config.jax_enable_x64 else jnp.int32)
    # Keras Embedding default init: uniform in [-0.05, 0.05]
    word_table = jax.random.uniform(k_w, (VOCAB_SIZE, OUTPUT_DIM), minval=-0.05, maxval=0.05, dtype=jnp.float32)
    pos_table = jax.random.uniform(k_p, (SEQ_LENGTH, OUTPUT_DIM), minval=-0.05, maxval=0.05, dtype=jnp.float32)
    return {"inputs": inputs, "word_table": word_table, "pos_table": pos_table}

def reference(inputs, word_table, pos_table):
    # position_indices = range(0, seq_len_of_inputs)
    seq_len = inputs.shape[-1]
    position_indices = jnp.arange(seq_len)
    embedded_words = jnp.take(word_table, inputs, axis=0)           # [B, L, D]
    embedded_positions = jnp.take(pos_table, position_indices, axis=0)  # [L, D]
    out = embedded_words + embedded_positions[None, :, :]
    return out

if __name__ == "__main__":
    import jax
    _d = setup_inputs()
    print(jax.jit(kernel)(*tuple(_d.values())))

</pallas_src>

<mosaic_0001>
#map = affine_map<(d0, d1) -> (0, 0)>
#map1 = affine_map<(d0, d1) -> (0, 0, 0, 0, 0)>
module attributes {stable_mosaic.version = 14 : i64} {
  func.func @k(%arg0: i32, %arg1: i32, %arg2: memref<1600x128xi32, #tpu.memory_space<hbm>>, %arg3: memref<200000x64xf32, #tpu.memory_space<hbm>>, %arg4: memref<200x64xf32, #tpu.memory_space<hbm>>, %arg5: memref<200x8x8x8x128xf32, #tpu.memory_space<hbm>>, %arg6: memref<50x128xi32, #tpu.memory_space<vmem>>, %arg7: memref<200x64xf32, #tpu.memory_space<vmem>>, %arg8: memref<128x64xf32, #tpu.memory_space<vmem>>, %arg9: memref<128x64xf32, #tpu.memory_space<vmem>>, %arg10: memref<64x129xf32, #tpu.memory_space<vmem>>, %arg11: memref<64x129xf32, #tpu.memory_space<vmem>>, %arg12: memref<!tpu.dma_semaphore, #tpu.memory_space<semaphore_mem>>, %arg13: memref<!tpu.dma_semaphore, #tpu.memory_space<semaphore_mem>>, %arg14: memref<!tpu.dma_semaphore, #tpu.memory_space<semaphore_mem>>, %arg15: memref<!tpu.dma_semaphore, #tpu.memory_space<semaphore_mem>>) attributes {dimension_semantics = [#tpu.dimension_semantics<core_parallel>, #tpu.dimension_semantics<subcore_parallel>], iteration_bounds = array<i64: 2, 16>, scalar_prefetch = 0 : i64, scratch_operands = 10 : i64, tpu.core_type = #tpu.core_type<sc_vector_subcore>, window_params = [{transform_indices = #map}, {transform_indices = #map}, {transform_indices = #map}, {transform_indices = #map1}]} {
    %mul3A = arith.constant 2 : i32
    %mul3A_0 = arith.muli %arg1, %mul3A : i32
    %add3A = arith.addi %mul3A_0, %arg0 : i32
    %mul3A_1 = arith.constant 50 : i32
    %mul3A_2 = arith.muli %add3A, %mul3A_1 : i32
    "tpu.region"() ({
      %run_scoped3A = tpu.sem_alloc : memref<!tpu.dma_semaphore, #tpu.memory_space<semaphore_mem>>
      tpu.enqueue_dma source(%arg4 : memref<200x64xf32, #tpu.memory_space<hbm>>) target(%arg7 : memref<200x64xf32, #tpu.memory_space<vmem>>) target_semaphore(%run_scoped3A : memref<!tpu.dma_semaphore, #tpu.memory_space<semaphore_mem>>)
      tpu.wait_dma2 semaphore(%run_scoped3A : memref<!tpu.dma_semaphore, #tpu.memory_space<semaphore_mem>>) src(%arg4 : memref<200x64xf32, #tpu.memory_space<hbm>>) dst(%arg7 : memref<200x64xf32, #tpu.memory_space<vmem>>)
      tpu.yield
    }) : () -> ()
    "tpu.region"() ({
      %run_scoped3A = tpu.sem_alloc : memref<!tpu.dma_semaphore, #tpu.memory_space<semaphore_mem>>
      %dma_start3A_323 = arith.constant 0 : i32
      %dma_start3A_324 = tpu.memref_slice %arg2[%mul3A_2, %dma_start3A_323] : memref<1600x128xi32, #tpu.memory_space<hbm>> -> memref<50x128xi32, #tpu.memory_space<hbm>>
      %dma_start3A_325 = arith.constant 0 : i32
      %dma_start3A_326 = tpu.memref_slice %arg2[%mul3A_2, %dma_start3A_325] : memref<1600x128xi32, #tpu.memory_space<hbm>> -> memref<50x128xi32, #tpu.memory_space<hbm>>
      tpu.enqueue_dma source(%dma_start3A_326 : memref<50x128xi32, #tpu.memory_space<hbm>>) target(%arg6 : memref<50x128xi32, #tpu.memory_space<vmem>>) target_semaphore(%run_scoped3A : memref<!tpu.dma_semaphore, #tpu.memory_space<semaphore_mem>>)
      %dma_wait3A_327 = arith.constant 0 : i32
      %dma_wait3A_328 = tpu.memref_slice %arg2[%mul3A_2, %dma_wait3A_327] : memref<1600x128xi32, #tpu.memory_space<hbm>> -> memref<50x128xi32, #tpu.memory_space<hbm>>
      %dma_wait3A_329 = arith.constant 0 : i32
      %dma_wait3A_330 = tpu.memref_slice %arg2[%mul3A_2, %dma_wait3A_329] : memref<1600x128xi32, #tpu.memory_space<hbm>> -> memref<50x128xi32, #tpu.memory_space<hbm>>
      tpu.wait_dma2 semaphore(%run_scoped3A : memref<!tpu.dma_semaphore, #tpu.memory_space<semaphore_mem>>) src(%dma_wait3A_330 : memref<50x128xi32, #tpu.memory_space<hbm>>) dst(%arg6 : memref<50x128xi32, #tpu.memory_space<vmem>>)
      tpu.yield
    }) : () -> ()
    %iota3A = tpu.iota {dimensions = array<i32: 0>} : vector<16xi32>
    %dma_start3A = arith.constant 0 : i32
    %dma_start3A_3 = arith.constant 0 : i32
    %dma_start3A_4 = tpu.memref_slice %arg6[%dma_start3A, %dma_start3A_3] : memref<50x128xi32, #tpu.memory_space<vmem>> -> memref<1x128xi32, #tpu.memory_space<vmem>>
    %dma_start3A_5 = tpu.memref_squeeze %dma_start3A_4 : memref<1x128xi32, #tpu.memory_space<vmem>> -> memref<128xi32, #tpu.memory_space<vmem>>
    %dma_start3A_6 = arith.constant 0 : i32
    %dma_start3A_7 = arith.constant 0 : i32
    %dma_start3A_8 = tpu.memref_slice %arg3[%dma_start3A_6, %dma_start3A_7] : memref<200000x64xf32, #tpu.memory_space<hbm>> -> memref<200000x64xf32, #tpu.memory_space<hbm>>
    tpu.enqueue_indirect_dma source(%dma_start3A_8 : memref<200000x64xf32, #tpu.memory_space<hbm>>) target(%arg8 : memref<128x64xf32, #tpu.memory_space<vmem>>) offsets(%dma_start3A_5 : memref<128xi32, #tpu.memory_space<vmem>>) semaphore(%arg12 : memref<!tpu.dma_semaphore, #tpu.memory_space<semaphore_mem>>)
    %scan3A = arith.constant 0 : i32
    %scan3A_9 = arith.constant 0 : i32
    %scan3A_10 = arith.constant 25 : i32
    %scan3A_11 = arith.addi %scan3A_9, %scan3A_10 : i32
    %scan3A_12 = arith.constant 1 : i32
    %scan3A_13 = scf.for %scan3A_323 = %scan3A_9 to %scan3A_11 step %scan3A_12 iter_args(%scan3A_324 = %scan3A) -> (i32)  : i32 {
      %mul3A_325 = arith.constant 2 : i32
      %mul3A_326 = arith.muli %mul3A_325, %scan3A_323 : i32
      %add3A_327 = arith.addi %mul3A_2, %mul3A_326 : i32
      %add3A_328 = arith.constant 1 : i32
      %add3A_329 = arith.addi %mul3A_326, %add3A_328 : i32
      %dma_start3A_330 = arith.constant 0 : i32
      %dma_start3A_331 = tpu.memref_slice %arg6[%add3A_329, %dma_start3A_330] : memref<50x128xi32, #tpu.memory_space<vmem>> -> memref<1x128xi32, #tpu.memory_space<vmem>>
      %dma_start3A_332 = tpu.memref_squeeze %dma_start3A_331 : memref<1x128xi32, #tpu.memory_space<vmem>> -> memref<128xi32, #tpu.memory_space<vmem>>
      %dma_start3A_333 = arith.constant 0 : i32
      %dma_start3A_334 = arith.constant 0 : i32
      %dma_start3A_335 = tpu.memref_slice %arg3[%dma_start3A_333, %dma_start3A_334] : memref<200000x64xf32, #tpu.memory_space<hbm>> -> memref<200000x64xf32, #tpu.memory_space<hbm>>
      tpu.enqueue_indirect_dma source(%dma_start3A_335 : memref<200000x64xf32, #tpu.memory_space<hbm>>) target(%arg9 : memref<128x64xf32, #tpu.memory_space<vmem>>) offsets(%dma_start3A_332 : memref<128xi32, #tpu.memory_space<vmem>>) semaphore(%arg13 : memref<!tpu.dma_semaphore, #tpu.memory_space<semaphore_mem>>)
      %dma_wait3A_336 = arith.constant 0 : i32
      %dma_wait3A_337 = tpu.memref_slice %arg6[%mul3A_326, %dma_wait3A_336] : memref<50x128xi32, #tpu.memory_space<vmem>> -> memref<1x128xi32, #tpu.memory_space<vmem>>
      %dma_wait3A_338 = tpu.memref_squeeze %dma_wait3A_337 : memref<1x128xi32, #tpu.memory_space<vmem>> -> memref<128xi32, #tpu.memory_space<vmem>>
      %dma_wait3A_339 = arith.constant 0 : i32
      %dma_wait3A_340 = arith.constant 0 : i32
      %dma_wait3A_341 = tpu.memref_slice %arg3[%dma_wait3A_339, %dma_wait3A_340] : memref<200000x64xf32, #tpu.memory_space<hbm>> -> memref<200000x64xf32, #tpu.memory_space<hbm>>
      tpu.wait_indirect_dma semaphore(%arg12 : memref<!tpu.dma_semaphore, #tpu.memory_space<semaphore_mem>>) src(%dma_wait3A_341 : memref<200000x64xf32, #tpu.memory_space<hbm>>) dst(%arg8 : memref<128x64xf32, #tpu.memory_space<vmem>>)
      %gt3A = arith.constant 0 : i32
      %gt3A_342 = arith.cmpi sgt, %scan3A_323, %gt3A : i32
      %convert_element_type3A = arith.extui %gt3A_342 : i1 to i32
      %cond3A = arith.constant 0 : i32
      %cond3A_343 = arith.cmpi ne, %convert_element_type3A, %cond3A : i32
      scf.if %cond3A_343 {
        %sub3A_730 = arith.constant 2 : i32
        %sub3A_731 = arith.subi %add3A_327, %sub3A_730 : i32
        %div3A_732 = arith.constant 8 : i32
        %div3A_733 = arith.divsi %sub3A_731, %div3A_732 : i32
        %rem3A_734 = arith.constant 8 : i32
        %rem3A_735 = arith.remsi %sub3A_731, %rem3A_734 : i32
        %dma_wait3A_736 = arith.constant 0 : i32
        %dma_wait3A_737 = arith.constant 0 : i32
        %dma_wait3A_738 = arith.constant 0 : i32
        %dma_wait3A_739 = tpu.memref_slice %arg10[%dma_wait3A_737, %dma_wait3A_738] : memref<64x129xf32, #tpu.memory_space<vmem>> -> memref<8x128xf32, #tpu.memory_space<vmem>>
        %dma_wait3A_740 = arith.constant 0 : i32
        %dma_wait3A_741 = arith.constant 0 : i32
        %dma_wait3A_742 = tpu.memref_slice %arg5[%div3A_733, %dma_wait3A_736, %rem3A_735, %dma_wait3A_740, %dma_wait3A_741] : memref<200x8x8x8x128xf32, #tpu.memory_space<hbm>> -> memref<1x1x1x8x128xf32, #tpu.memory_space<hbm>>
        %dma_wait3A_743 = tpu.memref_squeeze %dma_wait3A_742 : memref<1x1x1x8x128xf32, #tpu.memory_space<hbm>> -> memref<8x128xf32, #tpu.memory_space<hbm>>
        %dma_wait3A_744 = arith.constant 0 : i32
        %dma_wait3A_745 = arith.constant 0 : i32
        %dma_wait3A_746 = tpu.memref_slice %arg5[%div3A_733, %dma_wait3A_736, %rem3A_735, %dma_wait3A_744, %dma_wait3A_745] : memref<200x8x8x8x128xf32, #tpu.memory_space<hbm>> -> memref<1x1x1x8x128xf32, #tpu.memory_space<hbm>>
        %dma_wait3A_747 = tpu.memref_squeeze %dma_wait3A_746 : memref<1x1x1x8x128xf32, #tpu.memory_space<hbm>> -> memref<8x128xf32, #tpu.memory_space<hbm>>
        %dma_wait3A_748 = arith.constant 0 : i32
        %dma_wait3A_749 = arith.constant 0 : i32
        %dma_wait3A_750 = tpu.memref_slice %arg10[%dma_wait3A_748, %dma_wait3A_749] : memref<64x129xf32, #tpu.memory_space<vmem>> -> memref<8x128xf32, #tpu.memory_space<vmem>>
        tpu.wait_dma2 semaphore(%arg14 : memref<!tpu.dma_semaphore, #tpu.memory_space<semaphore_mem>>) src(%dma_wait3A_750 : memref<8x128xf32, #tpu.memory_space<vmem>>) dst(%dma_wait3A_747 : memref<8x128xf32, #tpu.memory_space<hbm>>)
        %div3A_751 = arith.constant 8 : i32
        %div3A_752 = arith.divsi %sub3A_731, %div3A_751 : i32
        %rem3A_753 = arith.constant 8 : i32
        %rem3A_754 = arith.remsi %sub3A_731, %rem3A_753 : i32
        %dma_wait3A_755 = arith.constant 1 : i32
        %dma_wait3A_756 = arith.constant 8 : i32
        %dma_wait3A_757 = arith.constant 0 : i32
        %dma_wait3A_758 = tpu.memref_slice %arg10[%dma_wait3A_756, %dma_wait3A_757] : memref<64x129xf32, #tpu.memory_space<vmem>> -> memref<8x128xf32, #tpu.memory_space<vmem>>
        %dma_wait3A_759 = arith.constant 0 : i32
        %dma_wait3A_760 = arith.constant 0 : i32
        %dma_wait3A_761 = tpu.memref_slice %arg5[%div3A_752, %dma_wait3A_755, %rem3A_754, %dma_wait3A_759, %dma_wait3A_760] : memref<200x8x8x8x128xf32, #tpu.memory_space<hbm>> -> memref<1x1x1x8x128xf32, #tpu.memory_space<hbm>>
        %dma_wait3A_762 = tpu.memref_squeeze %dma_wait3A_761 : memref<1x1x1x8x128xf32, #tpu.memory_space<hbm>> -> memref<8x128xf32, #tpu.memory_space<hbm>>
        %dma_wait3A_763 = arith.constant 0 : i32
        %dma_wait3A_764 = arith.constant 0 : i32
        %dma_wait3A_765 = tpu.memref_slice %arg5[%div3A_752, %dma_wait3A_755, %rem3A_754, %dma_wait3A_763, %dma_wait3A_764] : memref<200x8x8x8x128xf32, #tpu.memory_space<hbm>> -> memref<1x1x1x8x128xf32, #tpu.memory_space<hbm>>
        %dma_wait3A_766 = tpu.memref_squeeze %dma_wait3A_765 : memref<1x1x1x8x128xf32, #tpu.memory_space<hbm>> -> memref<8x128xf32, #tpu.memory_space<hbm>>
        %dma_wait3A_767 = arith.constant 8 : i32
        %dma_wait3A_768 = arith.constant 0 : i32
        %dma_wait3A_769 = tpu.memref_slice %arg10[%dma_wait3A_767, %dma_wait3A_768] : memref<64x129xf32, #tpu.memory_space<vmem>> -> memref<8x128xf32, #tpu.memory_space<vmem>>
        tpu.wait_dma2 semaphore(%arg14 : memref<!tpu.dma_semaphore, #tpu.memory_space<semaphore_mem>>) src(%dma_wait3A_769 : memref<8x128xf32, #tpu.memory_space<vmem>>) dst(%dma_wait3A_766 : memref<8x128xf32, #tpu.memory_space<hbm>>)
        %div3A_770 = arith.constant 8 : i32
        %div3A_771 = arith.divsi %sub3A_731, %div3A_770 : i32
        %rem3A_772 = arith.constant 8 : i32
        %rem3A_773 = arith.remsi %sub3A_731, %rem3A_772 : i32
        %dma_wait3A_774 = arith.constant 2 : i32
        %dma_wait3A_775 = arith.constant 16 : i32
        %dma_wait3A_776 = arith.constant 0 : i32
        %dma_wait3A_777 = tpu.memref_slice %arg10[%dma_wait3A_775, %dma_wait3A_776] : memref<64x129xf32, #tpu.memory_space<vmem>> -> memref<8x128xf32, #tpu.memory_space<vmem>>
        %dma_wait3A_778 = arith.constant 0 : i32
        %dma_wait3A_779 = arith.constant 0 : i32
        %dma_wait3A_780 = tpu.memref_slice %arg5[%div3A_771, %dma_wait3A_774, %rem3A_773, %dma_wait3A_778, %dma_wait3A_779] : memref<200x8x8x8x128xf32, #tpu.memory_space<hbm>> -> memref<1x1x1x8x128xf32, #tpu.memory_space<hbm>>
        %dma_wait3A_781 = tpu.memref_squeeze %dma_wait3A_780 : memref<1x1x1x8x128xf32, #tpu.memory_space<hbm>> -> memref<8x128xf32, #tpu.memory_space<hbm>>
        %dma_wait3A_782 = arith.constant 0 : i32
        %dma_wait3A_783 = arith.constant 0 : i32
        %dma_wait3A_784 = tpu.memref_slice %arg5[%div3A_771, %dma_wait3A_774, %rem3A_773, %dma_wait3A_782, %dma_wait3A_783] : memref<200x8x8x8x128xf32, #tpu.memory_space<hbm>> -> memref<1x1x1x8x128xf32, #tpu.memory_space<hbm>>
        %dma_wait3A_785 = tpu.memref_squeeze %dma_wait3A_784 : memref<1x1x1x8x128xf32, #tpu.memory_space<hbm>> -> memref<8x128xf32, #tpu.memory_space<hbm>>
        %dma_wait3A_786 = arith.constant 16 : i32
        %dma_wait3A_787 = arith.constant 0 : i32
        %dma_wait3A_788 = tpu.memref_slice %arg10[%dma_wait3A_786, %dma_wait3A_787] : memref<64x129xf32, #tpu.memory_space<vmem>> -> memref<8x128xf32, #tpu.memory_space<vmem>>
        tpu.wait_dma2 semaphore(%arg14 : memref<!tpu.dma_semaphore, #tpu.memory_space<semaphore_mem>>) src(%dma_wait3A_788 : memref<8x128xf32, #tpu.memory_space<vmem>>) dst(%dma_wait3A_785 : memref<8x128xf32, #tpu.memory_space<hbm>>)
        %div3A_789 = arith.constant 8 : i32
        %div3A_790 = arith.divsi %sub3A_731, %div3A_789 : i32
        %rem3A_791 = arith.constant 8 : i32
        %rem3A_792 = arith.remsi %sub3A_731, %rem3A_791 : i32
        %dma_wait3A_793 = arith.constant 3 : i32
        %dma_wait3A_794 = arith.constant 24 : i32
        %dma_wait3A_795 = arith.constant 0 : i32
        %dma_wait3A_796 = tpu.memref_slice %arg10[%dma_wait3A_794, %dma_wait3A_795] : memref<64x129xf32, #tpu.memory_space<vmem>> -> memref<8x128xf32, #tpu.memory_space<vmem>>
        %dma_wait3A_797 = arith.constant 0 : i32
        %dma_wait3A_798 = arith.constant 0 : i32
        %dma_wait3A_799 = tpu.memref_slice %arg5[%div3A_790, %dma_wait3A_793, %rem3A_792, %dma_wait3A_797, %dma_wait3A_798] : memref<200x8x8x8x128xf32, #tpu.memory_space<hbm>> -> memref<1x1x1x8x128xf32, #tpu.memory_space<hbm>>
        %dma_wait3A_800 = tpu.memref_squeeze %dma_wait3A_799 : memref<1x1x1x8x128xf32, #tpu.memory_space<hbm>> -> memref<8x128xf32, #tpu.memory_space<hbm>>
        %dma_wait3A_801 = arith.constant 0 : i32
        %dma_wait3A_802 = arith.constant 0 : i32
        %dma_wait3A_803 = tpu.memref_slice %arg5[%div3A_790, %dma_wait3A_793, %rem3A_792, %dma_wait3A_801, %dma_wait3A_802] : memref<200x8x8x8x128xf32, #tpu.memory_space<hbm>> -> memref<1x1x1x8x128xf32, #tpu.memory_space<hbm>>
        %dma_wait3A_804 = tpu.memref_squeeze %dma_wait3A_803 : memref<1x1x1x8x128xf32, #tpu.memory_space<hbm>> -> memref<8x128xf32, #tpu.memory_space<hbm>>
        %dma_wait3A_805 = arith.constant 24 : i32
        %dma_wait3A_806 = arith.constant 0 : i32
        %dma_wait3A_807 = tpu.memref_slice %arg10[%dma_wait3A_805, %dma_wait3A_806] : memref<64x129xf32, #tpu.memory_space<vmem>> -> memref<8x128xf32, #tpu.memory_space<vmem>>
        tpu.wait_dma2 semaphore(%arg14 : memref<!tpu.dma_semaphore, #tpu.memory_space<semaphore_mem>>) src(%dma_wait3A_807 : memref<8x128xf32, #tpu.memory_space<vmem>>) dst(%dma_wait3A_804 : memref<8x128xf32, #tpu.memory_space<hbm>>)
        %div3A_808 = arith.constant 8 : i32
        %div3A_809 = arith.divsi %sub3A_731, %div3A_808 : i32
        %rem3A_810 = arith.constant 8 : i32
        %rem3A_811 = arith.remsi %sub3A_731, %rem3A_810 : i32
        %dma_wait3A_812 = arith.constant 4 : i32
        %dma_wait3A_813 = arith.constant 32 : i32
        %dma_wait3A_814 = arith.constant 0 : i32
        %dma_wait3A_815 = tpu.memref_slice %arg10[%dma_wait3A_813, %dma_wait3A_814] : memref<64x129xf32, #tpu.memory_space<vmem>> -> memref<8x128xf32, #tpu.memory_space<vmem>>
        %dma_wait3A_816 = arith.constant 0 : i32
        %dma_wait3A_817 = arith.constant 0 : i32
        %dma_wait3A_818 = tpu.memref_slice %arg5[%div3A_809, %dma_wait3A_812, %rem3A_811, %dma_wait3A_816, %dma_wait3A_817] : memref<200x8x8x8x128xf32, #tpu.memory_space<hbm>> -> memref<1x1x1x8x128xf32, #tpu.memory_space<hbm>>
        %dma_wait3A_819 = tpu.memref_squeeze %dma_wait3A_818 : memref<1x1x1x8x128xf32, #tpu.memory_space<hbm>> -> memref<8x128xf32, #tpu.memory_space<hbm>>
        %dma_wait3A_820 = arith.constant 0 : i32
        %dma_wait3A_821 = arith.constant 0 : i32
        %dma_wait3A_822 = tpu.memref_slice %arg5[%div3A_809, %dma_wait3A_812, %rem3A_811, %dma_wait3A_820, %dma_wait3A_821] : memref<200x8x8x8x128xf32, #tpu.memory_space<hbm>> -> memref<1x1x1x8x128xf32, #tpu.memory_space<hbm>>
        %dma_wait3A_823 = tpu.memref_squeeze %dma_wait3A_822 : memref<1x1x1x8x128xf32, #tpu.memory_space<hbm>> -> memref<8x128xf32, #tpu.memory_space<hbm>>
        %dma_wait3A_824 = arith.constant 32 : i32
        %dma_wait3A_825 = arith.constant 0 : i32
        %dma_wait3A_826 = tpu.memref_slice %arg10[%dma_wait3A_824, %dma_wait3A_825] : memref<64x129xf32, #tpu.memory_space<vmem>> -> memref<8x128xf32, #tpu.memory_space<vmem>>
        tpu.wait_dma2 semaphore(%arg14 : memref<!tpu.dma_semaphore, #tpu.memory_space<semaphore_mem>>) src(%dma_wait3A_826 : memref<8x128xf32, #tpu.memory_space<vmem>>) dst(%dma_wait3A_823 : memref<8x128xf32, #tpu.memory_space<hbm>>)
        %div3A_827 = arith.constant 8 : i32
        %div3A_828 = arith.divsi %sub3A_731, %div3A_827 : i32
        %rem3A_829 = arith.constant 8 : i32
        %rem3A_830 = arith.remsi %sub3A_731, %rem3A_829 : i32
        %dma_wait3A_831 = arith.constant 5 : i32
        %dma_wait3A_832 = arith.constant 40 : i32
        %dma_wait3A_833 = arith.constant 0 : i32
        %dma_wait3A_834 = tpu.memref_slice %arg10[%dma_wait3A_832, %dma_wait3A_833] : memref<64x129xf32, #tpu.memory_space<vmem>> -> memref<8x128xf32, #tpu.memory_space<vmem>>
        %dma_wait3A_835 = arith.constant 0 : i32
        %dma_wait3A_836 = arith.constant 0 : i32
        %dma_wait3A_837 = tpu.memref_slice %arg5[%div3A_828, %dma_wait3A_831, %rem3A_830, %dma_wait3A_835, %dma_wait3A_836] : memref<200x8x8x8x128xf32, #tpu.memory_space<hbm>> -> memref<1x1x1x8x128xf32, #tpu.memory_space<hbm>>
        %dma_wait3A_838 = tpu.memref_squeeze %dma_wait3A_837 : memref<1x1x1x8x128xf32, #tpu.memory_space<hbm>> -> memref<8x128xf32, #tpu.memory_space<hbm>>
        %dma_wait3A_839 = arith.constant 0 : i32
        %dma_wait3A_840 = arith.constant 0 : i32
        %dma_wait3A_841 = tpu.memref_slice %arg5[%div3A_828, %dma_wait3A_831, %rem3A_830, %dma_wait3A_839, %dma_wait3A_840] : memref<200x8x8x8x128xf32, #tpu.memory_space<hbm>> -> memref<1x1x1x8x128xf32, #tpu.memory_space<hbm>>
        %dma_wait3A_842 = tpu.memref_squeeze %dma_wait3A_841 : memref<1x1x1x8x128xf32, #tpu.memory_space<hbm>> -> memref<8x128xf32, #tpu.memory_space<hbm>>
        %dma_wait3A_843 = arith.constant 40 : i32
        %dma_wait3A_844 = arith.constant 0 : i32
        %dma_wait3A_845 = tpu.memref_slice %arg10[%dma_wait3A_843, %dma_wait3A_844] : memref<64x129xf32, #tpu.memory_space<vmem>> -> memref<8x128xf32, #tpu.memory_space<vmem>>
        tpu.wait_dma2 semaphore(%arg14 : memref<!tpu.dma_semaphore, #tpu.memory_space<semaphore_mem>>) src(%dma_wait3A_845 : memref<8x128xf32, #tpu.memory_space<vmem>>) dst(%dma_wait3A_842 : memref<8x128xf32, #tpu.memory_space<hbm>>)
        %div3A_846 = arith.constant 8 : i32
        %div3A_847 = arith.divsi %sub3A_731, %div3A_846 : i32
        %rem3A_848 = arith.constant 8 : i32
        %rem3A_849 = arith.remsi %sub3A_731, %rem3A_848 : i32
        %dma_wait3A_850 = arith.constant 6 : i32
        %dma_wait3A_851 = arith.constant 48 : i32
        %dma_wait3A_852 = arith.constant 0 : i32
        %dma_wait3A_853 = tpu.memref_slice %arg10[%dma_wait3A_851, %dma_wait3A_852] : memref<64x129xf32, #tpu.memory_space<vmem>> -> memref<8x128xf32, #tpu.memory_space<vmem>>
        %dma_wait3A_854 = arith.constant 0 : i32
        %dma_wait3A_855 = arith.constant 0 : i32
        %dma_wait3A_856 = tpu.memref_slice %arg5[%div3A_847, %dma_wait3A_850, %rem3A_849, %dma_wait3A_854, %dma_wait3A_855] : memref<200x8x8x8x128xf32, #tpu.memory_space<hbm>> -> memref<1x1x1x8x128xf32, #tpu.memory_space<hbm>>
        %dma_wait3A_857 = tpu.memref_squeeze %dma_wait3A_856 : memref<1x1x1x8x128xf32, #tpu.memory_space<hbm>> -> memref<8x128xf32, #tpu.memory_space<hbm>>
        %dma_wait3A_858 = arith.constant 0 : i32
        %dma_wait3A_859 = arith.constant 0 : i32
        %dma_wait3A_860 = tpu.memref_slice %arg5[%div3A_847, %dma_wait3A_850, %rem3A_849, %dma_wait3A_858, %dma_wait3A_859] : memref<200x8x8x8x128xf32, #tpu.memory_space<hbm>> -> memref<1x1x1x8x128xf32, #tpu.memory_space<hbm>>
        %dma_wait3A_861 = tpu.memref_squeeze %dma_wait3A_860 : memref<1x1x1x8x128xf32, #tpu.memory_space<hbm>> -> memref<8x128xf32, #tpu.memory_space<hbm>>
        %dma_wait3A_862 = arith.constant 48 : i32
        %dma_wait3A_863 = arith.constant 0 : i32
        %dma_wait3A_864 = tpu.memref_slice %arg10[%dma_wait3A_862, %dma_wait3A_863] : memref<64x129xf32, #tpu.memory_space<vmem>> -> memref<8x128xf32, #tpu.memory_space<vmem>>
        tpu.wait_dma2 semaphore(%arg14 : memref<!tpu.dma_semaphore, #tpu.memory_space<semaphore_mem>>) src(%dma_wait3A_864 : memref<8x128xf32, #tpu.memory_space<vmem>>) dst(%dma_wait3A_861 : memref<8x128xf32, #tpu.memory_space<hbm>>)
        %div3A_865 = arith.constant 8 : i32
        %div3A_866 = arith.divsi %sub3A_731, %div3A_865 : i32
        %rem3A_867 = arith.constant 8 : i32
        %rem3A_868 = arith.remsi %sub3A_731, %rem3A_867 : i32
        %dma_wait3A_869 = arith.constant 7 : i32
        %dma_wait3A_870 = arith.constant 56 : i32
        %dma_wait3A_871 = arith.constant 0 : i32
        %dma_wait3A_872 = tpu.memref_slice %arg10[%dma_wait3A_870, %dma_wait3A_871] : memref<64x129xf32, #tpu.memory_space<vmem>> -> memref<8x128xf32, #tpu.memory_space<vmem>>
        %dma_wait3A_873 = arith.constant 0 : i32
        %dma_wait3A_874 = arith.constant 0 : i32
        %dma_wait3A_875 = tpu.memref_slice %arg5[%div3A_866, %dma_wait3A_869, %rem3A_868, %dma_wait3A_873, %dma_wait3A_874] : memref<200x8x8x8x128xf32, #tpu.memory_space<hbm>> -> memref<1x1x1x8x128xf32, #tpu.memory_space<hbm>>
        %dma_wait3A_876 = tpu.memref_squeeze %dma_wait3A_875 : memref<1x1x1x8x128xf32, #tpu.memory_space<hbm>> -> memref<8x128xf32, #tpu.memory_space<hbm>>
        %dma_wait3A_877 = arith.constant 0 : i32
        %dma_wait3A_878 = arith.constant 0 : i32
        %dma_wait3A_879 = tpu.memref_slice %arg5[%div3A_866, %dma_wait3A_869, %rem3A_868, %dma_wait3A_877, %dma_wait3A_878] : memref<200x8x8x8x128xf32, #tpu.memory_space<hbm>> -> memref<1x1x1x8x128xf32, #tpu.memory_space<hbm>>
        %dma_wait3A_880 = tpu.memref_squeeze %dma_wait3A_879 : memref<1x1x1x8x128xf32, #tpu.memory_space<hbm>> -> memref<8x128xf32, #tpu.memory_space<hbm>>
        %dma_wait3A_881 = arith.constant 56 : i32
        %dma_wait3A_882 = arith.constant 0 : i32
        %dma_wait3A_883 = tpu.memref_slice %arg10[%dma_wait3A_881, %dma_wait3A_882] : memref<64x129xf32, #tpu.memory_space<vmem>> -> memref<8x128xf32, #tpu.memory_space<vmem>>
        tpu.wait_dma2 semaphore(%arg14 : memref<!tpu.dma_semaphore, #tpu.memory_space<semaphore_mem>>) src(%dma_wait3A_883 : memref<8x128xf32, #tpu.memory_space<vmem>>) dst(%dma_wait3A_880 : memref<8x128xf32, #tpu.memory_space<hbm>>)
      } else {
      }
      %div3A_344 = arith.constant 8 : i32
      %div3A_345 = arith.divsi %add3A_327, %div3A_344 : i32
      %get3A = arith.index_cast %div3A_345 : i32 to index
      %get3A_346 = arith.constant 0 : index
      %get3A_347 = tpu.vector_load %arg7[%get3A, %get3A_346] {strides = array<i32>} : memref<200x64xf32, #tpu.memory_space<vmem>>, vector<16xf32>,
      %get3A_348 = arith.index_cast %div3A_345 : i32 to index
      %get3A_349 = arith.constant 16 : index
      %get3A_350 = tpu.vector_load %arg7[%get3A_348, %get3A_349] {strides = array<i32>} : memref<200x64xf32, #tpu.memory_space<vmem>>, vector<16xf32>,
      %get3A_351 = arith.index_cast %div3A_345 : i32 to index
      %get3A_352 = arith.constant 32 : index
      %get3A_353 = tpu.vector_load %arg7[%get3A_351, %get3A_352] {strides = array<i32>} : memref<200x64xf32, #tpu.memory_space<vmem>>, vector<16xf32>,
      %get3A_354 = arith.index_cast %div3A_345 : i32 to index
      %get3A_355 = arith.constant 48 : index
      %get3A_356 = tpu.vector_load %arg7[%get3A_354, %get3A_355] {strides = array<i32>} : memref<200x64xf32, #tpu.memory_space<vmem>>, vector<16xf32>,
      %add3A_357 = arith.constant 0 : i32
      %add3A_358 = vector.broadcast %add3A_357 : i32 to vector<16xi32>
      %add3A_359 = arith.addi %iota3A, %add3A_358 : vector<16xi32>
      %add3A_360 = arith.constant 16 : i32
      %add3A_361 = vector.broadcast %add3A_360 : i32 to vector<16xi32>
      %add3A_362 = arith.addi %iota3A, %add3A_361 : vector<16xi32>
      %add3A_363 = arith.constant 32 : i32
      %add3A_364 = vector.broadcast %add3A_363 : i32 to vector<16xi32>
      %add3A_365 = arith.addi %iota3A, %add3A_364 : vector<16xi32>
      %add3A_366 = arith.constant 48 : i32
      %add3A_367 = vector.broadcast %add3A_366 : i32 to vector<16xi32>
      %add3A_368 = arith.addi %iota3A, %add3A_367 : vector<16xi32>
      %sub3A_369 = arith.subi %iota3A, %iota3A : vector<16xi32>
      %parallel_loop3A = arith.constant 0 : i32
      %parallel_loop3A_370 = arith.constant 128 : i32
      %parallel_loop3A_371 = arith.constant 1 : i32
      scf.for %parallel_loop3A_730 = %parallel_loop3A to %parallel_loop3A_370 step %parallel_loop3A_371  : i32 {
        %parallel_loop3A_731 = arith.index_cast %parallel_loop3A_730 : i32 to index
        %parallel_loop3A_732 = arith.constant 0 : index
        %parallel_loop3A_733 = tpu.vector_load %arg8[%parallel_loop3A_731, %parallel_loop3A_732] {strides = array<i32>} : memref<128x64xf32, #tpu.memory_space<vmem>>, vector<16xf32>,
        %parallel_loop3A_734 = arith.addf %parallel_loop3A_733, %get3A_347 : vector<16xf32>
        %parallel_loop3A_735 = vector.broadcast %parallel_loop3A_730 : i32 to vector<16xi32>
        %parallel_loop3A_736 = arith.addi %sub3A_369, %parallel_loop3A_735 : vector<16xi32>
        tpu.vector_store_idx %arg10[%add3A_359, %parallel_loop3A_736], %parallel_loop3A_734 : memref<64x129xf32, #tpu.memory_space<vmem>>[vector<16xi32>, vector<16xi32>], vector<16xf32>,
        %parallel_loop3A_737 = arith.index_cast %parallel_loop3A_730 : i32 to index
        %parallel_loop3A_738 = arith.constant 16 : index
        %parallel_loop3A_739 = tpu.vector_load %arg8[%parallel_loop3A_737, %parallel_loop3A_738] {strides = array<i32>} : memref<128x64xf32, #tpu.memory_space<vmem>>, vector<16xf32>,
        %parallel_loop3A_740 = arith.addf %parallel_loop3A_739, %get3A_350 : vector<16xf32>
        %parallel_loop3A_741 = vector.broadcast %parallel_loop3A_730 : i32 to vector<16xi32>
        %parallel_loop3A_742 = arith.addi %sub3A_369, %parallel_loop3A_741 : vector<16xi32>
        tpu.vector_store_idx %arg10[%add3A_362, %parallel_loop3A_742], %parallel_loop3A_740 : memref<64x129xf32, #tpu.memory_space<vmem>>[vector<16xi32>, vector<16xi32>], vector<16xf32>,
        %parallel_loop3A_743 = arith.index_cast %parallel_loop3A_730 : i32 to index
        %parallel_loop3A_744 = arith.constant 32 : index
        %parallel_loop3A_745 = tpu.vector_load %arg8[%parallel_loop3A_743, %parallel_loop3A_744] {strides = array<i32>} : memref<128x64xf32, #tpu.memory_space<vmem>>, vector<16xf32>,
        %parallel_loop3A_746 = arith.addf %parallel_loop3A_745, %get3A_353 : vector<16xf32>
        %parallel_loop3A_747 = vector.broadcast %parallel_loop3A_730 : i32 to vector<16xi32>
        %parallel_loop3A_748 = arith.addi %sub3A_369, %parallel_loop3A_747 : vector<16xi32>
        tpu.vector_store_idx %arg10[%add3A_365, %parallel_loop3A_748], %parallel_loop3A_746 : memref<64x129xf32, #tpu.memory_space<vmem>>[vector<16xi32>, vector<16xi32>], vector<16xf32>,
        %parallel_loop3A_749 = arith.index_cast %parallel_loop3A_730 : i32 to index
        %parallel_loop3A_750 = arith.constant 48 : index
        %parallel_loop3A_751 = tpu.vector_load %arg8[%parallel_loop3A_749, %parallel_loop3A_750] {strides = array<i32>} : memref<128x64xf32, #tpu.memory_space<vmem>>, vector<16xf32>,
        %parallel_loop3A_752 = arith.addf %parallel_loop3A_751, %get3A_356 : vector<16xf32>
        %parallel_loop3A_753 = vector.broadcast %parallel_loop3A_730 : i32 to vector<16xi32>
        %parallel_loop3A_754 = arith.addi %sub3A_369, %parallel_loop3A_753 : vector<16xi32>
        tpu.vector_store_idx %arg10[%add3A_368, %parallel_loop3A_754], %parallel_loop3A_752 : memref<64x129xf32, #tpu.memory_space<vmem>>[vector<16xi32>, vector<16xi32>], vector<16xf32>,
      } {sc.loop_unroll_factor = 16 : i64, sc.parallel_access}
      %div3A_372 = arith.constant 8 : i32
      %div3A_373 = arith.divsi %add3A_327, %div3A_372 : i32
      %rem3A_374 = arith.constant 8 : i32
      %rem3A_375 = arith.remsi %add3A_327, %rem3A_374 : i32
      %dma_start3A_376 = arith.constant 0 : i32
      %dma_start3A_377 = arith.constant 0 : i32
      %dma_start3A_378 = arith.constant 0 : i32
      %dma_start3A_379 = tpu.memref_slice %arg10[%dma_start3A_377, %dma_start3A_378] : memref<64x129xf32, #tpu.memory_space<vmem>> -> memref<8x128xf32, #tpu.memory_space<vmem>>
      %dma_start3A_380 = arith.constant 0 : i32
      %dma_start3A_381 = arith.constant 0 : i32
      %dma_start3A_382 = tpu.memref_slice %arg5[%div3A_373, %dma_start3A_376, %rem3A_375, %dma_start3A_380, %dma_start3A_381] : memref<200x8x8x8x128xf32, #tpu.memory_space<hbm>> -> memref<1x1x1x8x128xf32, #tpu.memory_space<hbm>>
      %dma_start3A_383 = tpu.memref_squeeze %dma_start3A_382 : memref<1x1x1x8x128xf32, #tpu.memory_space<hbm>> -> memref<8x128xf32, #tpu.memory_space<hbm>>
      %dma_start3A_384 = arith.constant 0 : i32
      %dma_start3A_385 = arith.constant 0 : i32
      %dma_start3A_386 = tpu.memref_slice %arg5[%div3A_373, %dma_start3A_376, %rem3A_375, %dma_start3A_384, %dma_start3A_385] : memref<200x8x8x8x128xf32, #tpu.memory_space<hbm>> -> memref<1x1x1x8x128xf32, #tpu.memory_space<hbm>>
      %dma_start3A_387 = tpu.memref_squeeze %dma_start3A_386 : memref<1x1x1x8x128xf32, #tpu.memory_space<hbm>> -> memref<8x128xf32, #tpu.memory_space<hbm>>
      %dma_start3A_388 = arith.constant 0 : i32
      %dma_start3A_389 = arith.constant 0 : i32
      %dma_start3A_390 = tpu.memref_slice %arg10[%dma_start3A_388, %dma_start3A_389] : memref<64x129xf32, #tpu.memory_space<vmem>> -> memref<8x128xf32, #tpu.memory_space<vmem>>
      tpu.enqueue_dma source(%dma_start3A_390 : memref<8x128xf32, #tpu.memory_space<vmem>>) target(%dma_start3A_387 : memref<8x128xf32, #tpu.memory_space<hbm>>) target_semaphore(%arg14 : memref<!tpu.dma_semaphore, #tpu.memory_space<semaphore_mem>>)
      %div3A_391 = arith.constant 8 : i32
      %div3A_392 = arith.divsi %add3A_327, %div3A_391 : i32
      %rem3A_393 = arith.constant 8 : i32
      %rem3A_394 = arith.remsi %add3A_327, %rem3A_393 : i32
      %dma_start3A_395 = arith.constant 1 : i32
      %dma_start3A_396 = arith.constant 8 : i32
      %dma_start3A_397 = arith.constant 0 : i32
      %dma_start3A_398 = tpu.memref_slice %arg10[%dma_start3A_396, %dma_start3A_397] : memref<64x129xf32, #tpu.memory_space<vmem>> -> memref<8x128xf32, #tpu.memory_space<vmem>>
      %dma_start3A_399 = arith.constant 0 : i32
      %dma_start3A_400 = arith.constant 0 : i32
      %dma_start3A_401 = tpu.memref_slice %arg5[%div3A_392, %dma_start3A_395, %rem3A_394, %dma_start3A_399, %dma_start3A_400] : memref<200x8x8x8x128xf32, #tpu.memory_space<hbm>> -> memref<1x1x1x8x128xf32, #tpu.memory_space<hbm>>
      %dma_start3A_402 = tpu.memref_squeeze %dma_start3A_401 : memref<1x1x1x8x128xf32, #tpu.memory_space<hbm>> -> memref<8x128xf32, #tpu.memory_space<hbm>>
      %dma_start3A_403 = arith.constant 0 : i32
      %dma_start3A_404 = arith.constant 0 : i32
      %dma_start3A_405 = tpu.memref_slice %arg5[%div3A_392, %dma_start3A_395, %rem3A_394, %dma_start3A_403, %dma_start3A_404] : memref<200x8x8x8x128xf32, #tpu.memory_space<hbm>> -> memref<1x1x1x8x128xf32, #tpu.memory_space<hbm>>
      %dma_start3A_406 = tpu.memref_squeeze %dma_start3A_405 : memref<1x1x1x8x128xf32, #tpu.memory_space<hbm>> -> memref<8x128xf32, #tpu.memory_space<hbm>>
      %dma_start3A_407 = arith.constant 8 : i32
      %dma_start3A_408 = arith.constant 0 : i32
      %dma_start3A_409 = tpu.memref_slice %arg10[%dma_start3A_407, %dma_start3A_408] : memref<64x129xf32, #tpu.memory_space<vmem>> -> memref<8x128xf32, #tpu.memory_space<vmem>>
      tpu.enqueue_dma source(%dma_start3A_409 : memref<8x128xf32, #tpu.memory_space<vmem>>) target(%dma_start3A_406 : memref<8x128xf32, #tpu.memory_space<hbm>>) target_semaphore(%arg14 : memref<!tpu.dma_semaphore, #tpu.memory_space<semaphore_mem>>)
      %div3A_410 = arith.constant 8 : i32
      %div3A_411 = arith.divsi %add3A_327, %div3A_410 : i32
      %rem3A_412 = arith.constant 8 : i32
      %rem3A_413 = arith.remsi %add3A_327, %rem3A_412 : i32
      %dma_start3A_414 = arith.constant 2 : i32
      %dma_start3A_415 = arith.constant 16 : i32
      %dma_start3A_416 = arith.constant 0 : i32
      %dma_start3A_417 = tpu.memref_slice %arg10[%dma_start3A_415, %dma_start3A_416] : memref<64x129xf32, #tpu.memory_space<vmem>> -> memref<8x128xf32, #tpu.memory_space<vmem>>
      %dma_start3A_418 = arith.constant 0 : i32
      %dma_start3A_419 = arith.constant 0 : i32
      %dma_start3A_420 = tpu.memref_slice %arg5[%div3A_411, %dma_start3A_414, %rem3A_413, %dma_start3A_418, %dma_start3A_419] : memref<200x8x8x8x128xf32, #tpu.memory_space<hbm>> -> memref<1x1x1x8x128xf32, #tpu.memory_space<hbm>>
      %dma_start3A_421 = tpu.memref_squeeze %dma_start3A_420 : memref<1x1x1x8x128xf32, #tpu.memory_space<hbm>> -> memref<8x128xf32, #tpu.memory_space<hbm>>
      %dma_start3A_422 = arith.constant 0 : i32
      %dma_start3A_423 = arith.constant 0 : i32
      %dma_start3A_424 = tpu.memref_slice %arg5[%div3A_411, %dma_start3A_414, %rem3A_413, %dma_start3A_422, %dma_start3A_423] : memref<200x8x8x8x128xf32, #tpu.memory_space<hbm>> -> memref<1x1x1x8x128xf32, #tpu.memory_space<hbm>>
      %dma_start3A_425 = tpu.memref_squeeze %dma_start3A_424 : memref<1x1x1x8x128xf32, #tpu.memory_space<hbm>> -> memref<8x128xf32, #tpu.memory_space<hbm>>
      %dma_start3A_426 = arith.constant 16 : i32
      %dma_start3A_427 = arith.constant 0 : i32
      %dma_start3A_428 = tpu.memref_slice %arg10[%dma_start3A_426, %dma_start3A_427] : memref<64x129xf32, #tpu.memory_space<vmem>> -> memref<8x128xf32, #tpu.memory_space<vmem>>
      tpu.enqueue_dma source(%dma_start3A_428 : memref<8x128xf32, #tpu.memory_space<vmem>>) target(%dma_start3A_425 : memref<8x128xf32, #tpu.memory_space<hbm>>) target_semaphore(%arg14 : memref<!tpu.dma_semaphore, #tpu.memory_space<semaphore_mem>>)
      %div3A_429 = arith.constant 8 : i32
      %div3A_430 = arith.divsi %add3A_327, %div3A_429 : i32
      %rem3A_431 = arith.constant 8 : i32
      %rem3A_432 = arith.remsi %add3A_327, %rem3A_431 : i32
      %dma_start3A_433 = arith.constant 3 : i32
      %dma_start3A_434 = arith.constant 24 : i32
      %dma_start3A_435 = arith.constant 0 : i32
      %dma_start3A_436 = tpu.memref_slice %arg10[%dma_start3A_434, %dma_start3A_435] : memref<64x129xf32, #tpu.memory_space<vmem>> -> memref<8x128xf32, #tpu.memory_space<vmem>>
      %dma_start3A_437 = arith.constant 0 : i32
      %dma_start3A_438 = arith.constant 0 : i32
      %dma_start3A_439 = tpu.memref_slice %arg5[%div3A_430, %dma_start3A_433, %rem3A_432, %dma_start3A_437, %dma_start3A_438] : memref<200x8x8x8x128xf32, #tpu.memory_space<hbm>> -> memref<1x1x1x8x128xf32, #tpu.memory_space<hbm>>
      %dma_start3A_440 = tpu.memref_squeeze %dma_start3A_439 : memref<1x1x1x8x128xf32, #tpu.memory_space<hbm>> -> memref<8x128xf32, #tpu.memory_space<hbm>>
      %dma_start3A_441 = arith.constant 0 : i32
      %dma_start3A_442 = arith.constant 0 : i32
      %dma_start3A_443 = tpu.memref_slice %arg5[%div3A_430, %dma_start3A_433, %rem3A_432, %dma_start3A_441, %dma_start3A_442] : memref<200x8x8x8x128xf32, #tpu.memory_space<hbm>> -> memref<1x1x1x8x128xf32, #tpu.memory_space<hbm>>
      %dma_start3A_444 = tpu.memref_squeeze %dma_start3A_443 : memref<1x1x1x8x128xf32, #tpu.memory_space<hbm>> -> memref<8x128xf32, #tpu.memory_space<hbm>>
      %dma_start3A_445 = arith.constant 24 : i32
      %dma_start3A_446 = arith.constant 0 : i32
      %dma_start3A_447 = tpu.memref_slice %arg10[%dma_start3A_445, %dma_start3A_446] : memref<64x129xf32, #tpu.memory_space<vmem>> -> memref<8x128xf32, #tpu.memory_space<vmem>>
      tpu.enqueue_dma source(%dma_start3A_447 : memref<8x128xf32, #tpu.memory_space<vmem>>) target(%dma_start3A_444 : memref<8x128xf32, #tpu.memory_space<hbm>>) target_semaphore(%arg14 : memref<!tpu.dma_semaphore, #tpu.memory_space<semaphore_mem>>)
      %div3A_448 = arith.constant 8 : i32
      %div3A_449 = arith.divsi %add3A_327, %div3A_448 : i32
      %rem3A_450 = arith.constant 8 : i32
      %rem3A_451 = arith.remsi %add3A_327, %rem3A_450 : i32
      %dma_start3A_452 = arith.constant 4 : i32
      %dma_start3A_453 = arith.constant 32 : i32
      %dma_start3A_454 = arith.constant 0 : i32
      %dma_start3A_455 = tpu.memref_slice %arg10[%dma_start3A_453, %dma_start3A_454] : memref<64x129xf32, #tpu.memory_space<vmem>> -> memref<8x128xf32, #tpu.memory_space<vmem>>
      %dma_start3A_456 = arith.constant 0 : i32
      %dma_start3A_457 = arith.constant 0 : i32
      %dma_start3A_458 = tpu.memref_slice %arg5[%div3A_449, %dma_start3A_452, %rem3A_451, %dma_start3A_456, %dma_start3A_457] : memref<200x8x8x8x128xf32, #tpu.memory_space<hbm>> -> memref<1x1x1x8x128xf32, #tpu.memory_space<hbm>>
      %dma_start3A_459 = tpu.memref_squeeze %dma_start3A_458 : memref<1x1x1x8x128xf32, #tpu.memory_space<hbm>> -> memref<8x128xf32, #tpu.memory_space<hbm>>
      %dma_start3A_460 = arith.constant 0 : i32
      %dma_start3A_461 = arith.constant 0 : i32
      %dma_start3A_462 = tpu.memref_slice %arg5[%div3A_449, %dma_start3A_452, %rem3A_451, %dma_start3A_460, %dma_start3A_461] : memref<200x8x8x8x128xf32, #tpu.memory_space<hbm>> -> memref<1x1x1x8x128xf32, #tpu.memory_space<hbm>>
      %dma_start3A_463 = tpu.memref_squeeze %dma_start3A_462 : memref<1x1x1x8x128xf32, #tpu.memory_space<hbm>> -> memref<8x128xf32, #tpu.memory_space<hbm>>
      %dma_start3A_464 = arith.constant 32 : i32
      %dma_start3A_465 = arith.constant 0 : i32
      %dma_start3A_466 = tpu.memref_slice %arg10[%dma_start3A_464, %dma_start3A_465] : memref<64x129xf32, #tpu.memory_space<vmem>> -> memref<8x128xf32, #tpu.memory_space<vmem>>
      tpu.enqueue_dma source(%dma_start3A_466 : memref<8x128xf32, #tpu.memory_space<vmem>>) target(%dma_start3A_463 : memref<8x128xf32, #tpu.memory_space<hbm>>) target_semaphore(%arg14 : memref<!tpu.dma_semaphore, #tpu.memory_space<semaphore_mem>>)
      %div3A_467 = arith.constant 8 : i32
      %div3A_468 = arith.divsi %add3A_327, %div3A_467 : i32
      %rem3A_469 = arith.constant 8 : i32
      %rem3A_470 = arith.remsi %add3A_327, %rem3A_469 : i32
      %dma_start3A_471 = arith.constant 5 : i32
      %dma_start3A_472 = arith.constant 40 : i32
      %dma_start3A_473 = arith.constant 0 : i32
      %dma_start3A_474 = tpu.memref_slice %arg10[%dma_start3A_472, %dma_start3A_473] : memref<64x129xf32, #tpu.memory_space<vmem>> -> memref<8x128xf32, #tpu.memory_space<vmem>>
      %dma_start3A_475 = arith.constant 0 : i32
      %dma_start3A_476 = arith.constant 0 : i32
      %dma_start3A_477 = tpu.memref_slice %arg5[%div3A_468, %dma_start3A_471, %rem3A_470, %dma_start3A_475, %dma_start3A_476] : memref<200x8x8x8x128xf32, #tpu.memory_space<hbm>> -> memref<1x1x1x8x128xf32, #tpu.memory_space<hbm>>
      %dma_start3A_478 = tpu.memref_squeeze %dma_start3A_477 : memref<1x1x1x8x128xf32, #tpu.memory_space<hbm>> -> memref<8x128xf32, #tpu.memory_space<hbm>>
      %dma_start3A_479 = arith.constant 0 : i32
      %dma_start3A_480 = arith.constant 0 : i32
      %dma_start3A_481 = tpu.memref_slice %arg5[%div3A_468, %dma_start3A_471, %rem3A_470, %dma_start3A_479, %dma_start3A_480] : memref<200x8x8x8x128xf32, #tpu.memory_space<hbm>> -> memref<1x1x1x8x128xf32, #tpu.memory_space<hbm>>
      %dma_start3A_482 = tpu.memref_squeeze %dma_start3A_481 : memref<1x1x1x8x128xf32, #tpu.memory_space<hbm>> -> memref<8x128xf32, #tpu.memory_space<hbm>>
      %dma_start3A_483 = arith.constant 40 : i32
      %dma_start3A_484 = arith.constant 0 : i32
      %dma_start3A_485 = tpu.memref_slice %arg10[%dma_start3A_483, %dma_start3A_484] : memref<64x129xf32, #tpu.memory_space<vmem>> -> memref<8x128xf32, #tpu.memory_space<vmem>>
      tpu.enqueue_dma source(%dma_start3A_485 : memref<8x128xf32, #tpu.memory_space<vmem>>) target(%dma_start3A_482 : memref<8x128xf32, #tpu.memory_space<hbm>>) target_semaphore(%arg14 : memref<!tpu.dma_semaphore, #tpu.memory_space<semaphore_mem>>)
      %div3A_486 = arith.constant 8 : i32
      %div3A_487 = arith.divsi %add3A_327, %div3A_486 : i32
      %rem3A_488 = arith.constant 8 : i32
      %rem3A_489 = arith.remsi %add3A_327, %rem3A_488 : i32
      %dma_start3A_490 = arith.constant 6 : i32
      %dma_start3A_491 = arith.constant 48 : i32
      %dma_start3A_492 = arith.constant 0 : i32
      %dma_start3A_493 = tpu.memref_slice %arg10[%dma_start3A_491, %dma_start3A_492] : memref<64x129xf32, #tpu.memory_space<vmem>> -> memref<8x128xf32, #tpu.memory_space<vmem>>
      %dma_start3A_494 = arith.constant 0 : i32
      %dma_start3A_495 = arith.constant 0 : i32
      %dma_start3A_496 = tpu.memref_slice %arg5[%div3A_487, %dma_start3A_490, %rem3A_489, %dma_start3A_494, %dma_start3A_495] : memref<200x8x8x8x128xf32, #tpu.memory_space<hbm>> -> memref<1x1x1x8x128xf32, #tpu.memory_space<hbm>>
      %dma_start3A_497 = tpu.memref_squeeze %dma_start3A_496 : memref<1x1x1x8x128xf32, #tpu.memory_space<hbm>> -> memref<8x128xf32, #tpu.memory_space<hbm>>
      %dma_start3A_498 = arith.constant 0 : i32
      %dma_start3A_499 = arith.constant 0 : i32
      %dma_start3A_500 = tpu.memref_slice %arg5[%div3A_487, %dma_start3A_490, %rem3A_489, %dma_start3A_498, %dma_start3A_499] : memref<200x8x8x8x128xf32, #tpu.memory_space<hbm>> -> memref<1x1x1x8x128xf32, #tpu.memory_space<hbm>>
      %dma_start3A_501 = tpu.memref_squeeze %dma_start3A_500 : memref<1x1x1x8x128xf32, #tpu.memory_space<hbm>> -> memref<8x128xf32, #tpu.memory_space<hbm>>
      %dma_start3A_502 = arith.constant 48 : i32
      %dma_start3A_503 = arith.constant 0 : i32
      %dma_start3A_504 = tpu.memref_slice %arg10[%dma_start3A_502, %dma_start3A_503] : memref<64x129xf32, #tpu.memory_space<vmem>> -> memref<8x128xf32, #tpu.memory_space<vmem>>
      tpu.enqueue_dma source(%dma_start3A_504 : memref<8x128xf32, #tpu.memory_space<vmem>>) target(%dma_start3A_501 : memref<8x128xf32, #tpu.memory_space<hbm>>) target_semaphore(%arg14 : memref<!tpu.dma_semaphore, #tpu.memory_space<semaphore_mem>>)
      %div3A_505 = arith.constant 8 : i32
      %div3A_506 = arith.divsi %add3A_327, %div3A_505 : i32
      %rem3A_507 = arith.constant 8 : i32
      %rem3A_508 = arith.remsi %add3A_327, %rem3A_507 : i32
      %dma_start3A_509 = arith.constant 7 : i32
      %dma_start3A_510 = arith.constant 56 : i32
      %dma_start3A_511 = arith.constant 0 : i32
      %dma_start3A_512 = tpu.memref_slice %arg10[%dma_start3A_510, %dma_start3A_511] : memref<64x129xf32, #tpu.memory_space<vmem>> -> memref<8x128xf32, #tpu.memory_space<vmem>>
      %dma_start3A_513 = arith.constant 0 : i32
      %dma_start3A_514 = arith.constant 0 : i32
      %dma_start3A_515 = tpu.memref_slice %arg5[%div3A_506, %dma_start3A_509, %rem3A_508, %dma_start3A_513, %dma_start3A_514] : memref<200x8x8x8x128xf32, #tpu.memory_space<hbm>> -> memref<1x1x1x8x128xf32, #tpu.memory_space<hbm>>
      %dma_start3A_516 = tpu.memref_squeeze %dma_start3A_515 : memref<1x1x1x8x128xf32, #tpu.memory_space<hbm>> -> memref<8x128xf32, #tpu.memory_space<hbm>>
      %dma_start3A_517 = arith.constant 0 : i32
      %dma_start3A_518 = arith.constant 0 : i32
      %dma_start3A_519 = tpu.memref_slice %arg5[%div3A_506, %dma_start3A_509, %rem3A_508, %dma_start3A_517, %dma_start3A_518] : memref<200x8x8x8x128xf32, #tpu.memory_space<hbm>> -> memref<1x1x1x8x128xf32, #tpu.memory_space<hbm>>
      %dma_start3A_520 = tpu.memref_squeeze %dma_start3A_519 : memref<1x1x1x8x128xf32, #tpu.memory_space<hbm>> -> memref<8x128xf32, #tpu.memory_space<hbm>>
      %dma_start3A_521 = arith.constant 56 : i32
      %dma_start3A_522 = arith.constant 0 : i32
      %dma_start3A_523 = tpu.memref_slice %arg10[%dma_start3A_521, %dma_start3A_522] : memref<64x129xf32, #tpu.memory_space<vmem>> -> memref<8x128xf32, #tpu.memory_space<vmem>>
      tpu.enqueue_dma source(%dma_start3A_523 : memref<8x128xf32, #tpu.memory_space<vmem>>) target(%dma_start3A_520 : memref<8x128xf32, #tpu.memory_space<hbm>>) target_semaphore(%arg14 : memref<!tpu.dma_semaphore, #tpu.memory_space<semaphore_mem>>)
      %add3A_524 = arith.constant 1 : i32
      %add3A_525 = arith.addi %scan3A_323, %add3A_524 : i32
      %lt3A = arith.constant 25 : i32
      %lt3A_526 = arith.cmpi slt, %add3A_525, %lt3A : i32
      %convert_element_type3A_527 = arith.extui %lt3A_526 : i1 to i32
      %cond3A_528 = arith.constant 0 : i32
      %cond3A_529 = arith.cmpi ne, %convert_element_type3A_527, %cond3A_528 : i32
      scf.if %cond3A_529 {
        %add3A_730 = arith.constant 2 : i32
        %add3A_731 = arith.addi %mul3A_326, %add3A_730 : i32
        %dma_start3A_732 = arith.constant 0 : i32
        %dma_start3A_733 = tpu.memref_slice %arg6[%add3A_731, %dma_start3A_732] : memref<50x128xi32, #tpu.memory_space<vmem>> -> memref<1x128xi32, #tpu.memory_space<vmem>>
        %dma_start3A_734 = tpu.memref_squeeze %dma_start3A_733 : memref<1x128xi32, #tpu.memory_space<vmem>> -> memref<128xi32, #tpu.memory_space<vmem>>
        %dma_start3A_735 = arith.constant 0 : i32
        %dma_start3A_736 = arith.constant 0 : i32
        %dma_start3A_737 = tpu.memref_slice %arg3[%dma_start3A_735, %dma_start3A_736] : memref<200000x64xf32, #tpu.memory_space<hbm>> -> memref<200000x64xf32, #tpu.memory_space<hbm>>
        tpu.enqueue_indirect_dma source(%dma_start3A_737 : memref<200000x64xf32, #tpu.memory_space<hbm>>) target(%arg8 : memref<128x64xf32, #tpu.memory_space<vmem>>) offsets(%dma_start3A_734 : memref<128xi32, #tpu.memory_space<vmem>>) semaphore(%arg12 : memref<!tpu.dma_semaphore, #tpu.memory_space<semaphore_mem>>)
      } else {
      }
      %add3A_530 = arith.constant 1 : i32
      %add3A_531 = arith.addi %mul3A_326, %add3A_530 : i32
      %dma_wait3A_532 = arith.constant 0 : i32
      %dma_wait3A_533 = tpu.memref_slice %arg6[%add3A_531, %dma_wait3A_532] : memref<50x128xi32, #tpu.memory_space<vmem>> -> memref<1x128xi32, #tpu.memory_space<vmem>>
      %dma_wait3A_534 = tpu.memref_squeeze %dma_wait3A_533 : memref<1x128xi32, #tpu.memory_space<vmem>> -> memref<128xi32, #tpu.memory_space<vmem>>
      %dma_wait3A_535 = arith.constant 0 : i32
      %dma_wait3A_536 = arith.constant 0 : i32
      %dma_wait3A_537 = tpu.memref_slice %arg3[%dma_wait3A_535, %dma_wait3A_536] : memref<200000x64xf32, #tpu.memory_space<hbm>> -> memref<200000x64xf32, #tpu.memory_space<hbm>>
      tpu.wait_indirect_dma semaphore(%arg13 : memref<!tpu.dma_semaphore, #tpu.memory_space<semaphore_mem>>) src(%dma_wait3A_537 : memref<200000x64xf32, #tpu.memory_space<hbm>>) dst(%arg9 : memref<128x64xf32, #tpu.memory_space<vmem>>)
      %gt3A_538 = arith.constant 0 : i32
      %gt3A_539 = arith.cmpi sgt, %scan3A_323, %gt3A_538 : i32
      %convert_element_type3A_540 = arith.extui %gt3A_539 : i1 to i32
      %cond3A_541 = arith.constant 0 : i32
      %cond3A_542 = arith.cmpi ne, %convert_element_type3A_540, %cond3A_541 : i32
      scf.if %cond3A_542 {
        %sub3A_730 = arith.constant 1 : i32
        %sub3A_731 = arith.subi %add3A_327, %sub3A_730 : i32
        %div3A_732 = arith.constant 8 : i32
        %div3A_733 = arith.divsi %sub3A_731, %div3A_732 : i32
        %rem3A_734 = arith.constant 8 : i32
        %rem3A_735 = arith.remsi %sub3A_731, %rem3A_734 : i32
        %dma_wait3A_736 = arith.constant 0 : i32
        %dma_wait3A_737 = arith.constant 0 : i32
        %dma_wait3A_738 = arith.constant 0 : i32
        %dma_wait3A_739 = tpu.memref_slice %arg11[%dma_wait3A_737, %dma_wait3A_738] : memref<64x129xf32, #tpu.memory_space<vmem>> -> memref<8x128xf32, #tpu.memory_space<vmem>>
        %dma_wait3A_740 = arith.constant 0 : i32
        %dma_wait3A_741 = arith.constant 0 : i32
        %dma_wait3A_742 = tpu.memref_slice %arg5[%div3A_733, %dma_wait3A_736, %rem3A_735, %dma_wait3A_740, %dma_wait3A_741] : memref<200x8x8x8x128xf32, #tpu.memory_space<hbm>> -> memref<1x1x1x8x128xf32, #tpu.memory_space<hbm>>
        %dma_wait3A_743 = tpu.memref_squeeze %dma_wait3A_742 : memref<1x1x1x8x128xf32, #tpu.memory_space<hbm>> -> memref<8x128xf32, #tpu.memory_space<hbm>>
        %dma_wait3A_744 = arith.constant 0 : i32
        %dma_wait3A_745 = arith.constant 0 : i32
        %dma_wait3A_746 = tpu.memref_slice %arg5[%div3A_733, %dma_wait3A_736, %rem3A_735, %dma_wait3A_744, %dma_wait3A_745] : memref<200x8x8x8x128xf32, #tpu.memory_space<hbm>> -> memref<1x1x1x8x128xf32, #tpu.memory_space<hbm>>
        %dma_wait3A_747 = tpu.memref_squeeze %dma_wait3A_746 : memref<1x1x1x8x128xf32, #tpu.memory_space<hbm>> -> memref<8x128xf32, #tpu.memory_space<hbm>>
        %dma_wait3A_748 = arith.constant 0 : i32
        %dma_wait3A_749 = arith.constant 0 : i32
        %dma_wait3A_750 = tpu.memref_slice %arg11[%dma_wait3A_748, %dma_wait3A_749] : memref<64x129xf32, #tpu.memory_space<vmem>> -> memref<8x128xf32, #tpu.memory_space<vmem>>
        tpu.wait_dma2 semaphore(%arg15 : memref<!tpu.dma_semaphore, #tpu.memory_space<semaphore_mem>>) src(%dma_wait3A_750 : memref<8x128xf32, #tpu.memory_space<vmem>>) dst(%dma_wait3A_747 : memref<8x128xf32, #tpu.memory_space<hbm>>)
        %div3A_751 = arith.constant 8 : i32
        %div3A_752 = arith.divsi %sub3A_731, %div3A_751 : i32
        %rem3A_753 = arith.constant 8 : i32
        %rem3A_754 = arith.remsi %sub3A_731, %rem3A_753 : i32
        %dma_wait3A_755 = arith.constant 1 : i32
        %dma_wait3A_756 = arith.constant 8 : i32
        %dma_wait3A_757 = arith.constant 0 : i32
        %dma_wait3A_758 = tpu.memref_slice %arg11[%dma_wait3A_756, %dma_wait3A_757] : memref<64x129xf32, #tpu.memory_space<vmem>> -> memref<8x128xf32, #tpu.memory_space<vmem>>
        %dma_wait3A_759 = arith.constant 0 : i32
        %dma_wait3A_760 = arith.constant 0 : i32
        %dma_wait3A_761 = tpu.memref_slice %arg5[%div3A_752, %dma_wait3A_755, %rem3A_754, %dma_wait3A_759, %dma_wait3A_760] : memref<200x8x8x8x128xf32, #tpu.memory_space<hbm>> -> memref<1x1x1x8x128xf32, #tpu.memory_space<hbm>>
        %dma_wait3A_762 = tpu.memref_squeeze %dma_wait3A_761 : memref<1x1x1x8x128xf32, #tpu.memory_space<hbm>> -> memref<8x128xf32, #tpu.memory_space<hbm>>
        %dma_wait3A_763 = arith.constant 0 : i32
        %dma_wait3A_764 = arith.constant 0 : i32
        %dma_wait3A_765 = tpu.memref_slice %arg5[%div3A_752, %dma_wait3A_755, %rem3A_754, %dma_wait3A_763, %dma_wait3A_764] : memref<200x8x8x8x128xf32, #tpu.memory_space<hbm>> -> memref<1x1x1x8x128xf32, #tpu.memory_space<hbm>>
        %dma_wait3A_766 = tpu.memref_squeeze %dma_wait3A_765 : memref<1x1x1x8x128xf32, #tpu.memory_space<hbm>> -> memref<8x128xf32, #tpu.memory_space<hbm>>
        %dma_wait3A_767 = arith.constant 8 : i32
        %dma_wait3A_768 = arith.constant 0 : i32
        %dma_wait3A_769 = tpu.memref_slice %arg11[%dma_wait3A_767, %dma_wait3A_768] : memref<64x129xf32, #tpu.memory_space<vmem>> -> memref<8x128xf32, #tpu.memory_space<vmem>>
        tpu.wait_dma2 semaphore(%arg15 : memref<!tpu.dma_semaphore, #tpu.memory_space<semaphore_mem>>) src(%dma_wait3A_769 : memref<8x128xf32, #tpu.memory_space<vmem>>) dst(%dma_wait3A_766 : memref<8x128xf32, #tpu.memory_space<hbm>>)
        %div3A_770 = arith.constant 8 : i32
        %div3A_771 = arith.divsi %sub3A_731, %div3A_770 : i32
        %rem3A_772 = arith.constant 8 : i32
        %rem3A_773 = arith.remsi %sub3A_731, %rem3A_772 : i32
        %dma_wait3A_774 = arith.constant 2 : i32
        %dma_wait3A_775 = arith.constant 16 : i32
        %dma_wait3A_776 = arith.constant 0 : i32
        %dma_wait3A_777 = tpu.memref_slice %arg11[%dma_wait3A_775, %dma_wait3A_776] : memref<64x129xf32, #tpu.memory_space<vmem>> -> memref<8x128xf32, #tpu.memory_space<vmem>>
        %dma_wait3A_778 = arith.constant 0 : i32
        %dma_wait3A_779 = arith.constant 0 : i32
        %dma_wait3A_780 = tpu.memref_slice %arg5[%div3A_771, %dma_wait3A_774, %rem3A_773, %dma_wait3A_778, %dma_wait3A_779] : memref<200x8x8x8x128xf32, #tpu.memory_space<hbm>> -> memref<1x1x1x8x128xf32, #tpu.memory_space<hbm>>
        %dma_wait3A_781 = tpu.memref_squeeze %dma_wait3A_780 : memref<1x1x1x8x128xf32, #tpu.memory_space<hbm>> -> memref<8x128xf32, #tpu.memory_space<hbm>>
        %dma_wait3A_782 = arith.constant 0 : i32
        %dma_wait3A_783 = arith.constant 0 : i32
        %dma_wait3A_784 = tpu.memref_slice %arg5[%div3A_771, %dma_wait3A_774, %rem3A_773, %dma_wait3A_782, %dma_wait3A_783] : memref<200x8x8x8x128xf32, #tpu.memory_space<hbm>> -> memref<1x1x1x8x128xf32, #tpu.memory_space<hbm>>
        %dma_wait3A_785 = tpu.memref_squeeze %dma_wait3A_784 : memref<1x1x1x8x128xf32, #tpu.memory_space<hbm>> -> memref<8x128xf32, #tpu.memory_space<hbm>>
        %dma_wait3A_786 = arith.constant 16 : i32
        %dma_wait3A_787 = arith.constant 0 : i32
        %dma_wait3A_788 = tpu.memref_slice %arg11[%dma_wait3A_786, %dma_wait3A_787] : memref<64x129xf32, #tpu.memory_space<vmem>> -> memref<8x128xf32, #tpu.memory_space<vmem>>
        tpu.wait_dma2 semaphore(%arg15 : memref<!tpu.dma_semaphore, #tpu.memory_space<semaphore_mem>>) src(%dma_wait3A_788 : memref<8x128xf32, #tpu.memory_space<vmem>>) dst(%dma_wait3A_785 : memref<8x128xf32, #tpu.memory_space<hbm>>)
        %div3A_789 = arith.constant 8 : i32
        %div3A_790 = arith.divsi %sub3A_731, %div3A_789 : i32
        %rem3A_791 = arith.constant 8 : i32
        %rem3A_792 = arith.remsi %sub3A_731, %rem3A_791 : i32
        %dma_wait3A_793 = arith.constant 3 : i32
        %dma_wait3A_794 = arith.constant 24 : i32
        %dma_wait3A_795 = arith.constant 0 : i32
        %dma_wait3A_796 = tpu.memref_slice %arg11[%dma_wait3A_794, %dma_wait3A_795] : memref<64x129xf32, #tpu.memory_space<vmem>> -> memref<8x128xf32, #tpu.memory_space<vmem>>
        %dma_wait3A_797 = arith.constant 0 : i32
        %dma_wait3A_798 = arith.constant 0 : i32
        %dma_wait3A_799 = tpu.memref_slice %arg5[%div3A_790, %dma_wait3A_793, %rem3A_792, %dma_wait3A_797, %dma_wait3A_798] : memref<200x8x8x8x128xf32, #tpu.memory_space<hbm>> -> memref<1x1x1x8x128xf32, #tpu.memory_space<hbm>>
        %dma_wait3A_800 = tpu.memref_squeeze %dma_wait3A_799 : memref<1x1x1x8x128xf32, #tpu.memory_space<hbm>> -> memref<8x128xf32, #tpu.memory_space<hbm>>
        %dma_wait3A_801 = arith.constant 0 : i32
        %dma_wait3A_802 = arith.constant 0 : i32
        %dma_wait3A_803 = tpu.memref_slice %arg5[%div3A_790, %dma_wait3A_793, %rem3A_792, %dma_wait3A_801, %dma_wait3A_802] : memref<200x8x8x8x128xf32, #tpu.memory_space<hbm>> -> memref<1x1x1x8x128xf32, #tpu.memory_space<hbm>>
        %dma_wait3A_804 = tpu.memref_squeeze %dma_wait3A_803 : memref<1x1x1x8x128xf32, #tpu.memory_space<hbm>> -> memref<8x128xf32, #tpu.memory_space<hbm>>
        %dma_wait3A_805 = arith.constant 24 : i32
        %dma_wait3A_806 = arith.constant 0 : i32
        %dma_wait3A_807 = tpu.memref_slice %arg11[%dma_wait3A_805, %dma_wait3A_806] : memref<64x129xf32, #tpu.memory_space<vmem>> -> memref<8x128xf32, #tpu.memory_space<vmem>>
        tpu.wait_dma2 semaphore(%arg15 : memref<!tpu.dma_semaphore, #tpu.memory_space<semaphore_mem>>) src(%dma_wait3A_807 : memref<8x128xf32, #tpu.memory_space<vmem>>) dst(%dma_wait3A_804 : memref<8x128xf32, #tpu.memory_space<hbm>>)
        %div3A_808 = arith.constant 8 : i32
        %div3A_809 = arith.divsi %sub3A_731, %div3A_808 : i32
        %rem3A_810 = arith.constant 8 : i32
        %rem3A_811 = arith.remsi %sub3A_731, %rem3A_810 : i32
        %dma_wait3A_812 = arith.constant 4 : i32
        %dma_wait3A_813 = arith.constant 32 : i32
        %dma_wait3A_814 = arith.constant 0 : i32
        %dma_wait3A_815 = tpu.memref_slice %arg11[%dma_wait3A_813, %dma_wait3A_814] : memref<64x129xf32, #tpu.memory_space<vmem>> -> memref<8x128xf32, #tpu.memory_space<vmem>>
        %dma_wait3A_816 = arith.constant 0 : i32
        %dma_wait3A_817 = arith.constant 0 : i32
        %dma_wait3A_818 = tpu.memref_slice %arg5[%div3A_809, %dma_wait3A_812, %rem3A_811, %dma_wait3A_816, %dma_wait3A_817] : memref<200x8x8x8x128xf32, #tpu.memory_space<hbm>> -> memref<1x1x1x8x128xf32, #tpu.memory_space<hbm>>
        %dma_wait3A_819 = tpu.memref_squeeze %dma_wait3A_818 : memref<1x1x1x8x128xf32, #tpu.memory_space<hbm>> -> memref<8x128xf32, #tpu.memory_space<hbm>>
        %dma_wait3A_820 = arith.constant 0 : i32
        %dma_wait3A_821 = arith.constant 0 : i32
        %dma_wait3A_822 = tpu.memref_slice %arg5[%div3A_809, %dma_wait3A_812, %rem3A_811, %dma_wait3A_820, %dma_wait3A_821] : memref<200x8x8x8x128xf32, #tpu.memory_space<hbm>> -> memref<1x1x1x8x128xf32, #tpu.memory_space<hbm>>
        %dma_wait3A_823 = tpu.memref_squeeze %dma_wait3A_822 : memref<1x1x1x8x128xf32, #tpu.memory_space<hbm>> -> memref<8x128xf32, #tpu.memory_space<hbm>>
        %dma_wait3A_824 = arith.constant 32 : i32
        %dma_wait3A_825 = arith.constant 0 : i32
        %dma_wait3A_826 = tpu.memref_slice %arg11[%dma_wait3A_824, %dma_wait3A_825] : memref<64x129xf32, #tpu.memory_space<vmem>> -> memref<8x128xf32, #tpu.memory_space<vmem>>
        tpu.wait_dma2 semaphore(%arg15 : memref<!tpu.dma_semaphore, #tpu.memory_space<semaphore_mem>>) src(%dma_wait3A_826 : memref<8x128xf32, #tpu.memory_space<vmem>>) dst(%dma_wait3A_823 : memref<8x128xf32, #tpu.memory_space<hbm>>)
        %div3A_827 = arith.constant 8 : i32
        %div3A_828 = arith.divsi %sub3A_731, %div3A_827 : i32
        %rem3A_829 = arith.constant 8 : i32
        %rem3A_830 = arith.remsi %sub3A_731, %rem3A_829 : i32
        %dma_wait3A_831 = arith.constant 5 : i32
        %dma_wait3A_832 = arith.constant 40 : i32
        %dma_wait3A_833 = arith.constant 0 : i32
        %dma_wait3A_834 = tpu.memref_slice %arg11[%dma_wait3A_832, %dma_wait3A_833] : memref<64x129xf32, #tpu.memory_space<vmem>> -> memref<8x128xf32, #tpu.memory_space<vmem>>
        %dma_wait3A_835 = arith.constant 0 : i32
        %dma_wait3A_836 = arith.constant 0 : i32
        %dma_wait3A_837 = tpu.memref_slice %arg5[%div3A_828, %dma_wait3A_831, %rem3A_830, %dma_wait3A_835, %dma_wait3A_836] : memref<200x8x8x8x128xf32, #tpu.memory_space<hbm>> -> memref<1x1x1x8x128xf32, #tpu.memory_space<hbm>>
        %dma_wait3A_838 = tpu.memref_squeeze %dma_wait3A_837 : memref<1x1x1x8x128xf32, #tpu.memory_space<hbm>> -> memref<8x128xf32, #tpu.memory_space<hbm>>
        %dma_wait3A_839 = arith.constant 0 : i32
        %dma_wait3A_840 = arith.constant 0 : i32
        %dma_wait3A_841 = tpu.memref_slice %arg5[%div3A_828, %dma_wait3A_831, %rem3A_830, %dma_wait3A_839, %dma_wait3A_840] : memref<200x8x8x8x128xf32, #tpu.memory_space<hbm>> -> memref<1x1x1x8x128xf32, #tpu.memory_space<hbm>>
        %dma_wait3A_842 = tpu.memref_squeeze %dma_wait3A_841 : memref<1x1x1x8x128xf32, #tpu.memory_space<hbm>> -> memref<8x128xf32, #tpu.memory_space<hbm>>
        %dma_wait3A_843 = arith.constant 40 : i32
        %dma_wait3A_844 = arith.constant 0 : i32
        %dma_wait3A_845 = tpu.memref_slice %arg11[%dma_wait3A_843, %dma_wait3A_844] : memref<64x129xf32, #tpu.memory_space<vmem>> -> memref<8x128xf32, #tpu.memory_space<vmem>>
        tpu.wait_dma2 semaphore(%arg15 : memref<!tpu.dma_semaphore, #tpu.memory_space<semaphore_mem>>) src(%dma_wait3A_845 : memref<8x128xf32, #tpu.memory_space<vmem>>) dst(%dma_wait3A_842 : memref<8x128xf32, #tpu.memory_space<hbm>>)
        %div3A_846 = arith.constant 8 : i32
        %div3A_847 = arith.divsi %sub3A_731, %div3A_846 : i32
        %rem3A_848 = arith.constant 8 : i32
        %rem3A_849 = arith.remsi %sub3A_731, %rem3A_848 : i32
        %dma_wait3A_850 = arith.constant 6 : i32
        %dma_wait3A_851 = arith.constant 48 : i32
        %dma_wait3A_852 = arith.constant 0 : i32
        %dma_wait3A_853 = tpu.memref_slice %arg11[%dma_wait3A_851, %dma_wait3A_852] : memref<64x129xf32, #tpu.memory_space<vmem>> -> memref<8x128xf32, #tpu.memory_space<vmem>>
        %dma_wait3A_854 = arith.constant 0 : i32
        %dma_wait3A_855 = arith.constant 0 : i32
        %dma_wait3A_856 = tpu.memref_slice %arg5[%div3A_847, %dma_wait3A_850, %rem3A_849, %dma_wait3A_854, %dma_wait3A_855] : memref<200x8x8x8x128xf32, #tpu.memory_space<hbm>> -> memref<1x1x1x8x128xf32, #tpu.memory_space<hbm>>
        %dma_wait3A_857 = tpu.memref_squeeze %dma_wait3A_856 : memref<1x1x1x8x128xf32, #tpu.memory_space<hbm>> -> memref<8x128xf32, #tpu.memory_space<hbm>>
        %dma_wait3A_858 = arith.constant 0 : i32
        %dma_wait3A_859 = arith.constant 0 : i32
        %dma_wait3A_860 = tpu.memref_slice %arg5[%div3A_847, %dma_wait3A_850, %rem3A_849, %dma_wait3A_858, %dma_wait3A_859] : memref<200x8x8x8x128xf32, #tpu.memory_space<hbm>> -> memref<1x1x1x8x128xf32, #tpu.memory_space<hbm>>
        %dma_wait3A_861 = tpu.memref_squeeze %dma_wait3A_860 : memref<1x1x1x8x128xf32, #tpu.memory_space<hbm>> -> memref<8x128xf32, #tpu.memory_space<hbm>>
        %dma_wait3A_862 = arith.constant 48 : i32
        %dma_wait3A_863 = arith.constant 0 : i32
        %dma_wait3A_864 = tpu.memref_slice %arg11[%dma_wait3A_862, %dma_wait3A_863] : memref<64x129xf32, #tpu.memory_space<vmem>> -> memref<8x128xf32, #tpu.memory_space<vmem>>
        tpu.wait_dma2 semaphore(%arg15 : memref<!tpu.dma_semaphore, #tpu.memory_space<semaphore_mem>>) src(%dma_wait3A_864 : memref<8x128xf32, #tpu.memory_space<vmem>>) dst(%dma_wait3A_861 : memref<8x128xf32, #tpu.memory_space<hbm>>)
        %div3A_865 = arith.constant 8 : i32
        %div3A_866 = arith.divsi %sub3A_731, %div3A_865 : i32
        %rem3A_867 = arith.constant 8 : i32
        %rem3A_868 = arith.remsi %sub3A_731, %rem3A_867 : i32
        %dma_wait3A_869 = arith.constant 7 : i32
        %dma_wait3A_870 = arith.constant 56 : i32
        %dma_wait3A_871 = arith.constant 0 : i32
        %dma_wait3A_872 = tpu.memref_slice %arg11[%dma_wait3A_870, %dma_wait3A_871] : memref<64x129xf32, #tpu.memory_space<vmem>> -> memref<8x128xf32, #tpu.memory_space<vmem>>
        %dma_wait3A_873 = arith.constant 0 : i32
        %dma_wait3A_874 = arith.constant 0 : i32
        %dma_wait3A_875 = tpu.memref_slice %arg5[%div3A_866, %dma_wait3A_869, %rem3A_868, %dma_wait3A_873, %dma_wait3A_874] : memref<200x8x8x8x128xf32, #tpu.memory_space<hbm>> -> memref<1x1x1x8x128xf32, #tpu.memory_space<hbm>>
        %dma_wait3A_876 = tpu.memref_squeeze %dma_wait3A_875 : memref<1x1x1x8x128xf32, #tpu.memory_space<hbm>> -> memref<8x128xf32, #tpu.memory_space<hbm>>
        %dma_wait3A_877 = arith.constant 0 : i32
        %dma_wait3A_878 = arith.constant 0 : i32
        %dma_wait3A_879 = tpu.memref_slice %arg5[%div3A_866, %dma_wait3A_869, %rem3A_868, %dma_wait3A_877, %dma_wait3A_878] : memref<200x8x8x8x128xf32, #tpu.memory_space<hbm>> -> memref<1x1x1x8x128xf32, #tpu.memory_space<hbm>>
        %dma_wait3A_880 = tpu.memref_squeeze %dma_wait3A_879 : memref<1x1x1x8x128xf32, #tpu.memory_space<hbm>> -> memref<8x128xf32, #tpu.memory_space<hbm>>
        %dma_wait3A_881 = arith.constant 56 : i32
        %dma_wait3A_882 = arith.constant 0 : i32
        %dma_wait3A_883 = tpu.memref_slice %arg11[%dma_wait3A_881, %dma_wait3A_882] : memref<64x129xf32, #tpu.memory_space<vmem>> -> memref<8x128xf32, #tpu.memory_space<vmem>>
        tpu.wait_dma2 semaphore(%arg15 : memref<!tpu.dma_semaphore, #tpu.memory_space<semaphore_mem>>) src(%dma_wait3A_883 : memref<8x128xf32, #tpu.memory_space<vmem>>) dst(%dma_wait3A_880 : memref<8x128xf32, #tpu.memory_space<hbm>>)
      } else {
      }
      %add3A_543 = arith.constant 1 : i32
      %add3A_544 = arith.addi %add3A_327, %add3A_543 : i32
      %div3A_545 = arith.constant 8 : i32
      %div3A_546 = arith.divsi %add3A_544, %div3A_545 : i32
      %get3A_547 = arith.index_cast %div3A_546 : i32 to index
      %get3A_548 = arith.constant 0 : index
      %get3A_549 = tpu.vector_load %arg7[%get3A_547, %get3A_548] {strides = array<i32>} : memref<200x64xf32, #tpu.memory_space<vmem>>, vector<16xf32>,
      %get3A_550 = arith.index_cast %div3A_546 : i32 to index
      %get3A_551 = arith.constant 16 : index
      %get3A_552 = tpu.vector_load %arg7[%get3A_550, %get3A_551] {strides = array<i32>} : memref<200x64xf32, #tpu.memory_space<vmem>>, vector<16xf32>,
      %get3A_553 = arith.index_cast %div3A_546 : i32 to index
      %get3A_554 = arith.constant 32 : index
      %get3A_555 = tpu.vector_load %arg7[%get3A_553, %get3A_554] {strides = array<i32>} : memref<200x64xf32, #tpu.memory_space<vmem>>, vector<16xf32>,
      %get3A_556 = arith.index_cast %div3A_546 : i32 to index
      %get3A_557 = arith.constant 48 : index
      %get3A_558 = tpu.vector_load %arg7[%get3A_556, %get3A_557] {strides = array<i32>} : memref<200x64xf32, #tpu.memory_space<vmem>>, vector<16xf32>,
      %add3A_559 = arith.constant 0 : i32
      %add3A_560 = vector.broadcast %add3A_559 : i32 to vector<16xi32>
      %add3A_561 = arith.addi %iota3A, %add3A_560 : vector<16xi32>
      %add3A_562 = arith.constant 16 : i32
      %add3A_563 = vector.broadcast %add3A_562 : i32 to vector<16xi32>
      %add3A_564 = arith.addi %iota3A, %add3A_563 : vector<16xi32>
      %add3A_565 = arith.constant 32 : i32
      %add3A_566 = vector.broadcast %add3A_565 : i32 to vector<16xi32>
      %add3A_567 = arith.addi %iota3A, %add3A_566 : vector<16xi32>
      %add3A_568 = arith.constant 48 : i32
      %add3A_569 = vector.broadcast %add3A_568 : i32 to vector<16xi32>
      %add3A_570 = arith.addi %iota3A, %add3A_569 : vector<16xi32>
      %sub3A_571 = arith.subi %iota3A, %iota3A : vector<16xi32>
      %parallel_loop3A_572 = arith.constant 0 : i32
      %parallel_loop3A_573 = arith.constant 128 : i32
      %parallel_loop3A_574 = arith.constant 1 : i32
      scf.for %parallel_loop3A_730 = %parallel_loop3A_572 to %parallel_loop3A_573 step %parallel_loop3A_574  : i32 {
        %parallel_loop3A_731 = arith.index_cast %parallel_loop3A_730 : i32 to index
        %parallel_loop3A_732 = arith.constant 0 : index
        %parallel_loop3A_733 = tpu.vector_load %arg9[%parallel_loop3A_731, %parallel_loop3A_732] {strides = array<i32>} : memref<128x64xf32, #tpu.memory_space<vmem>>, vector<16xf32>,
        %parallel_loop3A_734 = arith.addf %parallel_loop3A_733, %get3A_549 : vector<16xf32>
        %parallel_loop3A_735 = vector.broadcast %parallel_loop3A_730 : i32 to vector<16xi32>
        %parallel_loop3A_736 = arith.addi %sub3A_571, %parallel_loop3A_735 : vector<16xi32>
        tpu.vector_store_idx %arg11[%add3A_561, %parallel_loop3A_736], %parallel_loop3A_734 : memref<64x129xf32, #tpu.memory_space<vmem>>[vector<16xi32>, vector<16xi32>], vector<16xf32>,
        %parallel_loop3A_737 = arith.index_cast %parallel_loop3A_730 : i32 to index
        %parallel_loop3A_738 = arith.constant 16 : index
        %parallel_loop3A_739 = tpu.vector_load %arg9[%parallel_loop3A_737, %parallel_loop3A_738] {strides = array<i32>} : memref<128x64xf32, #tpu.memory_space<vmem>>, vector<16xf32>,
        %parallel_loop3A_740 = arith.addf %parallel_loop3A_739, %get3A_552 : vector<16xf32>
        %parallel_loop3A_741 = vector.broadcast %parallel_loop3A_730 : i32 to vector<16xi32>
        %parallel_loop3A_742 = arith.addi %sub3A_571, %parallel_loop3A_741 : vector<16xi32>
        tpu.vector_store_idx %arg11[%add3A_564, %parallel_loop3A_742], %parallel_loop3A_740 : memref<64x129xf32, #tpu.memory_space<vmem>>[vector<16xi32>, vector<16xi32>], vector<16xf32>,
        %parallel_loop3A_743 = arith.index_cast %parallel_loop3A_730 : i32 to index
        %parallel_loop3A_744 = arith.constant 32 : index
        %parallel_loop3A_745 = tpu.vector_load %arg9[%parallel_loop3A_743, %parallel_loop3A_744] {strides = array<i32>} : memref<128x64xf32, #tpu.memory_space<vmem>>, vector<16xf32>,
        %parallel_loop3A_746 = arith.addf %parallel_loop3A_745, %get3A_555 : vector<16xf32>
        %parallel_loop3A_747 = vector.broadcast %parallel_loop3A_730 : i32 to vector<16xi32>
        %parallel_loop3A_748 = arith.addi %sub3A_571, %parallel_loop3A_747 : vector<16xi32>
        tpu.vector_store_idx %arg11[%add3A_567, %parallel_loop3A_748], %parallel_loop3A_746 : memref<64x129xf32, #tpu.memory_space<vmem>>[vector<16xi32>, vector<16xi32>], vector<16xf32>,
        %parallel_loop3A_749 = arith.index_cast %parallel_loop3A_730 : i32 to index
        %parallel_loop3A_750 = arith.constant 48 : index
        %parallel_loop3A_751 = tpu.vector_load %arg9[%parallel_loop3A_749, %parallel_loop3A_750] {strides = array<i32>} : memref<128x64xf32, #tpu.memory_space<vmem>>, vector<16xf32>,
        %parallel_loop3A_752 = arith.addf %parallel_loop3A_751, %get3A_558 : vector<16xf32>
        %parallel_loop3A_753 = vector.broadcast %parallel_loop3A_730 : i32 to vector<16xi32>
        %parallel_loop3A_754 = arith.addi %sub3A_571, %parallel_loop3A_753 : vector<16xi32>
        tpu.vector_store_idx %arg11[%add3A_570, %parallel_loop3A_754], %parallel_loop3A_752 : memref<64x129xf32, #tpu.memory_space<vmem>>[vector<16xi32>, vector<16xi32>], vector<16xf32>,
      } {sc.loop_unroll_factor = 16 : i64, sc.parallel_access}
      %add3A_575 = arith.constant 1 : i32
      %add3A_576 = arith.addi %add3A_327, %add3A_575 : i32
      %div3A_577 = arith.constant 8 : i32
      %div3A_578 = arith.divsi %add3A_576, %div3A_577 : i32
      %rem3A_579 = arith.constant 8 : i32
      %rem3A_580 = arith.remsi %add3A_576, %rem3A_579 : i32
      %dma_start3A_581 = arith.constant 0 : i32
      %dma_start3A_582 = arith.constant 0 : i32
      %dma_start3A_583 = arith.constant 0 : i32
      %dma_start3A_584 = tpu.memref_slice %arg11[%dma_start3A_582, %dma_start3A_583] : memref<64x129xf32, #tpu.memory_space<vmem>> -> memref<8x128xf32, #tpu.memory_space<vmem>>
      %dma_start3A_585 = arith.constant 0 : i32
      %dma_start3A_586 = arith.constant 0 : i32
      %dma_start3A_587 = tpu.memref_slice %arg5[%div3A_578, %dma_start3A_581, %rem3A_580, %dma_start3A_585, %dma_start3A_586] : memref<200x8x8x8x128xf32, #tpu.memory_space<hbm>> -> memref<1x1x1x8x128xf32, #tpu.memory_space<hbm>>
      %dma_start3A_588 = tpu.memref_squeeze %dma_start3A_587 : memref<1x1x1x8x128xf32, #tpu.memory_space<hbm>> -> memref<8x128xf32, #tpu.memory_space<hbm>>
      %dma_start3A_589 = arith.constant 0 : i32
      %dma_start3A_590 = arith.constant 0 : i32
      %dma_start3A_591 = tpu.memref_slice %arg5[%div3A_578, %dma_start3A_581, %rem3A_580, %dma_start3A_589, %dma_start3A_590] : memref<200x8x8x8x128xf32, #tpu.memory_space<hbm>> -> memref<1x1x1x8x128xf32, #tpu.memory_space<hbm>>
      %dma_start3A_592 = tpu.memref_squeeze %dma_start3A_591 : memref<1x1x1x8x128xf32, #tpu.memory_space<hbm>> -> memref<8x128xf32, #tpu.memory_space<hbm>>
      %dma_start3A_593 = arith.constant 0 : i32
      %dma_start3A_594 = arith.constant 0 : i32
      %dma_start3A_595 = tpu.memref_slice %arg11[%dma_start3A_593, %dma_start3A_594] : memref<64x129xf32, #tpu.memory_space<vmem>> -> memref<8x128xf32, #tpu.memory_space<vmem>>
      tpu.enqueue_dma source(%dma_start3A_595 : memref<8x128xf32, #tpu.memory_space<vmem>>) target(%dma_start3A_592 : memref<8x128xf32, #tpu.memory_space<hbm>>) target_semaphore(%arg15 : memref<!tpu.dma_semaphore, #tpu.memory_space<semaphore_mem>>)
      %div3A_596 = arith.constant 8 : i32
      %div3A_597 = arith.divsi %add3A_576, %div3A_596 : i32
      %rem3A_598 = arith.constant 8 : i32
      %rem3A_599 = arith.remsi %add3A_576, %rem3A_598 : i32
      %dma_start3A_600 = arith.constant 1 : i32
      %dma_start3A_601 = arith.constant 8 : i32
      %dma_start3A_602 = arith.constant 0 : i32
      %dma_start3A_603 = tpu.memref_slice %arg11[%dma_start3A_601, %dma_start3A_602] : memref<64x129xf32, #tpu.memory_space<vmem>> -> memref<8x128xf32, #tpu.memory_space<vmem>>
      %dma_start3A_604 = arith.constant 0 : i32
      %dma_start3A_605 = arith.constant 0 : i32
      %dma_start3A_606 = tpu.memref_slice %arg5[%div3A_597, %dma_start3A_600, %rem3A_599, %dma_start3A_604, %dma_start3A_605] : memref<200x8x8x8x128xf32, #tpu.memory_space<hbm>> -> memref<1x1x1x8x128xf32, #tpu.memory_space<hbm>>
      %dma_start3A_607 = tpu.memref_squeeze %dma_start3A_606 : memref<1x1x1x8x128xf32, #tpu.memory_space<hbm>> -> memref<8x128xf32, #tpu.memory_space<hbm>>
      %dma_start3A_608 = arith.constant 0 : i32
      %dma_start3A_609 = arith.constant 0 : i32
      %dma_start3A_610 = tpu.memref_slice %arg5[%div3A_597, %dma_start3A_600, %rem3A_599, %dma_start3A_608, %dma_start3A_609] : memref<200x8x8x8x128xf32, #tpu.memory_space<hbm>> -> memref<1x1x1x8x128xf32, #tpu.memory_space<hbm>>
      %dma_start3A_611 = tpu.memref_squeeze %dma_start3A_610 : memref<1x1x1x8x128xf32, #tpu.memory_space<hbm>> -> memref<8x128xf32, #tpu.memory_space<hbm>>
      %dma_start3A_612 = arith.constant 8 : i32
      %dma_start3A_613 = arith.constant 0 : i32
      %dma_start3A_614 = tpu.memref_slice %arg11[%dma_start3A_612, %dma_start3A_613] : memref<64x129xf32, #tpu.memory_space<vmem>> -> memref<8x128xf32, #tpu.memory_space<vmem>>
      tpu.enqueue_dma source(%dma_start3A_614 : memref<8x128xf32, #tpu.memory_space<vmem>>) target(%dma_start3A_611 : memref<8x128xf32, #tpu.memory_space<hbm>>) target_semaphore(%arg15 : memref<!tpu.dma_semaphore, #tpu.memory_space<semaphore_mem>>)
      %div3A_615 = arith.constant 8 : i32
      %div3A_616 = arith.divsi %add3A_576, %div3A_615 : i32
      %rem3A_617 = arith.constant 8 : i32
      %rem3A_618 = arith.remsi %add3A_576, %rem3A_617 : i32
      %dma_start3A_619 = arith.constant 2 : i32
      %dma_start3A_620 = arith.constant 16 : i32
      %dma_start3A_621 = arith.constant 0 : i32
      %dma_start3A_622 = tpu.memref_slice %arg11[%dma_start3A_620, %dma_start3A_621] : memref<64x129xf32, #tpu.memory_space<vmem>> -> memref<8x128xf32, #tpu.memory_space<vmem>>
      %dma_start3A_623 = arith.constant 0 : i32
      %dma_start3A_624 = arith.constant 0 : i32
      %dma_start3A_625 = tpu.memref_slice %arg5[%div3A_616, %dma_start3A_619, %rem3A_618, %dma_start3A_623, %dma_start3A_624] : memref<200x8x8x8x128xf32, #tpu.memory_space<hbm>> -> memref<1x1x1x8x128xf32, #tpu.memory_space<hbm>>
      %dma_start3A_626 = tpu.memref_squeeze %dma_start3A_625 : memref<1x1x1x8x128xf32, #tpu.memory_space<hbm>> -> memref<8x128xf32, #tpu.memory_space<hbm>>
      %dma_start3A_627 = arith.constant 0 : i32
      %dma_start3A_628 = arith.constant 0 : i32
      %dma_start3A_629 = tpu.memref_slice %arg5[%div3A_616, %dma_start3A_619, %rem3A_618, %dma_start3A_627, %dma_start3A_628] : memref<200x8x8x8x128xf32, #tpu.memory_space<hbm>> -> memref<1x1x1x8x128xf32, #tpu.memory_space<hbm>>
      %dma_start3A_630 = tpu.memref_squeeze %dma_start3A_629 : memref<1x1x1x8x128xf32, #tpu.memory_space<hbm>> -> memref<8x128xf32, #tpu.memory_space<hbm>>
      %dma_start3A_631 = arith.constant 16 : i32
      %dma_start3A_632 = arith.constant 0 : i32
      %dma_start3A_633 = tpu.memref_slice %arg11[%dma_start3A_631, %dma_start3A_632] : memref<64x129xf32, #tpu.memory_space<vmem>> -> memref<8x128xf32, #tpu.memory_space<vmem>>
      tpu.enqueue_dma source(%dma_start3A_633 : memref<8x128xf32, #tpu.memory_space<vmem>>) target(%dma_start3A_630 : memref<8x128xf32, #tpu.memory_space<hbm>>) target_semaphore(%arg15 : memref<!tpu.dma_semaphore, #tpu.memory_space<semaphore_mem>>)
      %div3A_634 = arith.constant 8 : i32
      %div3A_635 = arith.divsi %add3A_576, %div3A_634 : i32
      %rem3A_636 = arith.constant 8 : i32
      %rem3A_637 = arith.remsi %add3A_576, %rem3A_636 : i32
      %dma_start3A_638 = arith.constant 3 : i32
      %dma_start3A_639 = arith.constant 24 : i32
      %dma_start3A_640 = arith.constant 0 : i32
      %dma_start3A_641 = tpu.memref_slice %arg11[%dma_start3A_639, %dma_start3A_640] : memref<64x129xf32, #tpu.memory_space<vmem>> -> memref<8x128xf32, #tpu.memory_space<vmem>>
      %dma_start3A_642 = arith.constant 0 : i32
      %dma_start3A_643 = arith.constant 0 : i32
      %dma_start3A_644 = tpu.memref_slice %arg5[%div3A_635, %dma_start3A_638, %rem3A_637, %dma_start3A_642, %dma_start3A_643] : memref<200x8x8x8x128xf32, #tpu.memory_space<hbm>> -> memref<1x1x1x8x128xf32, #tpu.memory_space<hbm>>
      %dma_start3A_645 = tpu.memref_squeeze %dma_start3A_644 : memref<1x1x1x8x128xf32, #tpu.memory_space<hbm>> -> memref<8x128xf32, #tpu.memory_space<hbm>>
      %dma_start3A_646 = arith.constant 0 : i32
      %dma_start3A_647 = arith.constant 0 : i32
      %dma_start3A_648 = tpu.memref_slice %arg5[%div3A_635, %dma_start3A_638, %rem3A_637, %dma_start3A_646, %dma_start3A_647] : memref<200x8x8x8x128xf32, #tpu.memory_space<hbm>> -> memref<1x1x1x8x128xf32, #tpu.memory_space<hbm>>
      %dma_start3A_649 = tpu.memref_squeeze %dma_start3A_648 : memref<1x1x1x8x128xf32, #tpu.memory_space<hbm>> -> memref<8x128xf32, #tpu.memory_space<hbm>>
      %dma_start3A_650 = arith.constant 24 : i32
      %dma_start3A_651 = arith.constant 0 : i32
      %dma_start3A_652 = tpu.memref_slice %arg11[%dma_start3A_650, %dma_start3A_651] : memref<64x129xf32, #tpu.memory_space<vmem>> -> memref<8x128xf32, #tpu.memory_space<vmem>>
      tpu.enqueue_dma source(%dma_start3A_652 : memref<8x128xf32, #tpu.memory_space<vmem>>) target(%dma_start3A_649 : memref<8x128xf32, #tpu.memory_space<hbm>>) target_semaphore(%arg15 : memref<!tpu.dma_semaphore, #tpu.memory_space<semaphore_mem>>)
      %div3A_653 = arith.constant 8 : i32
      %div3A_654 = arith.divsi %add3A_576, %div3A_653 : i32
      %rem3A_655 = arith.constant 8 : i32
      %rem3A_656 = arith.remsi %add3A_576, %rem3A_655 : i32
      %dma_start3A_657 = arith.constant 4 : i32
      %dma_start3A_658 = arith.constant 32 : i32
      %dma_start3A_659 = arith.constant 0 : i32
      %dma_start3A_660 = tpu.memref_slice %arg11[%dma_start3A_658, %dma_start3A_659] : memref<64x129xf32, #tpu.memory_space<vmem>> -> memref<8x128xf32, #tpu.memory_space<vmem>>
      %dma_start3A_661 = arith.constant 0 : i32
      %dma_start3A_662 = arith.constant 0 : i32
      %dma_start3A_663 = tpu.memref_slice %arg5[%div3A_654, %dma_start3A_657, %rem3A_656, %dma_start3A_661, %dma_start3A_662] : memref<200x8x8x8x128xf32, #tpu.memory_space<hbm>> -> memref<1x1x1x8x128xf32, #tpu.memory_space<hbm>>
      %dma_start3A_664 = tpu.memref_squeeze %dma_start3A_663 : memref<1x1x1x8x128xf32, #tpu.memory_space<hbm>> -> memref<8x128xf32, #tpu.memory_space<hbm>>
      %dma_start3A_665 = arith.constant 0 : i32
      %dma_start3A_666 = arith.constant 0 : i32
      %dma_start3A_667 = tpu.memref_slice %arg5[%div3A_654, %dma_start3A_657, %rem3A_656, %dma_start3A_665, %dma_start3A_666] : memref<200x8x8x8x128xf32, #tpu.memory_space<hbm>> -> memref<1x1x1x8x128xf32, #tpu.memory_space<hbm>>
      %dma_start3A_668 = tpu.memref_squeeze %dma_start3A_667 : memref<1x1x1x8x128xf32, #tpu.memory_space<hbm>> -> memref<8x128xf32, #tpu.memory_space<hbm>>
      %dma_start3A_669 = arith.constant 32 : i32
      %dma_start3A_670 = arith.constant 0 : i32
      %dma_start3A_671 = tpu.memref_slice %arg11[%dma_start3A_669, %dma_start3A_670] : memref<64x129xf32, #tpu.memory_space<vmem>> -> memref<8x128xf32, #tpu.memory_space<vmem>>
      tpu.enqueue_dma source(%dma_start3A_671 : memref<8x128xf32, #tpu.memory_space<vmem>>) target(%dma_start3A_668 : memref<8x128xf32, #tpu.memory_space<hbm>>) target_semaphore(%arg15 : memref<!tpu.dma_semaphore, #tpu.memory_space<semaphore_mem>>)
      %div3A_672 = arith.constant 8 : i32
      %div3A_673 = arith.divsi %add3A_576, %div3A_672 : i32
      %rem3A_674 = arith.constant 8 : i32
      %rem3A_675 = arith.remsi %add3A_576, %rem3A_674 : i32
      %dma_start3A_676 = arith.constant 5 : i32
      %dma_start3A_677 = arith.constant 40 : i32
      %dma_start3A_678 = arith.constant 0 : i32
      %dma_start3A_679 = tpu.memref_slice %arg11[%dma_start3A_677, %dma_start3A_678] : memref<64x129xf32, #tpu.memory_space<vmem>> -> memref<8x128xf32, #tpu.memory_space<vmem>>
      %dma_start3A_680 = arith.constant 0 : i32
      %dma_start3A_681 = arith.constant 0 : i32
      %dma_start3A_682 = tpu.memref_slice %arg5[%div3A_673, %dma_start3A_676, %rem3A_675, %dma_start3A_680, %dma_start3A_681] : memref<200x8x8x8x128xf32, #tpu.memory_space<hbm>> -> memref<1x1x1x8x128xf32, #tpu.memory_space<hbm>>
      %dma_start3A_683 = tpu.memref_squeeze %dma_start3A_682 : memref<1x1x1x8x128xf32, #tpu.memory_space<hbm>> -> memref<8x128xf32, #tpu.memory_space<hbm>>
      %dma_start3A_684 = arith.constant 0 : i32
      %dma_start3A_685 = arith.constant 0 : i32
      %dma_start3A_686 = tpu.memref_slice %arg5[%div3A_673, %dma_start3A_676, %rem3A_675, %dma_start3A_684, %dma_start3A_685] : memref<200x8x8x8x128xf32, #tpu.memory_space<hbm>> -> memref<1x1x1x8x128xf32, #tpu.memory_space<hbm>>
      %dma_start3A_687 = tpu.memref_squeeze %dma_start3A_686 : memref<1x1x1x8x128xf32, #tpu.memory_space<hbm>> -> memref<8x128xf32, #tpu.memory_space<hbm>>
      %dma_start3A_688 = arith.constant 40 : i32
      %dma_start3A_689 = arith.constant 0 : i32
      %dma_start3A_690 = tpu.memref_slice %arg11[%dma_start3A_688, %dma_start3A_689] : memref<64x129xf32, #tpu.memory_space<vmem>> -> memref<8x128xf32, #tpu.memory_space<vmem>>
      tpu.enqueue_dma source(%dma_start3A_690 : memref<8x128xf32, #tpu.memory_space<vmem>>) target(%dma_start3A_687 : memref<8x128xf32, #tpu.memory_space<hbm>>) target_semaphore(%arg15 : memref<!tpu.dma_semaphore, #tpu.memory_space<semaphore_mem>>)
      %div3A_691 = arith.constant 8 : i32
      %div3A_692 = arith.divsi %add3A_576, %div3A_691 : i32
      %rem3A_693 = arith.constant 8 : i32
      %rem3A_694 = arith.remsi %add3A_576, %rem3A_693 : i32
      %dma_start3A_695 = arith.constant 6 : i32
      %dma_start3A_696 = arith.constant 48 : i32
      %dma_start3A_697 = arith.constant 0 : i32
      %dma_start3A_698 = tpu.memref_slice %arg11[%dma_start3A_696, %dma_start3A_697] : memref<64x129xf32, #tpu.memory_space<vmem>> -> memref<8x128xf32, #tpu.memory_space<vmem>>
      %dma_start3A_699 = arith.constant 0 : i32
      %dma_start3A_700 = arith.constant 0 : i32
      %dma_start3A_701 = tpu.memref_slice %arg5[%div3A_692, %dma_start3A_695, %rem3A_694, %dma_start3A_699, %dma_start3A_700] : memref<200x8x8x8x128xf32, #tpu.memory_space<hbm>> -> memref<1x1x1x8x128xf32, #tpu.memory_space<hbm>>
      %dma_start3A_702 = tpu.memref_squeeze %dma_start3A_701 : memref<1x1x1x8x128xf32, #tpu.memory_space<hbm>> -> memref<8x128xf32, #tpu.memory_space<hbm>>
      %dma_start3A_703 = arith.constant 0 : i32
      %dma_start3A_704 = arith.constant 0 : i32
      %dma_start3A_705 = tpu.memref_slice %arg5[%div3A_692, %dma_start3A_695, %rem3A_694, %dma_start3A_703, %dma_start3A_704] : memref<200x8x8x8x128xf32, #tpu.memory_space<hbm>> -> memref<1x1x1x8x128xf32, #tpu.memory_space<hbm>>
      %dma_start3A_706 = tpu.memref_squeeze %dma_start3A_705 : memref<1x1x1x8x128xf32, #tpu.memory_space<hbm>> -> memref<8x128xf32, #tpu.memory_space<hbm>>
      %dma_start3A_707 = arith.constant 48 : i32
      %dma_start3A_708 = arith.constant 0 : i32
      %dma_start3A_709 = tpu.memref_slice %arg11[%dma_start3A_707, %dma_start3A_708] : memref<64x129xf32, #tpu.memory_space<vmem>> -> memref<8x128xf32, #tpu.memory_space<vmem>>
      tpu.enqueue_dma source(%dma_start3A_709 : memref<8x128xf32, #tpu.memory_space<vmem>>) target(%dma_start3A_706 : memref<8x128xf32, #tpu.memory_space<hbm>>) target_semaphore(%arg15 : memref<!tpu.dma_semaphore, #tpu.memory_space<semaphore_mem>>)
      %div3A_710 = arith.constant 8 : i32
      %div3A_711 = arith.divsi %add3A_576, %div3A_710 : i32
      %rem3A_712 = arith.constant 8 : i32
      %rem3A_713 = arith.remsi %add3A_576, %rem3A_712 : i32
      %dma_start3A_714 = arith.constant 7 : i32
      %dma_start3A_715 = arith.constant 56 : i32
      %dma_start3A_716 = arith.constant 0 : i32
      %dma_start3A_717 = tpu.memref_slice %arg11[%dma_start3A_715, %dma_start3A_716] : memref<64x129xf32, #tpu.memory_space<vmem>> -> memref<8x128xf32, #tpu.memory_space<vmem>>
      %dma_start3A_718 = arith.constant 0 : i32
      %dma_start3A_719 = arith.constant 0 : i32
      %dma_start3A_720 = tpu.memref_slice %arg5[%div3A_711, %dma_start3A_714, %rem3A_713, %dma_start3A_718, %dma_start3A_719] : memref<200x8x8x8x128xf32, #tpu.memory_space<hbm>> -> memref<1x1x1x8x128xf32, #tpu.memory_space<hbm>>
      %dma_start3A_721 = tpu.memref_squeeze %dma_start3A_720 : memref<1x1x1x8x128xf32, #tpu.memory_space<hbm>> -> memref<8x128xf32, #tpu.memory_space<hbm>>
      %dma_start3A_722 = arith.constant 0 : i32
      %dma_start3A_723 = arith.constant 0 : i32
      %dma_start3A_724 = tpu.memref_slice %arg5[%div3A_711, %dma_start3A_714, %rem3A_713, %dma_start3A_722, %dma_start3A_723] : memref<200x8x8x8x128xf32, #tpu.memory_space<hbm>> -> memref<1x1x1x8x128xf32, #tpu.memory_space<hbm>>
      %dma_start3A_725 = tpu.memref_squeeze %dma_start3A_724 : memref<1x1x1x8x128xf32, #tpu.memory_space<hbm>> -> memref<8x128xf32, #tpu.memory_space<hbm>>
      %dma_start3A_726 = arith.constant 56 : i32
      %dma_start3A_727 = arith.constant 0 : i32
      %dma_start3A_728 = tpu.memref_slice %arg11[%dma_start3A_726, %dma_start3A_727] : memref<64x129xf32, #tpu.memory_space<vmem>> -> memref<8x128xf32, #tpu.memory_space<vmem>>
      tpu.enqueue_dma source(%dma_start3A_728 : memref<8x128xf32, #tpu.memory_space<vmem>>) target(%dma_start3A_725 : memref<8x128xf32, #tpu.memory_space<hbm>>) target_semaphore(%arg15 : memref<!tpu.dma_semaphore, #tpu.memory_space<semaphore_mem>>)
      %scan3A_729 = arith.constant 0 : i32
      scf.yield %scan3A_729 : i32
    }
    %scan3A_14 = arith.constant 25 : i32
    %add3A_15 = arith.constant 50 : i32
    %add3A_16 = arith.addi %mul3A_2, %add3A_15 : i32
    %sub3A = arith.constant 2 : i32
    %sub3A_17 = arith.subi %add3A_16, %sub3A : i32
    %div3A = arith.constant 8 : i32
    %div3A_18 = arith.divsi %sub3A_17, %div3A : i32
    %rem3A = arith.constant 8 : i32
    %rem3A_19 = arith.remsi %sub3A_17, %rem3A : i32
    %dma_wait3A = arith.constant 0 : i32
    %dma_wait3A_20 = arith.constant 0 : i32
    %dma_wait3A_21 = arith.constant 0 : i32
    %dma_wait3A_22 = tpu.memref_slice %arg10[%dma_wait3A_20, %dma_wait3A_21] : memref<64x129xf32, #tpu.memory_space<vmem>> -> memref<8x128xf32, #tpu.memory_space<vmem>>
    %dma_wait3A_23 = arith.constant 0 : i32
    %dma_wait3A_24 = arith.constant 0 : i32
    %dma_wait3A_25 = tpu.memref_slice %arg5[%div3A_18, %dma_wait3A, %rem3A_19, %dma_wait3A_23, %dma_wait3A_24] : memref<200x8x8x8x128xf32, #tpu.memory_space<hbm>> -> memref<1x1x1x8x128xf32, #tpu.memory_space<hbm>>
    %dma_wait3A_26 = tpu.memref_squeeze %dma_wait3A_25 : memref<1x1x1x8x128xf32, #tpu.memory_space<hbm>> -> memref<8x128xf32, #tpu.memory_space<hbm>>
    %dma_wait3A_27 = arith.constant 0 : i32
    %dma_wait3A_28 = arith.constant 0 : i32
    %dma_wait3A_29 = tpu.memref_slice %arg5[%div3A_18, %dma_wait3A, %rem3A_19, %dma_wait3A_27, %dma_wait3A_28] : memref<200x8x8x8x128xf32, #tpu.memory_space<hbm>> -> memref<1x1x1x8x128xf32, #tpu.memory_space<hbm>>
    %dma_wait3A_30 = tpu.memref_squeeze %dma_wait3A_29 : memref<1x1x1x8x128xf32, #tpu.memory_space<hbm>> -> memref<8x128xf32, #tpu.memory_space<hbm>>
    %dma_wait3A_31 = arith.constant 0 : i32
    %dma_wait3A_32 = arith.constant 0 : i32
    %dma_wait3A_33 = tpu.memref_slice %arg10[%dma_wait3A_31, %dma_wait3A_32] : memref<64x129xf32, #tpu.memory_space<vmem>> -> memref<8x128xf32, #tpu.memory_space<vmem>>
    tpu.wait_dma2 semaphore(%arg14 : memref<!tpu.dma_semaphore, #tpu.memory_space<semaphore_mem>>) src(%dma_wait3A_33 : memref<8x128xf32, #tpu.memory_space<vmem>>) dst(%dma_wait3A_30 : memref<8x128xf32, #tpu.memory_space<hbm>>)
    %div3A_34 = arith.constant 8 : i32
    %div3A_35 = arith.divsi %sub3A_17, %div3A_34 : i32
    %rem3A_36 = arith.constant 8 : i32
    %rem3A_37 = arith.remsi %sub3A_17, %rem3A_36 : i32
    %dma_wait3A_38 = arith.constant 1 : i32
    %dma_wait3A_39 = arith.constant 8 : i32
    %dma_wait3A_40 = arith.constant 0 : i32
    %dma_wait3A_41 = tpu.memref_slice %arg10[%dma_wait3A_39, %dma_wait3A_40] : memref<64x129xf32, #tpu.memory_space<vmem>> -> memref<8x128xf32, #tpu.memory_space<vmem>>
    %dma_wait3A_42 = arith.constant 0 : i32
    %dma_wait3A_43 = arith.constant 0 : i32
    %dma_wait3A_44 = tpu.memref_slice %arg5[%div3A_35, %dma_wait3A_38, %rem3A_37, %dma_wait3A_42, %dma_wait3A_43] : memref<200x8x8x8x128xf32, #tpu.memory_space<hbm>> -> memref<1x1x1x8x128xf32, #tpu.memory_space<hbm>>
    %dma_wait3A_45 = tpu.memref_squeeze %dma_wait3A_44 : memref<1x1x1x8x128xf32, #tpu.memory_space<hbm>> -> memref<8x128xf32, #tpu.memory_space<hbm>>
    %dma_wait3A_46 = arith.constant 0 : i32
    %dma_wait3A_47 = arith.constant 0 : i32
    %dma_wait3A_48 = tpu.memref_slice %arg5[%div3A_35, %dma_wait3A_38, %rem3A_37, %dma_wait3A_46, %dma_wait3A_47] : memref<200x8x8x8x128xf32, #tpu.memory_space<hbm>> -> memref<1x1x1x8x128xf32, #tpu.memory_space<hbm>>
    %dma_wait3A_49 = tpu.memref_squeeze %dma_wait3A_48 : memref<1x1x1x8x128xf32, #tpu.memory_space<hbm>> -> memref<8x128xf32, #tpu.memory_space<hbm>>
    %dma_wait3A_50 = arith.constant 8 : i32
    %dma_wait3A_51 = arith.constant 0 : i32
    %dma_wait3A_52 = tpu.memref_slice %arg10[%dma_wait3A_50, %dma_wait3A_51] : memref<64x129xf32, #tpu.memory_space<vmem>> -> memref<8x128xf32, #tpu.memory_space<vmem>>
    tpu.wait_dma2 semaphore(%arg14 : memref<!tpu.dma_semaphore, #tpu.memory_space<semaphore_mem>>) src(%dma_wait3A_52 : memref<8x128xf32, #tpu.memory_space<vmem>>) dst(%dma_wait3A_49 : memref<8x128xf32, #tpu.memory_space<hbm>>)
    %div3A_53 = arith.constant 8 : i32
    %div3A_54 = arith.divsi %sub3A_17, %div3A_53 : i32
    %rem3A_55 = arith.constant 8 : i32
    %rem3A_56 = arith.remsi %sub3A_17, %rem3A_55 : i32
    %dma_wait3A_57 = arith.constant 2 : i32
    %dma_wait3A_58 = arith.constant 16 : i32
    %dma_wait3A_59 = arith.constant 0 : i32
    %dma_wait3A_60 = tpu.memref_slice %arg10[%dma_wait3A_58, %dma_wait3A_59] : memref<64x129xf32, #tpu.memory_space<vmem>> -> memref<8x128xf32, #tpu.memory_space<vmem>>
    %dma_wait3A_61 = arith.constant 0 : i32
    %dma_wait3A_62 = arith.constant 0 : i32
    %dma_wait3A_63 = tpu.memref_slice %arg5[%div3A_54, %dma_wait3A_57, %rem3A_56, %dma_wait3A_61, %dma_wait3A_62] : memref<200x8x8x8x128xf32, #tpu.memory_space<hbm>> -> memref<1x1x1x8x128xf32, #tpu.memory_space<hbm>>
    %dma_wait3A_64 = tpu.memref_squeeze %dma_wait3A_63 : memref<1x1x1x8x128xf32, #tpu.memory_space<hbm>> -> memref<8x128xf32, #tpu.memory_space<hbm>>
    %dma_wait3A_65 = arith.constant 0 : i32
    %dma_wait3A_66 = arith.constant 0 : i32
    %dma_wait3A_67 = tpu.memref_slice %arg5[%div3A_54, %dma_wait3A_57, %rem3A_56, %dma_wait3A_65, %dma_wait3A_66] : memref<200x8x8x8x128xf32, #tpu.memory_space<hbm>> -> memref<1x1x1x8x128xf32, #tpu.memory_space<hbm>>
    %dma_wait3A_68 = tpu.memref_squeeze %dma_wait3A_67 : memref<1x1x1x8x128xf32, #tpu.memory_space<hbm>> -> memref<8x128xf32, #tpu.memory_space<hbm>>
    %dma_wait3A_69 = arith.constant 16 : i32
    %dma_wait3A_70 = arith.constant 0 : i32
    %dma_wait3A_71 = tpu.memref_slice %arg10[%dma_wait3A_69, %dma_wait3A_70] : memref<64x129xf32, #tpu.memory_space<vmem>> -> memref<8x128xf32, #tpu.memory_space<vmem>>
    tpu.wait_dma2 semaphore(%arg14 : memref<!tpu.dma_semaphore, #tpu.memory_space<semaphore_mem>>) src(%dma_wait3A_71 : memref<8x128xf32, #tpu.memory_space<vmem>>) dst(%dma_wait3A_68 : memref<8x128xf32, #tpu.memory_space<hbm>>)
    %div3A_72 = arith.constant 8 : i32
    %div3A_73 = arith.divsi %sub3A_17, %div3A_72 : i32
    %rem3A_74 = arith.constant 8 : i32
    %rem3A_75 = arith.remsi %sub3A_17, %rem3A_74 : i32
    %dma_wait3A_76 = arith.constant 3 : i32
    %dma_wait3A_77 = arith.constant 24 : i32
    %dma_wait3A_78 = arith.constant 0 : i32
    %dma_wait3A_79 = tpu.memref_slice %arg10[%dma_wait3A_77, %dma_wait3A_78] : memref<64x129xf32, #tpu.memory_space<vmem>> -> memref<8x128xf32, #tpu.memory_space<vmem>>
    %dma_wait3A_80 = arith.constant 0 : i32
    %dma_wait3A_81 = arith.constant 0 : i32
    %dma_wait3A_82 = tpu.memref_slice %arg5[%div3A_73, %dma_wait3A_76, %rem3A_75, %dma_wait3A_80, %dma_wait3A_81] : memref<200x8x8x8x128xf32, #tpu.memory_space<hbm>> -> memref<1x1x1x8x128xf32, #tpu.memory_space<hbm>>
    %dma_wait3A_83 = tpu.memref_squeeze %dma_wait3A_82 : memref<1x1x1x8x128xf32, #tpu.memory_space<hbm>> -> memref<8x128xf32, #tpu.memory_space<hbm>>
    %dma_wait3A_84 = arith.constant 0 : i32
    %dma_wait3A_85 = arith.constant 0 : i32
    %dma_wait3A_86 = tpu.memref_slice %arg5[%div3A_73, %dma_wait3A_76, %rem3A_75, %dma_wait3A_84, %dma_wait3A_85] : memref<200x8x8x8x128xf32, #tpu.memory_space<hbm>> -> memref<1x1x1x8x128xf32, #tpu.memory_space<hbm>>
    %dma_wait3A_87 = tpu.memref_squeeze %dma_wait3A_86 : memref<1x1x1x8x128xf32, #tpu.memory_space<hbm>> -> memref<8x128xf32, #tpu.memory_space<hbm>>
    %dma_wait3A_88 = arith.constant 24 : i32
    %dma_wait3A_89 = arith.constant 0 : i32
    %dma_wait3A_90 = tpu.memref_slice %arg10[%dma_wait3A_88, %dma_wait3A_89] : memref<64x129xf32, #tpu.memory_space<vmem>> -> memref<8x128xf32, #tpu.memory_space<vmem>>
    tpu.wait_dma2 semaphore(%arg14 : memref<!tpu.dma_semaphore, #tpu.memory_space<semaphore_mem>>) src(%dma_wait3A_90 : memref<8x128xf32, #tpu.memory_space<vmem>>) dst(%dma_wait3A_87 : memref<8x128xf32, #tpu.memory_space<hbm>>)
    %div3A_91 = arith.constant 8 : i32
    %div3A_92 = arith.divsi %sub3A_17, %div3A_91 : i32
    %rem3A_93 = arith.constant 8 : i32
    %rem3A_94 = arith.remsi %sub3A_17, %rem3A_93 : i32
    %dma_wait3A_95 = arith.constant 4 : i32
    %dma_wait3A_96 = arith.constant 32 : i32
    %dma_wait3A_97 = arith.constant 0 : i32
    %dma_wait3A_98 = tpu.memref_slice %arg10[%dma_wait3A_96, %dma_wait3A_97] : memref<64x129xf32, #tpu.memory_space<vmem>> -> memref<8x128xf32, #tpu.memory_space<vmem>>
    %dma_wait3A_99 = arith.constant 0 : i32
    %dma_wait3A_100 = arith.constant 0 : i32
    %dma_wait3A_101 = tpu.memref_slice %arg5[%div3A_92, %dma_wait3A_95, %rem3A_94, %dma_wait3A_99, %dma_wait3A_100] : memref<200x8x8x8x128xf32, #tpu.memory_space<hbm>> -> memref<1x1x1x8x128xf32, #tpu.memory_space<hbm>>
    %dma_wait3A_102 = tpu.memref_squeeze %dma_wait3A_101 : memref<1x1x1x8x128xf32, #tpu.memory_space<hbm>> -> memref<8x128xf32, #tpu.memory_space<hbm>>
    %dma_wait3A_103 = arith.constant 0 : i32
    %dma_wait3A_104 = arith.constant 0 : i32
    %dma_wait3A_105 = tpu.memref_slice %arg5[%div3A_92, %dma_wait3A_95, %rem3A_94, %dma_wait3A_103, %dma_wait3A_104] : memref<200x8x8x8x128xf32, #tpu.memory_space<hbm>> -> memref<1x1x1x8x128xf32, #tpu.memory_space<hbm>>
    %dma_wait3A_106 = tpu.memref_squeeze %dma_wait3A_105 : memref<1x1x1x8x128xf32, #tpu.memory_space<hbm>> -> memref<8x128xf32, #tpu.memory_space<hbm>>
    %dma_wait3A_107 = arith.constant 32 : i32
    %dma_wait3A_108 = arith.constant 0 : i32
    %dma_wait3A_109 = tpu.memref_slice %arg10[%dma_wait3A_107, %dma_wait3A_108] : memref<64x129xf32, #tpu.memory_space<vmem>> -> memref<8x128xf32, #tpu.memory_space<vmem>>
    tpu.wait_dma2 semaphore(%arg14 : memref<!tpu.dma_semaphore, #tpu.memory_space<semaphore_mem>>) src(%dma_wait3A_109 : memref<8x128xf32, #tpu.memory_space<vmem>>) dst(%dma_wait3A_106 : memref<8x128xf32, #tpu.memory_space<hbm>>)
    %div3A_110 = arith.constant 8 : i32
    %div3A_111 = arith.divsi %sub3A_17, %div3A_110 : i32
    %rem3A_112 = arith.constant 8 : i32
    %rem3A_113 = arith.remsi %sub3A_17, %rem3A_112 : i32
    %dma_wait3A_114 = arith.constant 5 : i32
    %dma_wait3A_115 = arith.constant 40 : i32
    %dma_wait3A_116 = arith.constant 0 : i32
    %dma_wait3A_117 = tpu.memref_slice %arg10[%dma_wait3A_115, %dma_wait3A_116] : memref<64x129xf32, #tpu.memory_space<vmem>> -> memref<8x128xf32, #tpu.memory_space<vmem>>
    %dma_wait3A_118 = arith.constant 0 : i32
    %dma_wait3A_119 = arith.constant 0 : i32
    %dma_wait3A_120 = tpu.memref_slice %arg5[%div3A_111, %dma_wait3A_114, %rem3A_113, %dma_wait3A_118, %dma_wait3A_119] : memref<200x8x8x8x128xf32, #tpu.memory_space<hbm>> -> memref<1x1x1x8x128xf32, #tpu.memory_space<hbm>>
    %dma_wait3A_121 = tpu.memref_squeeze %dma_wait3A_120 : memref<1x1x1x8x128xf32, #tpu.memory_space<hbm>> -> memref<8x128xf32, #tpu.memory_space<hbm>>
    %dma_wait3A_122 = arith.constant 0 : i32
    %dma_wait3A_123 = arith.constant 0 : i32
    %dma_wait3A_124 = tpu.memref_slice %arg5[%div3A_111, %dma_wait3A_114, %rem3A_113, %dma_wait3A_122, %dma_wait3A_123] : memref<200x8x8x8x128xf32, #tpu.memory_space<hbm>> -> memref<1x1x1x8x128xf32, #tpu.memory_space<hbm>>
    %dma_wait3A_125 = tpu.memref_squeeze %dma_wait3A_124 : memref<1x1x1x8x128xf32, #tpu.memory_space<hbm>> -> memref<8x128xf32, #tpu.memory_space<hbm>>
    %dma_wait3A_126 = arith.constant 40 : i32
    %dma_wait3A_127 = arith.constant 0 : i32
    %dma_wait3A_128 = tpu.memref_slice %arg10[%dma_wait3A_126, %dma_wait3A_127] : memref<64x129xf32, #tpu.memory_space<vmem>> -> memref<8x128xf32, #tpu.memory_space<vmem>>
    tpu.wait_dma2 semaphore(%arg14 : memref<!tpu.dma_semaphore, #tpu.memory_space<semaphore_mem>>) src(%dma_wait3A_128 : memref<8x128xf32, #tpu.memory_space<vmem>>) dst(%dma_wait3A_125 : memref<8x128xf32, #tpu.memory_space<hbm>>)
    %div3A_129 = arith.constant 8 : i32
    %div3A_130 = arith.divsi %sub3A_17, %div3A_129 : i32
    %rem3A_131 = arith.constant 8 : i32
    %rem3A_132 = arith.remsi %sub3A_17, %rem3A_131 : i32
    %dma_wait3A_133 = arith.constant 6 : i32
    %dma_wait3A_134 = arith.constant 48 : i32
    %dma_wait3A_135 = arith.constant 0 : i32
    %dma_wait3A_136 = tpu.memref_slice %arg10[%dma_wait3A_134, %dma_wait3A_135] : memref<64x129xf32, #tpu.memory_space<vmem>> -> memref<8x128xf32, #tpu.memory_space<vmem>>
    %dma_wait3A_137 = arith.constant 0 : i32
    %dma_wait3A_138 = arith.constant 0 : i32
    %dma_wait3A_139 = tpu.memref_slice %arg5[%div3A_130, %dma_wait3A_133, %rem3A_132, %dma_wait3A_137, %dma_wait3A_138] : memref<200x8x8x8x128xf32, #tpu.memory_space<hbm>> -> memref<1x1x1x8x128xf32, #tpu.memory_space<hbm>>
    %dma_wait3A_140 = tpu.memref_squeeze %dma_wait3A_139 : memref<1x1x1x8x128xf32, #tpu.memory_space<hbm>> -> memref<8x128xf32, #tpu.memory_space<hbm>>
    %dma_wait3A_141 = arith.constant 0 : i32
    %dma_wait3A_142 = arith.constant 0 : i32
    %dma_wait3A_143 = tpu.memref_slice %arg5[%div3A_130, %dma_wait3A_133, %rem3A_132, %dma_wait3A_141, %dma_wait3A_142] : memref<200x8x8x8x128xf32, #tpu.memory_space<hbm>> -> memref<1x1x1x8x128xf32, #tpu.memory_space<hbm>>
    %dma_wait3A_144 = tpu.memref_squeeze %dma_wait3A_143 : memref<1x1x1x8x128xf32, #tpu.memory_space<hbm>> -> memref<8x128xf32, #tpu.memory_space<hbm>>
    %dma_wait3A_145 = arith.constant 48 : i32
    %dma_wait3A_146 = arith.constant 0 : i32
    %dma_wait3A_147 = tpu.memref_slice %arg10[%dma_wait3A_145, %dma_wait3A_146] : memref<64x129xf32, #tpu.memory_space<vmem>> -> memref<8x128xf32, #tpu.memory_space<vmem>>
    tpu.wait_dma2 semaphore(%arg14 : memref<!tpu.dma_semaphore, #tpu.memory_space<semaphore_mem>>) src(%dma_wait3A_147 : memref<8x128xf32, #tpu.memory_space<vmem>>) dst(%dma_wait3A_144 : memref<8x128xf32, #tpu.memory_space<hbm>>)
    %div3A_148 = arith.constant 8 : i32
    %div3A_149 = arith.divsi %sub3A_17, %div3A_148 : i32
    %rem3A_150 = arith.constant 8 : i32
    %rem3A_151 = arith.remsi %sub3A_17, %rem3A_150 : i32
    %dma_wait3A_152 = arith.constant 7 : i32
    %dma_wait3A_153 = arith.constant 56 : i32
    %dma_wait3A_154 = arith.constant 0 : i32
    %dma_wait3A_155 = tpu.memref_slice %arg10[%dma_wait3A_153, %dma_wait3A_154] : memref<64x129xf32, #tpu.memory_space<vmem>> -> memref<8x128xf32, #tpu.memory_space<vmem>>
    %dma_wait3A_156 = arith.constant 0 : i32
    %dma_wait3A_157 = arith.constant 0 : i32
    %dma_wait3A_158 = tpu.memref_slice %arg5[%div3A_149, %dma_wait3A_152, %rem3A_151, %dma_wait3A_156, %dma_wait3A_157] : memref<200x8x8x8x128xf32, #tpu.memory_space<hbm>> -> memref<1x1x1x8x128xf32, #tpu.memory_space<hbm>>
    %dma_wait3A_159 = tpu.memref_squeeze %dma_wait3A_158 : memref<1x1x1x8x128xf32, #tpu.memory_space<hbm>> -> memref<8x128xf32, #tpu.memory_space<hbm>>
    %dma_wait3A_160 = arith.constant 0 : i32
    %dma_wait3A_161 = arith.constant 0 : i32
    %dma_wait3A_162 = tpu.memref_slice %arg5[%div3A_149, %dma_wait3A_152, %rem3A_151, %dma_wait3A_160, %dma_wait3A_161] : memref<200x8x8x8x128xf32, #tpu.memory_space<hbm>> -> memref<1x1x1x8x128xf32, #tpu.memory_space<hbm>>
    %dma_wait3A_163 = tpu.memref_squeeze %dma_wait3A_162 : memref<1x1x1x8x128xf32, #tpu.memory_space<hbm>> -> memref<8x128xf32, #tpu.memory_space<hbm>>
    %dma_wait3A_164 = arith.constant 56 : i32
    %dma_wait3A_165 = arith.constant 0 : i32
    %dma_wait3A_166 = tpu.memref_slice %arg10[%dma_wait3A_164, %dma_wait3A_165] : memref<64x129xf32, #tpu.memory_space<vmem>> -> memref<8x128xf32, #tpu.memory_space<vmem>>
    tpu.wait_dma2 semaphore(%arg14 : memref<!tpu.dma_semaphore, #tpu.memory_space<semaphore_mem>>) src(%dma_wait3A_166 : memref<8x128xf32, #tpu.memory_space<vmem>>) dst(%dma_wait3A_163 : memref<8x128xf32, #tpu.memory_space<hbm>>)
    %add3A_167 = arith.constant 50 : i32
    %add3A_168 = arith.addi %mul3A_2, %add3A_167 : i32
    %sub3A_169 = arith.constant 1 : i32
    %sub3A_170 = arith.subi %add3A_168, %sub3A_169 : i32
    %div3A_171 = arith.constant 8 : i32
    %div3A_172 = arith.divsi %sub3A_170, %div3A_171 : i32
    %rem3A_173 = arith.constant 8 : i32
    %rem3A_174 = arith.remsi %sub3A_170, %rem3A_173 : i32
    %dma_wait3A_175 = arith.constant 0 : i32
    %dma_wait3A_176 = arith.constant 0 : i32
    %dma_wait3A_177 = arith.constant 0 : i32
    %dma_wait3A_178 = tpu.memref_slice %arg11[%dma_wait3A_176, %dma_wait3A_177] : memref<64x129xf32, #tpu.memory_space<vmem>> -> memref<8x128xf32, #tpu.memory_space<vmem>>
    %dma_wait3A_179 = arith.constant 0 : i32
    %dma_wait3A_180 = arith.constant 0 : i32
    %dma_wait3A_181 = tpu.memref_slice %arg5[%div3A_172, %dma_wait3A_175, %rem3A_174, %dma_wait3A_179, %dma_wait3A_180] : memref<200x8x8x8x128xf32, #tpu.memory_space<hbm>> -> memref<1x1x1x8x128xf32, #tpu.memory_space<hbm>>
    %dma_wait3A_182 = tpu.memref_squeeze %dma_wait3A_181 : memref<1x1x1x8x128xf32, #tpu.memory_space<hbm>> -> memref<8x128xf32, #tpu.memory_space<hbm>>
    %dma_wait3A_183 = arith.constant 0 : i32
    %dma_wait3A_184 = arith.constant 0 : i32
    %dma_wait3A_185 = tpu.memref_slice %arg5[%div3A_172, %dma_wait3A_175, %rem3A_174, %dma_wait3A_183, %dma_wait3A_184] : memref<200x8x8x8x128xf32, #tpu.memory_space<hbm>> -> memref<1x1x1x8x128xf32, #tpu.memory_space<hbm>>
    %dma_wait3A_186 = tpu.memref_squeeze %dma_wait3A_185 : memref<1x1x1x8x128xf32, #tpu.memory_space<hbm>> -> memref<8x128xf32, #tpu.memory_space<hbm>>
    %dma_wait3A_187 = arith.constant 0 : i32
    %dma_wait3A_188 = arith.constant 0 : i32
    %dma_wait3A_189 = tpu.memref_slice %arg11[%dma_wait3A_187, %dma_wait3A_188] : memref<64x129xf32, #tpu.memory_space<vmem>> -> memref<8x128xf32, #tpu.memory_space<vmem>>
    tpu.wait_dma2 semaphore(%arg15 : memref<!tpu.dma_semaphore, #tpu.memory_space<semaphore_mem>>) src(%dma_wait3A_189 : memref<8x128xf32, #tpu.memory_space<vmem>>) dst(%dma_wait3A_186 : memref<8x128xf32, #tpu.memory_space<hbm>>)
    %div3A_190 = arith.constant 8 : i32
    %div3A_191 = arith.divsi %sub3A_170, %div3A_190 : i32
    %rem3A_192 = arith.constant 8 : i32
    %rem3A_193 = arith.remsi %sub3A_170, %rem3A_192 : i32
    %dma_wait3A_194 = arith.constant 1 : i32
    %dma_wait3A_195 = arith.constant 8 : i32
    %dma_wait3A_196 = arith.constant 0 : i32
    %dma_wait3A_197 = tpu.memref_slice %arg11[%dma_wait3A_195, %dma_wait3A_196] : memref<64x129xf32, #tpu.memory_space<vmem>> -> memref<8x128xf32, #tpu.memory_space<vmem>>
    %dma_wait3A_198 = arith.constant 0 : i32
    %dma_wait3A_199 = arith.constant 0 : i32
    %dma_wait3A_200 = tpu.memref_slice %arg5[%div3A_191, %dma_wait3A_194, %rem3A_193, %dma_wait3A_198, %dma_wait3A_199] : memref<200x8x8x8x128xf32, #tpu.memory_space<hbm>> -> memref<1x1x1x8x128xf32, #tpu.memory_space<hbm>>
    %dma_wait3A_201 = tpu.memref_squeeze %dma_wait3A_200 : memref<1x1x1x8x128xf32, #tpu.memory_space<hbm>> -> memref<8x128xf32, #tpu.memory_space<hbm>>
    %dma_wait3A_202 = arith.constant 0 : i32
    %dma_wait3A_203 = arith.constant 0 : i32
    %dma_wait3A_204 = tpu.memref_slice %arg5[%div3A_191, %dma_wait3A_194, %rem3A_193, %dma_wait3A_202, %dma_wait3A_203] : memref<200x8x8x8x128xf32, #tpu.memory_space<hbm>> -> memref<1x1x1x8x128xf32, #tpu.memory_space<hbm>>
    %dma_wait3A_205 = tpu.memref_squeeze %dma_wait3A_204 : memref<1x1x1x8x128xf32, #tpu.memory_space<hbm>> -> memref<8x128xf32, #tpu.memory_space<hbm>>
    %dma_wait3A_206 = arith.constant 8 : i32
    %dma_wait3A_207 = arith.constant 0 : i32
    %dma_wait3A_208 = tpu.memref_slice %arg11[%dma_wait3A_206, %dma_wait3A_207] : memref<64x129xf32, #tpu.memory_space<vmem>> -> memref<8x128xf32, #tpu.memory_space<vmem>>
    tpu.wait_dma2 semaphore(%arg15 : memref<!tpu.dma_semaphore, #tpu.memory_space<semaphore_mem>>) src(%dma_wait3A_208 : memref<8x128xf32, #tpu.memory_space<vmem>>) dst(%dma_wait3A_205 : memref<8x128xf32, #tpu.memory_space<hbm>>)
    %div3A_209 = arith.constant 8 : i32
    %div3A_210 = arith.divsi %sub3A_170, %div3A_209 : i32
    %rem3A_211 = arith.constant 8 : i32
    %rem3A_212 = arith.remsi %sub3A_170, %rem3A_211 : i32
    %dma_wait3A_213 = arith.constant 2 : i32
    %dma_wait3A_214 = arith.constant 16 : i32
    %dma_wait3A_215 = arith.constant 0 : i32
    %dma_wait3A_216 = tpu.memref_slice %arg11[%dma_wait3A_214, %dma_wait3A_215] : memref<64x129xf32, #tpu.memory_space<vmem>> -> memref<8x128xf32, #tpu.memory_space<vmem>>
    %dma_wait3A_217 = arith.constant 0 : i32
    %dma_wait3A_218 = arith.constant 0 : i32
    %dma_wait3A_219 = tpu.memref_slice %arg5[%div3A_210, %dma_wait3A_213, %rem3A_212, %dma_wait3A_217, %dma_wait3A_218] : memref<200x8x8x8x128xf32, #tpu.memory_space<hbm>> -> memref<1x1x1x8x128xf32, #tpu.memory_space<hbm>>
    %dma_wait3A_220 = tpu.memref_squeeze %dma_wait3A_219 : memref<1x1x1x8x128xf32, #tpu.memory_space<hbm>> -> memref<8x128xf32, #tpu.memory_space<hbm>>
    %dma_wait3A_221 = arith.constant 0 : i32
    %dma_wait3A_222 = arith.constant 0 : i32
    %dma_wait3A_223 = tpu.memref_slice %arg5[%div3A_210, %dma_wait3A_213, %rem3A_212, %dma_wait3A_221, %dma_wait3A_222] : memref<200x8x8x8x128xf32, #tpu.memory_space<hbm>> -> memref<1x1x1x8x128xf32, #tpu.memory_space<hbm>>
    %dma_wait3A_224 = tpu.memref_squeeze %dma_wait3A_223 : memref<1x1x1x8x128xf32, #tpu.memory_space<hbm>> -> memref<8x128xf32, #tpu.memory_space<hbm>>
    %dma_wait3A_225 = arith.constant 16 : i32
    %dma_wait3A_226 = arith.constant 0 : i32
    %dma_wait3A_227 = tpu.memref_slice %arg11[%dma_wait3A_225, %dma_wait3A_226] : memref<64x129xf32, #tpu.memory_space<vmem>> -> memref<8x128xf32, #tpu.memory_space<vmem>>
    tpu.wait_dma2 semaphore(%arg15 : memref<!tpu.dma_semaphore, #tpu.memory_space<semaphore_mem>>) src(%dma_wait3A_227 : memref<8x128xf32, #tpu.memory_space<vmem>>) dst(%dma_wait3A_224 : memref<8x128xf32, #tpu.memory_space<hbm>>)
    %div3A_228 = arith.constant 8 : i32
    %div3A_229 = arith.divsi %sub3A_170, %div3A_228 : i32
    %rem3A_230 = arith.constant 8 : i32
    %rem3A_231 = arith.remsi %sub3A_170, %rem3A_230 : i32
    %dma_wait3A_232 = arith.constant 3 : i32
    %dma_wait3A_233 = arith.constant 24 : i32
    %dma_wait3A_234 = arith.constant 0 : i32
    %dma_wait3A_235 = tpu.memref_slice %arg11[%dma_wait3A_233, %dma_wait3A_234] : memref<64x129xf32, #tpu.memory_space<vmem>> -> memref<8x128xf32, #tpu.memory_space<vmem>>
    %dma_wait3A_236 = arith.constant 0 : i32
    %dma_wait3A_237 = arith.constant 0 : i32
    %dma_wait3A_238 = tpu.memref_slice %arg5[%div3A_229, %dma_wait3A_232, %rem3A_231, %dma_wait3A_236, %dma_wait3A_237] : memref<200x8x8x8x128xf32, #tpu.memory_space<hbm>> -> memref<1x1x1x8x128xf32, #tpu.memory_space<hbm>>
    %dma_wait3A_239 = tpu.memref_squeeze %dma_wait3A_238 : memref<1x1x1x8x128xf32, #tpu.memory_space<hbm>> -> memref<8x128xf32, #tpu.memory_space<hbm>>
    %dma_wait3A_240 = arith.constant 0 : i32
    %dma_wait3A_241 = arith.constant 0 : i32
    %dma_wait3A_242 = tpu.memref_slice %arg5[%div3A_229, %dma_wait3A_232, %rem3A_231, %dma_wait3A_240, %dma_wait3A_241] : memref<200x8x8x8x128xf32, #tpu.memory_space<hbm>> -> memref<1x1x1x8x128xf32, #tpu.memory_space<hbm>>
    %dma_wait3A_243 = tpu.memref_squeeze %dma_wait3A_242 : memref<1x1x1x8x128xf32, #tpu.memory_space<hbm>> -> memref<8x128xf32, #tpu.memory_space<hbm>>
    %dma_wait3A_244 = arith.constant 24 : i32
    %dma_wait3A_245 = arith.constant 0 : i32
    %dma_wait3A_246 = tpu.memref_slice %arg11[%dma_wait3A_244, %dma_wait3A_245] : memref<64x129xf32, #tpu.memory_space<vmem>> -> memref<8x128xf32, #tpu.memory_space<vmem>>
    tpu.wait_dma2 semaphore(%arg15 : memref<!tpu.dma_semaphore, #tpu.memory_space<semaphore_mem>>) src(%dma_wait3A_246 : memref<8x128xf32, #tpu.memory_space<vmem>>) dst(%dma_wait3A_243 : memref<8x128xf32, #tpu.memory_space<hbm>>)
    %div3A_247 = arith.constant 8 : i32
    %div3A_248 = arith.divsi %sub3A_170, %div3A_247 : i32
    %rem3A_249 = arith.constant 8 : i32
    %rem3A_250 = arith.remsi %sub3A_170, %rem3A_249 : i32
    %dma_wait3A_251 = arith.constant 4 : i32
    %dma_wait3A_252 = arith.constant 32 : i32
    %dma_wait3A_253 = arith.constant 0 : i32
    %dma_wait3A_254 = tpu.memref_slice %arg11[%dma_wait3A_252, %dma_wait3A_253] : memref<64x129xf32, #tpu.memory_space<vmem>> -> memref<8x128xf32, #tpu.memory_space<vmem>>
    %dma_wait3A_255 = arith.constant 0 : i32
    %dma_wait3A_256 = arith.constant 0 : i32
    %dma_wait3A_257 = tpu.memref_slice %arg5[%div3A_248, %dma_wait3A_251, %rem3A_250, %dma_wait3A_255, %dma_wait3A_256] : memref<200x8x8x8x128xf32, #tpu.memory_space<hbm>> -> memref<1x1x1x8x128xf32, #tpu.memory_space<hbm>>
    %dma_wait3A_258 = tpu.memref_squeeze %dma_wait3A_257 : memref<1x1x1x8x128xf32, #tpu.memory_space<hbm>> -> memref<8x128xf32, #tpu.memory_space<hbm>>
    %dma_wait3A_259 = arith.constant 0 : i32
    %dma_wait3A_260 = arith.constant 0 : i32
    %dma_wait3A_261 = tpu.memref_slice %arg5[%div3A_248, %dma_wait3A_251, %rem3A_250, %dma_wait3A_259, %dma_wait3A_260] : memref<200x8x8x8x128xf32, #tpu.memory_space<hbm>> -> memref<1x1x1x8x128xf32, #tpu.memory_space<hbm>>
    %dma_wait3A_262 = tpu.memref_squeeze %dma_wait3A_261 : memref<1x1x1x8x128xf32, #tpu.memory_space<hbm>> -> memref<8x128xf32, #tpu.memory_space<hbm>>
    %dma_wait3A_263 = arith.constant 32 : i32
    %dma_wait3A_264 = arith.constant 0 : i32
    %dma_wait3A_265 = tpu.memref_slice %arg11[%dma_wait3A_263, %dma_wait3A_264] : memref<64x129xf32, #tpu.memory_space<vmem>> -> memref<8x128xf32, #tpu.memory_space<vmem>>
    tpu.wait_dma2 semaphore(%arg15 : memref<!tpu.dma_semaphore, #tpu.memory_space<semaphore_mem>>) src(%dma_wait3A_265 : memref<8x128xf32, #tpu.memory_space<vmem>>) dst(%dma_wait3A_262 : memref<8x128xf32, #tpu.memory_space<hbm>>)
    %div3A_266 = arith.constant 8 : i32
    %div3A_267 = arith.divsi %sub3A_170, %div3A_266 : i32
    %rem3A_268 = arith.constant 8 : i32
    %rem3A_269 = arith.remsi %sub3A_170, %rem3A_268 : i32
    %dma_wait3A_270 = arith.constant 5 : i32
    %dma_wait3A_271 = arith.constant 40 : i32
    %dma_wait3A_272 = arith.constant 0 : i32
    %dma_wait3A_273 = tpu.memref_slice %arg11[%dma_wait3A_271, %dma_wait3A_272] : memref<64x129xf32, #tpu.memory_space<vmem>> -> memref<8x128xf32, #tpu.memory_space<vmem>>
    %dma_wait3A_274 = arith.constant 0 : i32
    %dma_wait3A_275 = arith.constant 0 : i32
    %dma_wait3A_276 = tpu.memref_slice %arg5[%div3A_267, %dma_wait3A_270, %rem3A_269, %dma_wait3A_274, %dma_wait3A_275] : memref<200x8x8x8x128xf32, #tpu.memory_space<hbm>> -> memref<1x1x1x8x128xf32, #tpu.memory_space<hbm>>
    %dma_wait3A_277 = tpu.memref_squeeze %dma_wait3A_276 : memref<1x1x1x8x128xf32, #tpu.memory_space<hbm>> -> memref<8x128xf32, #tpu.memory_space<hbm>>
    %dma_wait3A_278 = arith.constant 0 : i32
    %dma_wait3A_279 = arith.constant 0 : i32
    %dma_wait3A_280 = tpu.memref_slice %arg5[%div3A_267, %dma_wait3A_270, %rem3A_269, %dma_wait3A_278, %dma_wait3A_279] : memref<200x8x8x8x128xf32, #tpu.memory_space<hbm>> -> memref<1x1x1x8x128xf32, #tpu.memory_space<hbm>>
    %dma_wait3A_281 = tpu.memref_squeeze %dma_wait3A_280 : memref<1x1x1x8x128xf32, #tpu.memory_space<hbm>> -> memref<8x128xf32, #tpu.memory_space<hbm>>
    %dma_wait3A_282 = arith.constant 40 : i32
    %dma_wait3A_283 = arith.constant 0 : i32
    %dma_wait3A_284 = tpu.memref_slice %arg11[%dma_wait3A_282, %dma_wait3A_283] : memref<64x129xf32, #tpu.memory_space<vmem>> -> memref<8x128xf32, #tpu.memory_space<vmem>>
    tpu.wait_dma2 semaphore(%arg15 : memref<!tpu.dma_semaphore, #tpu.memory_space<semaphore_mem>>) src(%dma_wait3A_284 : memref<8x128xf32, #tpu.memory_space<vmem>>) dst(%dma_wait3A_281 : memref<8x128xf32, #tpu.memory_space<hbm>>)
    %div3A_285 = arith.constant 8 : i32
    %div3A_286 = arith.divsi %sub3A_170, %div3A_285 : i32
    %rem3A_287 = arith.constant 8 : i32
    %rem3A_288 = arith.remsi %sub3A_170, %rem3A_287 : i32
    %dma_wait3A_289 = arith.constant 6 : i32
    %dma_wait3A_290 = arith.constant 48 : i32
    %dma_wait3A_291 = arith.constant 0 : i32
    %dma_wait3A_292 = tpu.memref_slice %arg11[%dma_wait3A_290, %dma_wait3A_291] : memref<64x129xf32, #tpu.memory_space<vmem>> -> memref<8x128xf32, #tpu.memory_space<vmem>>
    %dma_wait3A_293 = arith.constant 0 : i32
    %dma_wait3A_294 = arith.constant 0 : i32
    %dma_wait3A_295 = tpu.memref_slice %arg5[%div3A_286, %dma_wait3A_289, %rem3A_288, %dma_wait3A_293, %dma_wait3A_294] : memref<200x8x8x8x128xf32, #tpu.memory_space<hbm>> -> memref<1x1x1x8x128xf32, #tpu.memory_space<hbm>>
    %dma_wait3A_296 = tpu.memref_squeeze %dma_wait3A_295 : memref<1x1x1x8x128xf32, #tpu.memory_space<hbm>> -> memref<8x128xf32, #tpu.memory_space<hbm>>
    %dma_wait3A_297 = arith.constant 0 : i32
    %dma_wait3A_298 = arith.constant 0 : i32
    %dma_wait3A_299 = tpu.memref_slice %arg5[%div3A_286, %dma_wait3A_289, %rem3A_288, %dma_wait3A_297, %dma_wait3A_298] : memref<200x8x8x8x128xf32, #tpu.memory_space<hbm>> -> memref<1x1x1x8x128xf32, #tpu.memory_space<hbm>>
    %dma_wait3A_300 = tpu.memref_squeeze %dma_wait3A_299 : memref<1x1x1x8x128xf32, #tpu.memory_space<hbm>> -> memref<8x128xf32, #tpu.memory_space<hbm>>
    %dma_wait3A_301 = arith.constant 48 : i32
    %dma_wait3A_302 = arith.constant 0 : i32
    %dma_wait3A_303 = tpu.memref_slice %arg11[%dma_wait3A_301, %dma_wait3A_302] : memref<64x129xf32, #tpu.memory_space<vmem>> -> memref<8x128xf32, #tpu.memory_space<vmem>>
    tpu.wait_dma2 semaphore(%arg15 : memref<!tpu.dma_semaphore, #tpu.memory_space<semaphore_mem>>) src(%dma_wait3A_303 : memref<8x128xf32, #tpu.memory_space<vmem>>) dst(%dma_wait3A_300 : memref<8x128xf32, #tpu.memory_space<hbm>>)
    %div3A_304 = arith.constant 8 : i32
    %div3A_305 = arith.divsi %sub3A_170, %div3A_304 : i32
    %rem3A_306 = arith.constant 8 : i32
    %rem3A_307 = arith.remsi %sub3A_170, %rem3A_306 : i32
    %dma_wait3A_308 = arith.constant 7 : i32
    %dma_wait3A_309 = arith.constant 56 : i32
    %dma_wait3A_310 = arith.constant 0 : i32
    %dma_wait3A_311 = tpu.memref_slice %arg11[%dma_wait3A_309, %dma_wait3A_310] : memref<64x129xf32, #tpu.memory_space<vmem>> -> memref<8x128xf32, #tpu.memory_space<vmem>>
    %dma_wait3A_312 = arith.constant 0 : i32
    %dma_wait3A_313 = arith.constant 0 : i32
    %dma_wait3A_314 = tpu.memref_slice %arg5[%div3A_305, %dma_wait3A_308, %rem3A_307, %dma_wait3A_312, %dma_wait3A_313] : memref<200x8x8x8x128xf32, #tpu.memory_space<hbm>> -> memref<1x1x1x8x128xf32, #tpu.memory_space<hbm>>
    %dma_wait3A_315 = tpu.memref_squeeze %dma_wait3A_314 : memref<1x1x1x8x128xf32, #tpu.memory_space<hbm>> -> memref<8x128xf32, #tpu.memory_space<hbm>>
    %dma_wait3A_316 = arith.constant 0 : i32
    %dma_wait3A_317 = arith.constant 0 : i32
    %dma_wait3A_318 = tpu.memref_slice %arg5[%div3A_305, %dma_wait3A_308, %rem3A_307, %dma_wait3A_316, %dma_wait3A_317] : memref<200x8x8x8x128xf32, #tpu.memory_space<hbm>> -> memref<1x1x1x8x128xf32, #tpu.memory_space<hbm>>
    %dma_wait3A_319 = tpu.memref_squeeze %dma_wait3A_318 : memref<1x1x1x8x128xf32, #tpu.memory_space<hbm>> -> memref<8x128xf32, #tpu.memory_space<hbm>>
    %dma_wait3A_320 = arith.constant 56 : i32
    %dma_wait3A_321 = arith.constant 0 : i32
    %dma_wait3A_322 = tpu.memref_slice %arg11[%dma_wait3A_320, %dma_wait3A_321] : memref<64x129xf32, #tpu.memory_space<vmem>> -> memref<8x128xf32, #tpu.memory_space<vmem>>
    tpu.wait_dma2 semaphore(%arg15 : memref<!tpu.dma_semaphore, #tpu.memory_space<semaphore_mem>>) src(%dma_wait3A_322 : memref<8x128xf32, #tpu.memory_space<vmem>>) dst(%dma_wait3A_319 : memref<8x128xf32, #tpu.memory_space<hbm>>)
    return
  }
}

</mosaic_0001>

<sc_bundles>
// kernel: kernel.3.cloned.1.call-start
scs
__scs_entry_jumppad:
0x0: {  	(pc) =	sbr.rel $0x88, $3  }
0x1: {  	(tag) =	ssettag $0x0;
	lr =	simm.s32 $0x1  }
0x2: {  	[smem:$0x3F9E] =	sst lr;
	_ =	strace $0xD0000000  }
0x3: {  	_ = 	snop  }
0x4: {  	_ = 	snop  }
0x5: {  	_ = 	snop  }
0x6: {  	_ = 	snop  }
0x7: {  	_ = 	snop  }
__scs_overlays_trampoline_lowered:
0x8: {  	[smem:$0x3FAD] =	sst s0  }
0x9: {  	[smem:$0x3FAE] =	sst s1  }
0xa: {  	[smem:$0x3FAF] =	sst s2  }
0xb: {  	[smem:$0x3FB0] =	sst s3  }
0xc: {  	[smem:$0x3FB1] =	sst s4  }
0xd: {  	[smem:$0x3FB2] =	sst s5  }
0xe: {  	[smem:$0x3FB3] =	sst s6  }
0xf: {  	[smem:$0x3FB4] =	sst s7  }
0x10: {  	[smem:$0x3FB5] =	sst s8  }
0x11: {  	[smem:$0x3FB6] =	sst s9;
	s0 =	simm.s32 @!p0 $0x0  }
0x12: {  	s1 =	sld [smem:$0x3F9C];
	s0 =	simm.s32 @p0 $0x1  }
0x13: {  	[smem:$0x3FB7] =	sst s0;
	s0 =	simm.s32 @!p1 $0x0  }
0x14: {  	s2 =	sld [smem:$0x3F9B];
	s0 =	simm.s32 @p1 $0x1  }
0x15: {  	[smem:$0x3FB8] =	sst s0;
	s0 =	simm.s32 @!p2 $0x0  }
0x16: {  	s3 =	sld [smem:$0x3FDB];
	s0 =	simm.s32 @p2 $0x1  }
0x17: {  	s4 =	simm.s32 $0x1BF5;
	[smem:$0x3FBA] =	sst s0  }
0x18: {  	s0 =	sld [smem:$0x3F9D];
	_ =	swait.ge [sflag:s4], $0x0  }
0x19: {  	s7 =	sld [smem:$0x3F9E]  }
0x1a: {  	s8 =	sadd.s32 $0xFFFFE003, lr  }
0x1b: {  	s9 =	sadd.s32 $0xFFFFFEF7, lr;
	s5 =	simm.s32 $0xFFFFFFFF;
	p2 =	slt.u32 s8, $0xFFFFF086  }
0x1c: {  	p1 =	slt.u32 s9, $0xF7A;
	s5 =	simm.s32 @!p2 $0x0  }
0x1d: {  	s5 =	simm.s32 @p1 $0x1;
	p0 =	seq.s32 s7, s2  }
0x1e: {  	s7 =	smul.u32 @!p0 $0xF7A, s2;
	p2 =	seq.s32 @!p0 s5, $0x0  }
0x1f: {  	s9 =	smul.u32 $0xF7A, s1;
	s8 =	simm.s32 @!p0 $0x1BF5;
	p2 =	por !p2, p0  }
0x20: {  	[sflag:s8] =	ssyncset.s32 @!p0 $0xFFFFF086;
	s6 =	sadd.s32 @!p0 s3, s7;
	s7 =	simm.s32 @!p0 $0x108  }
0x21: {  	s3 =	sadd.s32 s3, s9;
	s6 =	sadd.s32 @!p0 $0x88, s6;
	s7 =	simm.s32 @p2 $0x1082  }
0x22: {  	[simem:s7], [sflag:s8] =	dma.local @!p0 [hbm:s6], $0xF7A  }
0x23: {  	s9 =	sor.u32 $0xD0000000, s2;
	s6 =	simm.s32 $0x108;
	_ =	swait.ge @!p0 [sflag:s8], $0x0  }
0x24: {  	s3 =	sadd.s32 $0x88, s3;
	s6 =	simm.s32 @!p1 $0x1082;
	[sflag:s4] =	ssyncset.s32 $0xFFFFF086  }
0x25: {  	[simem:s6], [sflag:s4] =	dma.local [hbm:s3], $0xF7A  }
0x26: {  	[smem:$0x3F9E] =	sst s1;
	(tag) =	ssettag s2;
	_ =	strace s9  }
0x27: {  	s1 =	sld [smem:$0x3FAE]  }
0x28: {  	s2 =	sld [smem:$0x3FAF]  }
0x29: {  	s4 =	sld [smem:$0x3FB1]  }
0x2a: {  	p0 =	seq.s32 s5, $0x0;
	s5 =	sld [smem:$0x3FB2]  }
0x2b: {  	s6 =	sld [smem:$0x3FB3]  }
0x2c: {  	s7 =	sld [smem:$0x3FB4]  }
0x2d: {  	s3 =	simm.s32 $0x108;
	s8 =	sld [smem:$0x3FB5]  }
0x2e: {  	s3 =	simm.s32 @!p0 $0x1082;
	s9 =	sld [smem:$0x3FB6]  }
0x2f: {  	lr =	sadd.s32 s0, s3;
	s0 =	sld [smem:$0x3FAD]  }
0x30: {  	s3 =	sld [smem:$0x3FB0]  }
0x31: {  	[smem:$0x3FB9] =	sst s10  }
0x32: {  	s10 =	sld [smem:$0x3FB7];
	_ =	sdelay $0x3  }
0x33: {  	p0 =	seq.s32 s10, $0x1;
	s10 =	sld [smem:$0x3FB9];
	_ =	sdelay $0x3  }
0x34: {  	[smem:$0x3FB9] =	sst s10  }
0x35: {  	s10 =	sld [smem:$0x3FB8];
	_ =	sdelay $0x3  }
0x36: {  	p1 =	seq.s32 s10, $0x1;
	s10 =	sld [smem:$0x3FB9];
	_ =	sdelay $0x3  }
0x37: {  	[smem:$0x3FB9] =	sst s10  }
0x38: {  	s10 =	sld [smem:$0x3FBA]  }
0x39: {  	_ = 	snop;
	(pc) =	sbr.ind lr, $3  }
0x3a: {  	_ = 	snop  }
0x3b: {  	_ = 	snop  }
0x3c: {  	p2 =	seq.s32 s10, $0x1;
	s10 =	sld [smem:$0x3FB9]  }
0x3d: {  	_ =	shalt  }
0x3e: {  	_ =	shalt  }
0x3f: {  	_ =	shalt  }
0x40: {  	_ =	shalt  }
0x41: {  	_ =	shalt  }
0x42: {  	_ =	shalt  }
0x43: {  	_ =	shalt  }
0x44: {  	_ =	shalt  }
0x45: {  	_ =	shalt  }
0x46: {  	_ =	shalt  }
0x47: {  	_ =	shalt  }
0x48: {  	_ =	shalt  }
0x49: {  	_ =	shalt  }
0x4a: {  	_ =	shalt  }
0x4b: {  	_ =	shalt  }
0x4c: {  	_ =	shalt  }
0x4d: {  	_ =	shalt  }
0x4e: {  	_ =	shalt  }
0x4f: {  	_ =	shalt  }
0x50: {  	_ =	shalt  }
0x51: {  	_ =	shalt  }
0x52: {  	_ =	shalt  }
0x53: {  	_ =	shalt  }
0x54: {  	_ =	shalt  }
0x55: {  	_ =	shalt  }
0x56: {  	_ =	shalt  }
0x57: {  	_ =	shalt  }
0x58: {  	_ =	shalt  }
0x59: {  	_ =	shalt  }
0x5a: {  	_ =	shalt  }
0x5b: {  	_ =	shalt  }
0x5c: {  	_ =	shalt  }
0x5d: {  	_ =	shalt  }
0x5e: {  	_ =	shalt  }
0x5f: {  	_ =	shalt  }
0x60: {  	_ =	shalt  }
0x61: {  	_ =	shalt  }
0x62: {  	_ =	shalt  }
0x63: {  	_ =	shalt  }
0x64: {  	_ =	shalt  }
0x65: {  	_ =	shalt  }
0x66: {  	_ =	shalt  }
0x67: {  	_ =	shalt  }
0x68: {  	_ =	shalt  }
0x69: {  	_ =	shalt  }
0x6a: {  	_ =	shalt  }
0x6b: {  	_ =	shalt  }
0x6c: {  	_ =	shalt  }
0x6d: {  	_ =	shalt  }
0x6e: {  	_ =	shalt  }
0x6f: {  	_ =	shalt  }
0x70: {  	_ =	shalt  }
0x71: {  	_ =	shalt  }
0x72: {  	_ =	shalt  }
0x73: {  	_ =	shalt  }
0x74: {  	_ =	shalt  }
0x75: {  	_ =	shalt  }
0x76: {  	_ =	shalt  }
0x77: {  	_ =	shalt  }
0x78: {  	_ =	shalt  }
0x79: {  	_ =	shalt  }
0x7a: {  	_ =	shalt  }
0x7b: {  	_ =	shalt  }
0x7c: {  	_ =	shalt  }
0x7d: {  	_ =	shalt  }
0x7e: {  	_ =	shalt  }
0x7f: {  	_ =	shalt  }
0x80: {  	_ =	shalt  }
0x81: {  	_ =	shalt  }
0x82: {  	_ =	shalt  }
0x83: {  	_ =	shalt  }
0x84: {  	_ =	shalt  }
0x85: {  	_ =	shalt  }
0x86: {  	_ =	shalt  }
0x87: {  	_ =	shalt  }
.Lfunc_end0:
.L_simem_size_0:
called_computation_lowered:
.L_overlay_start_0:
0x88: {  	s2 =	sld [smem:$0x3FD9]  }
0x89: {  	s3 =	sld [smem:$0x3FFE];
	_ =	sdelay $0x1  }
0x8a: {  	s1 =	srdreg.scid  }
0x8b: {  	s0 =	sand.u32 $0x1, s1  }
0x8c: {  	s17 =	sshll.u32 s0, $0xA;
	s2 =	sadd.s32 s3, s2  }
0x8d: {  	s2 =	sadd.s32 s2, s17  }
0x8e: {  	[smem:$0x3FC5] =	sst s2  }
0x8f: {  	_ = 	snop  }
0x90: {  	s2 =	sld [smem:$0x3FD0];
	(tm) =	ssettm $0x1  }
0x91: {  	s18 =	sld [smem:$0x3FFB];
	_ =	sdelay $0x3  }
0x92: {  	_ =	strace s18  }
0x93: {  	s3 =	sld [smem:$0x3FFC];
	_ =	sdelay $0x3  }
0x94: {  	_ =	strace s3  }
0x95: {  	s3 =	sld [smem:$0x3FFD];
	_ =	sdelay $0x3  }
0x96: {  	_ =	strace s3  }
0x97: {  	_ =	strace $0x8FFFFFFF  }
0x98: {  	s19 =	sld [smem:$0x3FDB];
	_ =	sdelay $0x1  }
0x99: {  	s4 =	simm.s32 $_scs_section_size  }
0x9a: {  	s5 =	simm.s32 $_size__tile_overlayer_lowered;
	s6 =	simm.s32 $_tile_overlayer_lowered  }
0x9b: {  	s22 =	simm.s32 $0x1BFF;
	s21 =	sshll.u32 s6, $0x1;
	s3 =	sadd.s32 s4, s19  }
0x9c: {  	s7 =	simm.s32 $0x0;
	s20 =	sshll.u32 s5, $0x1;
	s5 =	sadd.s32 s21, s3  }
0x9d: {  	[timem:s7], [sflag:s22] =	dma.local [hbm:s5], s20  }
0x9e: {  	_ =	swait.ge [sflag:s22], s20  }
0x9f: {  	s4 =	ssub.s32 $0x0, s20;
	[sflag:s22] =	ssyncset.done $0x0  }
0xa0: {  	[sflag:s22] =	ssyncadd.s32 s4;
	_ =	sdelay $0x1  }
0xa1: {  	s23 =	simm.s32 $0x1B8B  }
0xa2: {  	_ =	swait.ge [sflag:s23], $0x1  }
0xa3: {  	[sflag:s23] =	ssyncset.done $0x0  }
0xa4: {  	s25 =	simm.s32 $0x1B8E;
	s24 =	sld [smem:$0x3FFE];
	[sflag:s23] =	ssyncadd.s32 $0xFFFFFFFF  }
0xa5: {  	s26 =	simm.s32 $execute0_lowered;
	[smem:$0x3FD2] =	sst s25  }
0xa6: {  	s5 =	sshll.u32 s26, $0x1;
	_ =	strace $0x80000046;
	[dreg:$0x1] =	wrdreg $0xFFFFFFFF  }
0xa7: {  	s28 =	simm.s32 $_size_execute0_lowered;
	s3 =	sadd.s32 s3, s5;
	[dreg:$0x0] =	wrdreg $0x0  }
0xa8: {  	s5 =	sshll.u32 s28, $0x1;
	[dreg:$0x2] =	wrdreg s3  }
0xa9: {  	[dreg:$0x3] =	wrdreg s5  }
0xaa: {  	[dreg:$0x4] =	wrdreg $0xC0  }
0xab: {  	_ =	task [dreg:s7], $0x5FFFF  }
0xac: {  	[dreg:$0x1] =	wrdreg $0xFFFFFFFF  }
0xad: {  	[dreg:$0x0] =	wrdreg $0x60  }
0xae: {  	[dreg:$0x2] =	wrdreg s24  }
0xaf: {  	[dreg:$0x3] =	wrdreg s2  }
0xb0: {  	[dreg:$0x4] =	wrdreg $0x9  }
0xb1: {  	_ =	task.clear_ibuf [dreg:s7], $0x5FFFF;
	_ =	strace $0x90000046  }
0xb2: {  	s29 =	simm.s32 $0x9;
	_ =	strace $0x80000048  }
0xb3: {  	_ =	swait.ge [sflag:s29], $0x1  }
0xb4: {  	[sflag:s29] =	ssyncadd.s32 $0xFFFFFFFF  }
0xb5: {  	_ =	strace $0x90000048  }
0xb6: {  	_ =	sfence  }
0xb7: {  	s30 =	sld [smem:$0x0];
	_ =	sdelay $0x2  }
0xb8: {  	s31 =	sshll.u32 s1, $0xD;
	s1 =	sshrl.u32 s1, $0x2  }
0xb9: {  	s3 =	sand.u32 $0x4000, s31;
	s1 =	sadd.s32 s1, s30  }
0xba: {  	s0 =	sor.u32 s3, s0;
	s1 =	sshll.u32 s1, $0x11  }
0xbb: {  	s0 =	sor.u32 s1, s0  }
0xbc: {  	s0 =	sadd.s32 $0x8F2B, s0  }
0xbd: {  	[sflag:s0] =	ssyncadd.remote.s32 $0x1  }
0xbe: {  	_ =	sfence.sel $0xFFFF  }
0xbf: {  	[dreg:$0x0] =	wrdreg $0xFFFFFFFF;
	(pc) =	sbr.abs _section_cstart, $3  }
0xc0: {  	[dreg:$0x1] =	wrdreg $0xFFFFFFFF  }
0xc1: {  	_ =	task.clear_ibuf [dreg:s7], $0x2FFFF;
	_ =	strace $0x9FFFFFFF  }
0xc2: {  	(tm) =	ssettm $0x7FFFFFFF  }
0xc3: {  	_ =	shalt  }
tec
execute0_lowered:
.L_overlay_start_1:
0x0: {  	(tag) =	ssettag $0x1  }
0x1: {  	s3 =	stileid.u32;
	v0 =	vlaneseq.u32  }
0x2: {  	s0 =	rddreg [dreg:$0x0];
	s4 =	sshll.u32 s3, $0x1;
	s3 =	simm.s32 $0x0;
	v14 =	vmul.u32 $0x88, v0  }
0x3: {  	[smem:$0x7FF] =	sst s3  }
0x4: {  	s2 =	rddreg [dreg:$0x1];
	_ =	strace $0x80000047;
	v10 =	vadd.s32 $0x1107, v14;
	[tilespmem:$0x1FFB0] =	vst v14  }
0x5: {  	v34 =	vadd.s32 $0x880, v14;
	[tilespmem:$0x1FE10] =	vst v10  }
0x6: {  	v8 =	vadd.s32 $0x1100, v14;
	[tilespmem:$0x1FE20] =	vst v34  }
0x7: {  	v0 =	vadd.s32 $0x1980, v14;
	[tilespmem:$0x1FE30] =	vst v8  }
0x8: {  	v11 =	vadd.s32 $0x881, v14;
	[tilespmem:$0x1FE40] =	vst v0  }
0x9: {  	v12 =	vadd.s32 $0x1101, v14;
	[tilespmem:$0x1FE50] =	vst v11  }
0xa: {  	v13 =	vadd.s32 $0x1981, v14;
	[tilespmem:$0x1FE60] =	vst v12  }
0xb: {  	v33 =	vor.u32 $0x2, v14;
	[tilespmem:$0x1FE70] =	vst v13  }
0xc: {  	v4 =	vadd.s32 $0x882, v14;
	[tilespmem:$0x1FE80] =	vst v33  }
0xd: {  	v16 =	vadd.s32 $0x1102, v14;
	[tilespmem:$0x1FE90] =	vst v4  }
0xe: {  	v17 =	vadd.s32 $0x1982, v14;
	[tilespmem:$0x1FEA0] =	vst v16  }
0xf: {  	v9 =	vor.u32 $0x1, v14;
	[tilespmem:$0x1FEB0] =	vst v17  }
0x10: {  	v62 =	vadd.s32 $0x883, v14;
	[tilespmem:$0x1FEC0] =	vst v9  }
0x11: {  	v20 =	vadd.s32 $0x1103, v14;
	[tilespmem:$0x1FED0] =	vst v62  }
0x12: {  	v21 =	vadd.s32 $0x1983, v14;
	[tilespmem:$0x1FEE0] =	vst v20  }
0x13: {  	v22 =	vor.u32 $0x4, v14;
	[tilespmem:$0x1FEF0] =	vst v21  }
0x14: {  	v23 =	vadd.s32 $0x884, v14;
	[tilespmem:$0x1FF00] =	vst v22  }
0x15: {  	v24 =	vadd.s32 $0x1104, v14;
	[tilespmem:$0x1FF10] =	vst v23  }
0x16: {  	v7 =	vadd.s32 $0x1984, v14;
	[tilespmem:$0x1FF20] =	vst v24  }
0x17: {  	s1 =	srdreg.scid;
	s18 =	simm.s32 $0x80;
	v27 =	vadd.s32 $0x885, v14;
	[tilespmem:$0x1FF30] =	vst v7  }
0x18: {  	s21 =	simm.s32 $0x1;
	s22 =	simm.s32 $0x8B00;
	s15 =	simm.s32 $0x4;
	v28 =	vadd.s32 $0x1105, v14;
	[tilespmem:$0x1FF40] =	vst v27  }
0x19: {  	s17 =	simm.s32 $0xAD00;
	s23 =	simm.s32 $0xCC58;
	s24 =	simm.s32 $0xCCE0;
	v29 =	vadd.s32 $0x1985, v14;
	[tilespmem:$0x1FF50] =	vst v28  }
0x1a: {  	s25 =	simm.s32 $0xCD68;
	s26 =	simm.s32 $0xCDF0;
	s28 =	simm.s32 $0xCE78;
	v15 =	vor.u32 $0x3, v14;
	[tilespmem:$0x1FF60] =	vst v29  }
0x1b: {  	s1 =	sand.u32 $0x1, s1;
	s8 =	sadd.s32 $0x400, s2;
	s9 =	sadd.s32 $0x800, s2;
	v31 =	vadd.s32 $0x886, v14;
	[tilespmem:$0x1FF70] =	vst v15  }
0x1c: {  	s10 =	sadd.s32 $0xC00, s2;
	s11 =	sadd.s32 $0x1000, s2;
	s5 =	sor.u32 s1, s4;
	v32 =	vadd.s32 $0x1106, v14;
	[tilespmem:$0x1FF80] =	vst v31  }
0x1d: {  	s12 =	sadd.s32 $0x1400, s2;
	s1 =	ssub.s32 $0x2, s1;
	s4 =	smul.u32 $0x320, s5;
	v3 =	vor.u32 $0x7, v14;
	[tilespmem:$0x1FF90] =	vst v32  }
0x1e: {  	s13 =	sadd.s32 $0x1800, s2;
	s14 =	sadd.s32 $0x1C00, s2;
	s6 =	sshrl.u32 s1, $0x1;
	v25 =	vor.u32 $0x5, v14;
	[tilespmem:$0x1FFA0] =	vst v3  }
0x1f: {  	v30 =	vor.u32 $0x6, v14;
	[tilespmem:$0x1FFC0] =	vst v25;
	s7 =	sadd.s32 s4, s0;
	s4 =	sadd.s32 $0x7000, s0;
	s0 =	sadd.s32 $0x400, s0  }
0x20: {  	v5 =	vadd.s32 $0x887, v14;
	s30 =	ssub.s32 s1, s6;
	[tilespmem:$0x1FFD0] =	vst v30;
	[dreg:$0x3] =	wrdreg s0;
	s31 =	sadd.s32 $0xC00, s7  }
0x21: {  	v1 =	vimm.s32 $0x0;
	vm0 =	vcmask $0x300;
	v2 =	vadd.s32 $0x1986, v14;
	s6 =	smul.u32 $0x32, s5;
	[tilespmem:$0x1FFE0] =	vst v5;
	s0 =	smax.u32 s30, $0x1;
	[dreg:$0x4] =	wrdreg s31  }
0x22: {  	v1 =	vsel vm0, $0x3, v1;
	v18 =	vadd.s32 $0x1987, v14;
	s1 =	simm.s32 $0x0;
	[tilespmem:$0x1FFF0] =	vst v2;
	s7 =	simm.s32 $0x2;
	[dreg:$0x5] =	wrdreg s0  }
.LBB2_1:
0x23: {  	[dreg:$0x6] =	wrdreg s1  }
0x24: {  	s0 =	rddreg [dreg:$0x3];
	s19 =	simm.s32 $0x1900;
	s20 =	simm.s32 $0x5  }
0x25: {  	[tilespmem:s19], [sflag:$0x5] =	stream.linear.gather [hbm4b:s0+s3], $0x3200, $0x38;
	[tilespmem:$0xCF00] =	vst v63  }
0x26: {  	_ =	swait.ge [sflag:s20], $0x3200  }
0x27: {  	[sflag:s20] =	ssyncset.done $0x0  }
0x28: {  	s30 =	rddreg [dreg:$0x4];
	[sflag:s20] =	ssyncadd.s32 $0xFFFFCE00  }
0x29: {  	[tilespmem:s3], [sflag:$0x5] =	stream.linear.gather [hbm4b:s30+s3], $0x1900, $0x38;
	[tilespmem:$0xCF00] =	vst v63  }
0x2a: {  	_ =	swait.ge [sflag:s20], $0x1900  }
0x2b: {  	[sflag:s20] =	ssyncset.done $0x0  }
0x2c: {  	s31 =	simm.s32 $0x4B00;
	s29 =	simm.s32 $0x0;
	[sflag:s20] =	ssyncadd.s32 $0xFFFFE700  }
0x2d: {  	[tilespmem:s31], [sflag:$0x1] =	stream.indirect.gather [hbm4b:s4+s18], $0x40, s3, s18, $0xb8;
	[tilespmem:$0xCF00] =	vst v63  }
.LBB2_2:
0x2e: {  	s0 =	sshll.u32 s29, $0x8  }
0x2f: {  	s31 =	sand.u32 $0x3FFFFF00, s0  }
0x30: {  	s1 =	simm.s32 $0x6B00;
	s0 =	sor.u32 $0x80, s31  }
0x31: {  	[tilespmem:s1], [sflag:$0x2] =	stream.indirect.gather [hbm4b:s4+s18], $0x40, s0, s18, $0xb8;
	[tilespmem:$0xCF00] =	vst v63  }
0x32: {  	_ =	swait.ge [sflag:s21], $0x2000  }
0x33: {  	p0 =	seq.s32 s29, $0x0;
	[sflag:s21] =	ssyncset.done $0x0  }
0x34: {  	s0 =	simm.s32 @!p0 $0x3;
	[sflag:s21] =	ssyncadd.s32 $0xFFFFE000  }
0x35: {  	_ =	swait.ge @!p0 [sflag:s0], $0x400  }
0x36: {  	[sflag:s0] =	ssyncset.done @!p0 $0x0  }
0x37: {  	[sflag:s0] =	ssyncadd.s32 @!p0 $0xFFFFFC00  }
0x38: {  	_ =	swait.ge @!p0 [sflag:s0], $0x400  }
0x39: {  	[sflag:s0] =	ssyncset.done @!p0 $0x0  }
0x3a: {  	[sflag:s0] =	ssyncadd.s32 @!p0 $0xFFFFFC00  }
0x3b: {  	_ =	swait.ge @!p0 [sflag:s0], $0x400  }
0x3c: {  	[sflag:s0] =	ssyncset.done @!p0 $0x0  }
0x3d: {  	[sflag:s0] =	ssyncadd.s32 @!p0 $0xFFFFFC00  }
0x3e: {  	_ =	swait.ge @!p0 [sflag:s0], $0x400  }
0x3f: {  	[sflag:s0] =	ssyncset.done @!p0 $0x0  }
0x40: {  	[sflag:s0] =	ssyncadd.s32 @!p0 $0xFFFFFC00  }
0x41: {  	s19 =	simm.s32 $0x0;
	_ =	swait.ge @!p0 [sflag:s0], $0x400  }
0x42: {  	s20 =	simm.s32 $0x1;
	s16 =	simm.s32 $0x3;
	[sflag:s0] =	ssyncset.done @!p0 $0x0  }
0x43: {  	s5 =	simm.s32 $0x2;
	v58 =	vmov s19;
	v36 =	vmov s16;
	s16 =	simm.s32 $0x4;
	[sflag:s0] =	ssyncadd.s32 @!p0 $0xFFFFFC00  }
0x44: {  	v6 =	vmovc v33;
	v34 =	vmov s20;
	v35 =	vmov s5;
	s19 =	simm.s32 $0x5;
	s20 =	simm.s32 $0x6;
	v33 =	vshrl.u32 v58, $0x3;
	_ =	swait.ge @!p0 [sflag:s0], $0x400  }
0x45: {  	s5 =	simm.s32 $0xD;
	v37 =	vmov s16;
	v38 =	vmov s19;
	v39 =	vmov s20;
	[sflag:s0] =	ssyncset.done @!p0 $0x0  }
0x46: {  	s16 =	simm.s32 $0x7;
	s19 =	simm.s32 $0x8;
	v46 =	vmov s5;
	v59 =	vshrl.u32 v34, $0x3;
	v60 =	vshrl.u32 v35, $0x3;
	[sflag:s0] =	ssyncadd.s32 @!p0 $0xFFFFFC00  }
0x47: {  	s20 =	simm.s32 $0x9;
	v48 =	vshrl.u32 v36, $0x3;
	v40 =	vmov s16;
	v41 =	vmov s19;
	_ =	swait.ge @!p0 [sflag:s0], $0x400  }
0x48: {  	v42 =	vmov s20;
	s19 =	simm.s32 $0xB;
	v7 =	vshll.u32 v33, v1;
	v37 =	vshrl.u32 v37, $0x3;
	[sflag:s0] =	ssyncset.done @!p0 $0x0  }
0x49: {  	s5 =	simm.s32 $0xF;
	v38 =	vshrl.u32 v38, $0x3;
	v39 =	vshrl.u32 v39, $0x3;
	v44 =	vmov s19;
	s19 =	sshll.u32 s29, $0x1;
	[tilespmem:$0x1FE00] =	vst v7;
	[sflag:s0] =	ssyncadd.s32 @!p0 $0xFFFFFC00  }
0x4a: {  	s20 =	simm.s32 $0xC;
	v49 =	vshll.u32 v59, v1;
	v52 =	vshrl.u32 v46, $0x3;
	v50 =	vshll.u32 v60, v1;
	s1 =	sadd.s32 s6, s19;
	_ =	swait.ge @!p0 [sflag:s0], $0x400  }
0x4b: {  	s16 =	simm.s32 $0xA;
	v48 =	vshll.u32 v48, v1;
	v61 =	vmov s5;
	v45 =	vmov s20;
	s20 =	sshll.u32 s1, $0x3;
	[sflag:s0] =	ssyncset.done @!p0 $0x0  }
0x4c: {  	v43 =	vmov s16;
	v40 =	vshrl.u32 v40, $0x3;
	v41 =	vshrl.u32 v41, $0x3;
	s30 =	sand.u32 $0x3FFFFFC0, s20;
	[sflag:s0] =	ssyncadd.s32 @!p0 $0xFFFFFC00  }
0x4d: {  	v42 =	vshrl.u32 v42, $0x3;
	v37 =	vshll.u32 v37, v1;
	v38 =	vshll.u32 v38, v1;
	v36 =	vld [tilespmem:s30+$0x1900]  }
0x4e: {  	s16 =	simm.s32 $0xE;
	v51 =	vshrl.u32 v61, $0x3;
	v46 =	vshll.u32 v39, v1;
	v50 =	vbroadcast v50, $0x0;
	v35 =	vld [tilespmem:s30+$0x1910]  }
0x4f: {  	v19 =	vbroadcast v48, $0x0;
	v61 =	vshll.u32 v52, v1;
	v47 =	vmov s16;
	v34 =	vld [tilespmem:s30+$0x1920]  }
0x50: {  	v43 =	vshrl.u32 v43, $0x3;
	v44 =	vshrl.u32 v44, $0x3;
	v51 =	vshll.u32 v51, v1;
	s0 =	simm.s32 $0x4D00;
	v33 =	vld [tilespmem:s30+$0x1930]  }
0x51: {  	v45 =	vshrl.u32 v45, $0x3;
	v56 =	vshll.u32 v41, v1;
	v54 =	vbroadcast v51, $0x0;
	v41 =	vld [tilespmem:s0+$0x1C0]  }
0x52: {  	v53 =	vshll.u32 v40, v1;
	v57 =	vshll.u32 v42, v1;
	v7 =	vbroadcast v49, $0x0;
	v55 =	vld [tilespmem:s0+$0xFFFFFE40]  }
0x53: {  	v51 =	vshll.u32 v44, v1;
	v58 =	vshll.u32 v45, v1;
	v45 =	vadd.s32 v3, v54;
	v44 =	vld [tilespmem:s0+$0xFFFFFE80]  }
0x54: {  	v26 =	vmovc v22;
	v22 =	vmovc v62;
	v52 =	vbroadcast v37, $0x0;
	v47 =	vshrl.u32 v47, $0x3;
	v59 =	vadd.s32 v9, v7;
	v60 =	vld [tilespmem:s0+$0xFFFFFEC0]  }
0x55: {  	v10 =	vmovc v14;
	v62 =	vadd.s32 v6, v50;
	v48 =	vshll.u32 v47, v1;
	v49 =	vshll.u32 v43, v1;
	v63 =	vld [tilespmem:s0+$0xFFFFFF00]  }
0x56: {  	v14 =	vmovc v15;
	v43 =	vadd.s32 v15, v19;
	v15 =	vmovc v11;
	v11 =	vbroadcast v38, $0x0;
	v47 =	vld [tilespmem:s0+$0xFFFFFF40];
	v38 =	vadd.f32 v41, v36  }
0x57: {  	v39 =	vadd.s32 v26, v52;
	v37 =	vadd.f32 v55, v36;
	v41 =	vld [tilespmem:s0+$0xFFFFFF80];
	v55 =	vbroadcast v46, $0x0  }
0x58: {  	v40 =	vadd.s32 v25, v11;
	v42 =	vld [tilespmem:s0+$0xFFFFFFC0];
	v44 =	vadd.f32 v44, v36;
	v46 =	vbroadcast v53, $0x0;
	[tilespmem:v45+s22+$0x0] =	vst.idx.msk $0xffff, v38  }
0x59: {  	[tilespmem:v59+s22+$0x0] =	vst.idx.msk $0xffff, v37;
	v37 =	vadd.f32 v60, v36;
	v38 =	vadd.s32 v30, v55;
	v59 =	vld [tilespmem:s0+$0x1D0]  }
0x5a: {  	v53 =	vbroadcast v56, $0x0;
	[tilespmem:v62+s22+$0x0] =	vst.idx.msk $0xffff, v44;
	v45 =	vadd.f32 v63, v36;
	v60 =	vadd.s32 v3, v46;
	v62 =	vld [tilespmem:s0+$0x0]  }
0x5b: {  	v56 =	vld [tilespmem:s0+$0x80];
	[tilespmem:v43+s22+$0x0] =	vst.idx.msk $0xffff, v37;
	v37 =	vadd.f32 v47, v36;
	v47 =	vadd.s32 v5, v54  }
0x5c: {  	v44 =	vbroadcast v57, $0x0;
	v43 =	vld [tilespmem:s0+$0x40];
	[tilespmem:v39+s22+$0x0] =	vst.idx.msk $0xffff, v45;
	v63 =	vadd.f32 v41, v36;
	v41 =	vadd.s32 v10, v53  }
0x5d: {  	v57 =	vld [tilespmem:s0+$0xC0];
	v45 =	vbroadcast v49, $0x0;
	[tilespmem:v40+s22+$0x0] =	vst.idx.msk $0xffff, v37;
	v37 =	vadd.f32 v42, v36  }
0x5e: {  	v49 =	vadd.s32 v9, v44;
	[tilespmem:v38+s22+$0x0] =	vst.idx.msk $0xffff, v63;
	v63 =	vld [tilespmem:s0+$0x100];
	v38 =	vadd.f32 v59, v35  }
0x5f: {  	v42 =	vbroadcast v51, $0x0;
	v51 =	vadd.s32 v6, v45;
	[tilespmem:v60+s22+$0x0] =	vst.idx.msk $0xffff, v37;
	v37 =	vadd.f32 v62, v36;
	v60 =	vld [tilespmem:s0+$0x140]  }
0x60: {  	v39 =	vbroadcast v58, $0x0;
	v9 =	vmov v0;
	v0 =	vbroadcast v61, $0x0;
	v62 =	vld [tilespmem:s0+$0x180];
	[tilespmem:v47+s22+$0x0] =	vst.idx.msk $0xffff, v38  }
0x61: {  	v6 =	vbroadcast v48, $0x0;
	v59 =	vadd.s32 v14, v42;
	v43 =	vadd.f32 v43, v36;
	[tilespmem:v41+s22+$0x0] =	vst.idx.msk $0xffff, v37;
	v48 =	vld [tilespmem:s0+$0x1E0]  }
0x62: {  	v61 =	vadd.s32 v26, v39;
	v41 =	vadd.f32 v56, v36;
	v14 =	vld [tilespmem:$0x1FE00]  }
0x63: {  	v47 =	vadd.s32 v25, v0;
	[tilespmem:v49+s22+$0x0] =	vst.idx.msk $0xffff, v43;
	v43 =	vadd.f32 v57, v36;
	v57 =	vld [tilespmem:s0+$0xFFFFFE50]  }
0x64: {  	v49 =	vadd.s32 v30, v6;
	[tilespmem:v51+s22+$0x0] =	vst.idx.msk $0xffff, v41;
	v38 =	vadd.f32 v63, v36;
	v63 =	vld [tilespmem:s0+$0xFFFFFE90]  }
0x65: {  	v40 =	vmov v6;
	v6 =	vld [tilespmem:$0x1FE10]  }
0x66: {  	[tilespmem:v59+s22+$0x0] =	vst.idx.msk $0xffff, v43;
	v43 =	vadd.f32 v60, v36;
	v59 =	vadd.s32 v15, v7;
	v60 =	vld [tilespmem:s0+$0xFFFFFED0]  }
0x67: {  	[tilespmem:v61+s22+$0x0] =	vst.idx.msk $0xffff, v38;
	v38 =	vadd.f32 v62, v36;
	v61 =	vadd.s32 v4, v50;
	v62 =	vld [tilespmem:s0+$0xFFFFFF10]  }
0x68: {  	[tilespmem:v47+s22+$0x0] =	vst.idx.msk $0xffff, v43;
	v43 =	vadd.f32 v48, v34;
	v48 =	vadd.s32 v22, v19  }
0x69: {  	v56 =	vld [tilespmem:s0+$0xFFFFFE00];
	v37 =	vbroadcast v14, $0x0;
	[tilespmem:v49+s22+$0x0] =	vst.idx.msk $0xffff, v38;
	v38 =	vadd.f32 v57, v35;
	v49 =	vadd.s32 v23, v52  }
0x6a: {  	v63 =	vadd.f32 v63, v35;
	v51 =	vadd.s32 v6, v54  }
0x6b: {  	v58 =	vadd.s32 v10, v37;
	[tilespmem:v59+s22+$0x0] =	vst.idx.msk $0xffff, v38;
	v41 =	vadd.f32 v60, v35  }
0x6c: {  	[tilespmem:v61+s22+$0x0] =	vst.idx.msk $0xffff, v63;
	v38 =	vadd.f32 v62, v35  }
0x6d: {  	[tilespmem:v48+s22+$0x0] =	vst.idx.msk $0xffff, v41  }
0x6e: {  	v47 =	vadd.f32 v56, v36;
	v56 =	vld [tilespmem:s0+$0xFFFFFF50];
	[tilespmem:v49+s22+$0x0] =	vst.idx.msk $0xffff, v38  }
0x6f: {  	v57 =	vld [tilespmem:s0+$0xFFFFFF90];
	[tilespmem:v51+s22+$0x0] =	vst.idx.msk $0xffff, v43  }
0x70: {  	v59 =	vld [tilespmem:s0+$0xFFFFFFD0];
	[tilespmem:v58+s22+$0x0] =	vst.idx.msk $0xffff, v47;
	v47 =	vadd.s32 v27, v11  }
0x71: {  	v14 =	vld [tilespmem:$0x1FE20]  }
0x72: {  	v48 =	vadd.s32 v5, v46;
	v51 =	vld [tilespmem:s0+$0x1F0]  }
0x73: {  	v62 =	vadd.f32 v56, v35;
	v56 =	vld [tilespmem:s0+$0x50];
	v58 =	vadd.s32 v31, v55  }
0x74: {  	v60 =	vld [tilespmem:s0+$0x10];
	v54 =	vadd.s32 v18, v54  }
0x75: {  	v41 =	vadd.s32 v15, v44;
	v38 =	vadd.f32 v59, v35;
	[tilespmem:v47+s22+$0x0] =	vst.idx.msk $0xffff, v62;
	v47 =	vld [tilespmem:s0+$0xD0]  }
0x76: {  	v63 =	vadd.f32 v57, v35;
	v57 =	vld [tilespmem:s0+$0x90];
	v49 =	vadd.s32 v14, v53  }
0x77: {  	v61 =	vadd.s32 v22, v42;
	[tilespmem:v48+s22+$0x0] =	vst.idx.msk $0xffff, v38;
	v62 =	vld [tilespmem:s0+$0x150];
	v51 =	vadd.f32 v51, v33  }
0x78: {  	v59 =	vld [tilespmem:s0+$0x110];
	[tilespmem:v58+s22+$0x0] =	vst.idx.msk $0xffff, v63;
	v58 =	vadd.s32 v4, v45;
	v63 =	vadd.f32 v56, v35  }
0x79: {  	v60 =	vadd.f32 v60, v35;
	v56 =	vadd.s32 v27, v0;
	[tilespmem:v54+s22+$0x0] =	vst.idx.msk $0xffff, v51;
	v54 =	vld [tilespmem:s0+$0xFFFFFE10]  }
0x7a: {  	v48 =	vadd.s32 v23, v39;
	[tilespmem:v41+s22+$0x0] =	vst.idx.msk $0xffff, v63;
	v51 =	vld [tilespmem:s0+$0x190];
	v38 =	vadd.f32 v47, v35  }
0x7b: {  	v47 =	vadd.s32 v14, v37;
	[tilespmem:v49+s22+$0x0] =	vst.idx.msk $0xffff, v60;
	v49 =	vadd.f32 v57, v35;
	v57 =	vld [tilespmem:s0+$0xFFFFFE60]  }
0x7c: {  	v43 =	vadd.s32 v31, v40;
	v60 =	vld [tilespmem:s0+$0xFFFFFEA0];
	[tilespmem:v61+s22+$0x0] =	vst.idx.msk $0xffff, v38;
	v38 =	vadd.f32 v62, v35  }
0x7d: {  	[tilespmem:v58+s22+$0x0] =	vst.idx.msk $0xffff, v49;
	v49 =	vadd.f32 v59, v35;
	v58 =	vadd.s32 v12, v7;
	v59 =	vld [tilespmem:s0+$0xFFFFFEE0]  }
0x7e: {  	v61 =	vadd.s32 v16, v50;
	v63 =	vadd.f32 v54, v35;
	v54 =	vld [tilespmem:s0+$0xFFFFFF60];
	[tilespmem:v56+s22+$0x0] =	vst.idx.msk $0xffff, v38  }
0x7f: {  	v62 =	vld [tilespmem:s0+$0xFFFFFF20];
	[tilespmem:v48+s22+$0x0] =	vst.idx.msk $0xffff, v49;
	v48 =	vadd.f32 v51, v35;
	v51 =	vadd.s32 v20, v19  }
0x80: {  	[tilespmem:v47+s22+$0x0] =	vst.idx.msk $0xffff, v63;
	v47 =	vadd.s32 v28, v11;
	v38 =	vadd.f32 v57, v34;
	v57 =	vld [tilespmem:s0+$0xFFFFFFA0]  }
0x81: {  	v56 =	vadd.s32 v24, v52;
	v63 =	vadd.f32 v60, v34;
	[tilespmem:v43+s22+$0x0] =	vst.idx.msk $0xffff, v48;
	v48 =	vld [tilespmem:s0+$0xFFFFFFE0]  }
0x82: {  	[tilespmem:v58+s22+$0x0] =	vst.idx.msk $0xffff, v38;
	v41 =	vadd.f32 v59, v34;
	v58 =	vld [tilespmem:s0+$0x20]  }
0x83: {  	v49 =	vadd.s32 v32, v55;
	[tilespmem:v61+s22+$0x0] =	vst.idx.msk $0xffff, v63;
	v38 =	vld [tilespmem:s0+$0x60];
	v61 =	vadd.f32 v54, v34  }
0x84: {  	v43 =	vadd.f32 v62, v34;
	v59 =	vadd.s32 v6, v46;
	v54 =	vld [tilespmem:s0+$0xA0];
	[tilespmem:v51+s22+$0x0] =	vst.idx.msk $0xffff, v41  }
0x85: {  	v51 =	vadd.s32 v8, v53;
	[tilespmem:v47+s22+$0x0] =	vst.idx.msk $0xffff, v61;
	v47 =	vld [tilespmem:s0+$0x120]  }
0x86: {  	[tilespmem:v56+s22+$0x0] =	vst.idx.msk $0xffff, v43;
	v56 =	vadd.s32 v12, v44;
	v61 =	vld [tilespmem:s0+$0xFFFFFE20];
	v62 =	vadd.f32 v57, v34  }
0x87: {  	v57 =	vld [tilespmem:s0+$0xE0];
	v63 =	vadd.f32 v48, v34  }
0x88: {  	v60 =	vadd.s32 v24, v39;
	v48 =	vld [tilespmem:s0+$0x160];
	[tilespmem:v49+s22+$0x0] =	vst.idx.msk $0xffff, v62;
	v43 =	vadd.f32 v58, v34  }
0x89: {  	v49 =	vadd.s32 v16, v45;
	v38 =	vadd.f32 v38, v34;
	v58 =	vld [tilespmem:s0+$0x1A0];
	[tilespmem:v59+s22+$0x0] =	vst.idx.msk $0xffff, v63  }
0x8a: {  	v62 =	vld [tilespmem:s0+$0xFFFFFEB0];
	v59 =	vadd.s32 v20, v42;
	[tilespmem:v51+s22+$0x0] =	vst.idx.msk $0xffff, v43;
	v43 =	vadd.f32 v54, v34  }
0x8b: {  	v51 =	vadd.s32 v28, v0;
	v54 =	vld [tilespmem:s0+$0xFFFFFE70];
	[tilespmem:v56+s22+$0x0] =	vst.idx.msk $0xffff, v38;
	v47 =	vadd.f32 v47, v34  }
0x8c: {  	v10 =	vmovc v37;
	v56 =	vadd.s32 v32, v40;
	v41 =	vadd.f32 v57, v34;
	v57 =	vadd.s32 v8, v37;
	v37 =	vld [tilespmem:s0+$0xFFFFFEF0]  }
0x8d: {  	v55 =	vadd.s32 v2, v55;
	v63 =	vadd.s32 v13, v7;
	[tilespmem:v60+s22+$0x0] =	vst.idx.msk $0xffff, v47;
	v60 =	vld [tilespmem:s0+$0xFFFFFFB0]  }
0x8e: {  	v48 =	vadd.f32 v48, v34;
	[tilespmem:v49+s22+$0x0] =	vst.idx.msk $0xffff, v43;
	v49 =	vadd.s32 v17, v50;
	v50 =	vld [tilespmem:s0+$0xFFFFFF30]  }
0x8f: {  	s16 =	simm.s32 $0x10;
	v58 =	vadd.f32 v58, v34;
	v43 =	vadd.f32 v61, v34;
	v61 =	vld [tilespmem:s0+$0xFFFFFF70];
	[tilespmem:v59+s22+$0x0] =	vst.idx.msk $0xffff, v41  }
0x90: {  	v38 =	vmov s16;
	v59 =	vadd.s32 v21, v19;
	v54 =	vadd.f32 v54, v33;
	v6 =	vld [tilespmem:$0x1FF30];
	[tilespmem:v51+s22+$0x0] =	vst.idx.msk $0xffff, v48  }
0x91: {  	v41 =	vshrl.u32 v38, $0x3;
	v38 =	vld [tilespmem:s0+$0xFFFFFFF0];
	v51 =	vadd.f32 v62, v33;
	v62 =	vadd.s32 v29, v11;
	[tilespmem:v56+s22+$0x0] =	vst.idx.msk $0xffff, v58  }
0x92: {  	v46 =	vadd.s32 v18, v46;
	v44 =	vadd.s32 v13, v44;
	[tilespmem:v57+s22+$0x0] =	vst.idx.msk $0xffff, v43;
	v57 =	vld [tilespmem:s0+$0x70]  }
0x93: {  	v53 =	vadd.s32 v9, v53;
	v37 =	vadd.f32 v37, v33;
	[tilespmem:v63+s22+$0x0] =	vst.idx.msk $0xffff, v54;
	v63 =	vld [tilespmem:s0+$0xB0]  }
0x94: {  	v61 =	vadd.f32 v61, v33;
	[tilespmem:v49+s22+$0x0] =	vst.idx.msk $0xffff, v51;
	v49 =	vadd.f32 v60, v33;
	v60 =	vld [tilespmem:s0+$0xF0]  }
0x95: {  	s19 =	simm.s32 $0x11;
	v45 =	vadd.s32 v17, v45;
	v58 =	vld [tilespmem:s0+$0x30];
	[tilespmem:v59+s22+$0x0] =	vst.idx.msk $0xffff, v37;
	v52 =	vadd.s32 v6, v52  }
0x96: {  	s20 =	simm.s32 $0x12;
	v7 =	vmov s19;
	v41 =	vshll.u32 v41, v1;
	v38 =	vadd.f32 v38, v33;
	[tilespmem:v62+s22+$0x0] =	vst.idx.msk $0xffff, v61  }
0x97: {  	s16 =	simm.s32 $0x13;
	v19 =	vmov s20;
	v43 =	vadd.s32 v21, v42;
	v62 =	vld [tilespmem:s0+$0x1B0];
	[tilespmem:v55+s22+$0x0] =	vst.idx.msk $0xffff, v49;
	v57 =	vadd.f32 v57, v33  }
0x98: {  	s19 =	simm.s32 $0x14;
	v56 =	vmov s16;
	v50 =	vadd.f32 v50, v33;
	v49 =	vld [tilespmem:s0+$0xFFFFFE30];
	[tilespmem:v46+s22+$0x0] =	vst.idx.msk $0xffff, v38;
	v63 =	vadd.f32 v63, v33  }
0x99: {  	v48 =	vmov s19;
	s16 =	simm.s32 $0x16;
	v59 =	vld [tilespmem:s0+$0x130];
	v38 =	vadd.f32 v60, v33;
	v60 =	vadd.s32 v2, v40;
	[tilespmem:v44+s22+$0x0] =	vst.idx.msk $0xffff, v57  }
0x9a: {  	s20 =	simm.s32 $0x15;
	v47 =	vmov s16;
	v40 =	vadd.s32 v9, v10;
	[tilespmem:v52+s22+$0x0] =	vst.idx.msk $0xffff, v50;
	v50 =	vadd.f32 v58, v33;
	v58 =	vld [tilespmem:s0+$0x170]  }
0x9b: {  	v48 =	vshrl.u32 v48, $0x3;
	v54 =	vmov s20;
	v39 =	vadd.s32 v6, v39;
	[tilespmem:v45+s22+$0x0] =	vst.idx.msk $0xffff, v63  }
0x9c: {  	s19 =	simm.s32 $0x17;
	s16 =	simm.s32 $0x19;
	v47 =	vshrl.u32 v47, $0x3;
	v37 =	vadd.s32 v29, v0;
	v62 =	vadd.f32 v62, v33;
	[tilespmem:v43+s22+$0x0] =	vst.idx.msk $0xffff, v38  }
0x9d: {  	v51 =	vmov s19;
	s19 =	simm.s32 $0x1A;
	v61 =	vmov s16;
	v63 =	vadd.f32 v49, v33;
	[tilespmem:v53+s22+$0x0] =	vst.idx.msk $0xffff, v50  }
0x9e: {  	s20 =	simm.s32 $0x18;
	v55 =	vmov s19;
	s19 =	simm.s32 $0x1D;
	v46 =	vshrl.u32 v56, $0x3;
	v50 =	vadd.f32 v59, v33;
	[tilespmem:v60+s22+$0x0] =	vst.idx.msk $0xffff, v62  }
0x9f: {  	v57 =	vmov s19;
	v52 =	vmov s20;
	s20 =	simm.s32 $0x1B;
	[tilespmem:v40+s22+$0x0] =	vst.idx.msk $0xffff, v63;
	v44 =	vadd.f32 v58, v33  }
0xa0: {  	v11 =	vmovc v15;
	s16 =	simm.s32 $0x1C;
	v45 =	vshrl.u32 v19, $0x3;
	v49 =	vshrl.u32 v54, $0x3;
	v42 =	vmov s20;
	s20 =	simm.s32 $0x1E;
	[tilespmem:v39+s22+$0x0] =	vst.idx.msk $0xffff, v50  }
0xa1: {  	v15 =	vmovc v4;
	v29 =	vmovc v18;
	v38 =	vshrl.u32 v55, $0x3;
	v53 =	vmov s16;
	v59 =	vmov s20;
	[tilespmem:v37+s22+$0x0] =	vst.idx.msk $0xffff, v44  }
0xa2: {  	v6 =	vmovc v3;
	v9 =	vmovc v5;
	v43 =	vshrl.u32 v42, $0x3;
	v40 =	vshrl.u32 v57, $0x3;
	v42 =	vshrl.u32 v59, $0x3;
	v10 =	vld [tilespmem:$0x1FEC0]  }
0xa3: {  	v19 =	vmovc v22;
	v50 =	vshrl.u32 v51, $0x3;
	v39 =	vshrl.u32 v53, $0x3;
	v58 =	vshrl.u32 v7, $0x3;
	v7 =	vmovc v14;
	v14 =	vld [tilespmem:$0x1FE80]  }
0xa4: {  	s5 =	simm.s32 $0x20;
	s19 =	simm.s32 $0x1F;
	v22 =	vmovc v26;
	v26 =	vmovc v25;
	s16 =	sshrl.u32 s1, $0x3;
	v51 =	vshll.u32 v58, v1;
	v37 =	vshrl.u32 v52, $0x3;
	v44 =	vshrl.u32 v61, $0x3;
	v18 =	vld [tilespmem:$0x1FF70]  }
.LBB2_3:
0xa5: {  	v45 =	vshll.u32 v45, v1  }
0xa6: {  	v46 =	vshll.u32 v46, v1;
	v52 =	vmov s19;
	v48 =	vshll.u32 v48, v1  }
0xa7: {  	v53 =	vshll.u32 v49, v1;
	v47 =	vshll.u32 v47, v1;
	s0 =	sadd.s32 $0x400, s0;
	v25 =	vld [tilespmem:$0x1FFB0];
	v62 =	vshrl.u32 v52, $0x3  }
0xa8: {  	v54 =	vshll.u32 v50, v1;
	v58 =	vld [tilespmem:s0+$0xFFFFFE80];
	v50 =	vbroadcast v45, $0x0;
	v49 =	vshll.u32 v62, v1  }
0xa9: {  	v37 =	vshll.u32 v37, v1;
	v55 =	vshll.u32 v44, v1;
	v56 =	vld [tilespmem:s0+$0x1C0];
	v52 =	vbroadcast v49, $0x0  }
0xaa: {  	v51 =	vbroadcast v51, $0x0;
	v57 =	vld [tilespmem:s0+$0xFFFFFE40];
	v62 =	vshll.u32 v40, v1;
	v40 =	vadd.s32 v14, v50  }
0xab: {  	v38 =	vshll.u32 v38, v1;
	v49 =	vbroadcast v46, $0x0;
	v46 =	vld [tilespmem:s0+$0xFFFFFF00];
	v45 =	vadd.s32 v6, v52  }
0xac: {  	v59 =	vshll.u32 v39, v1;
	v63 =	vshll.u32 v42, v1;
	v61 =	vld [tilespmem:s0+$0xFFFFFEC0];
	v48 =	vbroadcast v48, $0x0  }
0xad: {  	v5 =	vld [tilespmem:$0x1FE10];
	v42 =	vbroadcast v47, $0x0;
	v60 =	vadd.s32 v10, v51;
	v47 =	vadd.f32 v58, v36  }
0xae: {  	v2 =	vld [tilespmem:s0+$0xFFFFFF40];
	v44 =	vbroadcast v53, $0x0;
	v0 =	vadd.s32 v18, v49;
	v53 =	vadd.f32 v56, v36  }
0xaf: {  	v3 =	vld [tilespmem:s0+$0xFFFFFF80];
	v56 =	vadd.f32 v57, v36;
	v57 =	vadd.s32 v22, v48;
	[tilespmem:v40+s22+$0x0] =	vst.idx.msk $0xffff, v47  }
0xb0: {  	v4 =	vld [tilespmem:s0+$0xFFFFFFC0];
	v39 =	vbroadcast v54, $0x0;
	v58 =	vadd.s32 v26, v44;
	v40 =	vadd.f32 v46, v36;
	[tilespmem:v45+s22+$0x0] =	vst.idx.msk $0xffff, v53  }
0xb1: {  	v47 =	vbroadcast v37, $0x0;
	v45 =	vadd.f32 v61, v36;
	v53 =	vadd.s32 v30, v42;
	v54 =	vld [tilespmem:s0+$0x1D0]  }
0xb2: {  	[tilespmem:v60+s22+$0x0] =	vst.idx.msk $0xffff, v56;
	v56 =	vadd.s32 v6, v39;
	v60 =	vld [tilespmem:s0+$0x0];
	v46 =	vbroadcast v38, $0x0;
	v38 =	vbroadcast v62, $0x0  }
0xb3: {  	v62 =	vld [tilespmem:s0+$0x180];
	[tilespmem:v0+s22+$0x0] =	vst.idx.msk $0xffff, v45;
	v0 =	vadd.f32 v2, v36;
	v45 =	vbroadcast v55, $0x0;
	v55 =	vadd.s32 v9, v52  }
0xb4: {  	v3 =	vadd.f32 v3, v36;
	[tilespmem:v57+s22+$0x0] =	vst.idx.msk $0xffff, v40;
	v57 =	vadd.s32 v25, v47;
	v2 =	vld [tilespmem:s0+$0x40]  }
0xb5: {  	v43 =	vshll.u32 v43, v1;
	v61 =	vld [tilespmem:s0+$0x80];
	[tilespmem:v58+s22+$0x0] =	vst.idx.msk $0xffff, v0;
	v0 =	vadd.f32 v4, v36  }
0xb6: {  	v43 =	vbroadcast v43, $0x0;
	v4 =	vadd.s32 v10, v45;
	v58 =	vld [tilespmem:s0+$0xC0];
	[tilespmem:v53+s22+$0x0] =	vst.idx.msk $0xffff, v3;
	v54 =	vadd.f32 v54, v35  }
0xb7: {  	v40 =	vbroadcast v59, $0x0;
	v3 =	vadd.s32 v14, v46;
	v53 =	vld [tilespmem:s0+$0x100];
	[tilespmem:v56+s22+$0x0] =	vst.idx.msk $0xffff, v0;
	v0 =	vadd.f32 v60, v36  }
0xb8: {  	v59 =	vld [tilespmem:s0+$0x140];
	v56 =	vadd.s32 v18, v43;
	[tilespmem:v55+s22+$0x0] =	vst.idx.msk $0xffff, v54  }
0xb9: {  	v37 =	vbroadcast v63, $0x0;
	v60 =	vadd.s32 v22, v40;
	v2 =	vadd.f32 v2, v36;
	[tilespmem:v57+s22+$0x0] =	vst.idx.msk $0xffff, v0;
	v57 =	vld [tilespmem:s0+$0xFFFFFE00]  }
0xba: {  	v0 =	vadd.f32 v61, v36;
	v54 =	vadd.s32 v26, v38;
	v55 =	vld [tilespmem:s0+$0x1E0]  }
0xbb: {  	v41 =	vbroadcast v41, $0x0;
	v61 =	vld [tilespmem:s0+$0xFFFFFE90];
	[tilespmem:v4+s22+$0x0] =	vst.idx.msk $0xffff, v2;
	v2 =	vadd.f32 v58, v36;
	v4 =	vadd.s32 v30, v37  }
0xbc: {  	v58 =	vld [tilespmem:s0+$0xFFFFFE50];
	[tilespmem:v3+s22+$0x0] =	vst.idx.msk $0xffff, v0;
	v0 =	vadd.f32 v53, v36;
	v3 =	vadd.s32 v5, v52  }
0xbd: {  	v53 =	vadd.s32 v25, v41;
	v25 =	vld [tilespmem:$0x1FFF0];
	[tilespmem:v56+s22+$0x0] =	vst.idx.msk $0xffff, v2;
	v2 =	vadd.f32 v59, v36  }
0xbe: {  	v56 =	vadd.s32 v11, v51;
	v59 =	vld [tilespmem:s0+$0xFFFFFED0];
	[tilespmem:v60+s22+$0x0] =	vst.idx.msk $0xffff, v0;
	v0 =	vadd.f32 v62, v36  }
0xbf: {  	v60 =	vadd.s32 v15, v50;
	v62 =	vld [tilespmem:s0+$0xFFFFFF10];
	[tilespmem:v54+s22+$0x0] =	vst.idx.msk $0xffff, v2;
	v2 =	vadd.f32 v55, v34  }
0xc0: {  	v63 =	vadd.f32 v57, v36;
	v57 =	vld [tilespmem:s0+$0xFFFFFF50];
	v55 =	vadd.s32 v19, v49;
	[tilespmem:v4+s22+$0x0] =	vst.idx.msk $0xffff, v0  }
0xc1: {  	v0 =	vadd.f32 v58, v35;
	v4 =	vadd.s32 v23, v48;
	v58 =	vld [tilespmem:s0+$0xFFFFFF90];
	[tilespmem:v3+s22+$0x0] =	vst.idx.msk $0xffff, v2  }
0xc2: {  	[tilespmem:v53+s22+$0x0] =	vst.idx.msk $0xffff, v63;
	v2 =	vadd.f32 v61, v35;
	v3 =	vadd.s32 v27, v44;
	v53 =	vld [tilespmem:s0+$0x1F0]  }
0xc3: {  	v63 =	vadd.s32 v31, v42;
	[tilespmem:v56+s22+$0x0] =	vst.idx.msk $0xffff, v0;
	v0 =	vadd.f32 v59, v35;
	v61 =	vld [tilespmem:s0+$0xFFFFFFD0]  }
0xc4: {  	v52 =	vadd.s32 v29, v52;
	[tilespmem:v60+s22+$0x0] =	vst.idx.msk $0xffff, v2;
	v2 =	vadd.f32 v62, v35;
	v62 =	vld [tilespmem:s0+$0x10]  }
0xc5: {  	[tilespmem:v55+s22+$0x0] =	vst.idx.msk $0xffff, v0;
	v0 =	vadd.f32 v57, v35;
	v55 =	vadd.s32 v9, v39;
	v57 =	vld [tilespmem:s0+$0x50]  }
0xc6: {  	v56 =	vld [tilespmem:s0+$0x110];
	[tilespmem:v4+s22+$0x0] =	vst.idx.msk $0xffff, v2;
	v2 =	vadd.f32 v58, v35;
	v4 =	vadd.s32 v7, v47  }
0xc7: {  	v58 =	vld [tilespmem:s0+$0x90];
	[tilespmem:v3+s22+$0x0] =	vst.idx.msk $0xffff, v0;
	v0 =	vadd.s32 v11, v45;
	v53 =	vadd.f32 v53, v33  }
0xc8: {  	v3 =	vld [tilespmem:s0+$0xD0];
	[tilespmem:v63+s22+$0x0] =	vst.idx.msk $0xffff, v2;
	v2 =	vadd.f32 v61, v35  }
0xc9: {  	v54 =	vadd.s32 v15, v46;
	v61 =	vld [tilespmem:s0+$0x150];
	v59 =	vadd.f32 v62, v35;
	[tilespmem:v52+s22+$0x0] =	vst.idx.msk $0xffff, v53  }
0xca: {  	v60 =	vadd.s32 v19, v43;
	[tilespmem:v55+s22+$0x0] =	vst.idx.msk $0xffff, v2;
	v2 =	vadd.f32 v57, v35;
	v53 =	vld [tilespmem:s0+$0x190]  }
0xcb: {  	v52 =	vadd.s32 v23, v40;
	v55 =	vld [tilespmem:s0+$0xFFFFFE10];
	[tilespmem:v4+s22+$0x0] =	vst.idx.msk $0xffff, v59  }
0xcc: {  	v57 =	vadd.s32 v27, v38;
	v4 =	vadd.f32 v58, v35;
	v58 =	vld [tilespmem:s0+$0xFFFFFE60];
	[tilespmem:v0+s22+$0x0] =	vst.idx.msk $0xffff, v2  }
0xcd: {  	v59 =	vld [tilespmem:s0+$0xFFFFFEA0];
	v0 =	vadd.f32 v3, v35;
	v2 =	vadd.s32 v31, v37;
	v3 =	vadd.s32 v7, v41  }
0xce: {  	[tilespmem:v54+s22+$0x0] =	vst.idx.msk $0xffff, v4;
	v4 =	vadd.f32 v56, v35;
	v54 =	vadd.s32 v12, v51;
	v56 =	vld [tilespmem:s0+$0xFFFFFEE0]  }
0xcf: {  	[tilespmem:v60+s22+$0x0] =	vst.idx.msk $0xffff, v0;
	v0 =	vadd.f32 v61, v35;
	v60 =	vadd.s32 v16, v50;
	v61 =	vld [tilespmem:s0+$0xFFFFFF20]  }
0xd0: {  	[tilespmem:v52+s22+$0x0] =	vst.idx.msk $0xffff, v4;
	v4 =	vadd.f32 v53, v35;
	v63 =	vadd.f32 v55, v35;
	v55 =	vld [tilespmem:s0+$0xFFFFFF60]  }
0xd1: {  	v53 =	vadd.s32 v20, v49;
	[tilespmem:v57+s22+$0x0] =	vst.idx.msk $0xffff, v0;
	v0 =	vadd.f32 v58, v34;
	v58 =	vld [tilespmem:s0+$0xFFFFFFA0]  }
0xd2: {  	v57 =	vadd.s32 v24, v48;
	[tilespmem:v2+s22+$0x0] =	vst.idx.msk $0xffff, v4;
	v4 =	vld [tilespmem:s0+$0xFFFFFFE0]  }
0xd3: {  	[tilespmem:v3+s22+$0x0] =	vst.idx.msk $0xffff, v63;
	v2 =	vadd.f32 v59, v34;
	v3 =	vadd.s32 v28, v44;
	v63 =	vld [tilespmem:s0+$0x20]  }
0xd4: {  	v62 =	vadd.s32 v32, v42;
	[tilespmem:v54+s22+$0x0] =	vst.idx.msk $0xffff, v0;
	v0 =	vadd.f32 v56, v34;
	v54 =	vld [tilespmem:s0+$0x160]  }
0xd5: {  	[tilespmem:v60+s22+$0x0] =	vst.idx.msk $0xffff, v2;
	v2 =	vadd.f32 v61, v34;
	v60 =	vadd.s32 v5, v39;
	v61 =	vld [tilespmem:s0+$0x60]  }
0xd6: {  	v59 =	vld [tilespmem:s0+$0x1A0];
	[tilespmem:v53+s22+$0x0] =	vst.idx.msk $0xffff, v0;
	v0 =	vadd.f32 v55, v34;
	v53 =	vadd.s32 v8, v47  }
0xd7: {  	v55 =	vld [tilespmem:s0+$0xA0];
	[tilespmem:v57+s22+$0x0] =	vst.idx.msk $0xffff, v2;
	v2 =	vadd.f32 v58, v34;
	v57 =	vadd.s32 v12, v45  }
0xd8: {  	v58 =	vld [tilespmem:s0+$0xE0];
	[tilespmem:v3+s22+$0x0] =	vst.idx.msk $0xffff, v0;
	v0 =	vadd.f32 v4, v34  }
0xd9: {  	v3 =	vadd.s32 v16, v46;
	v4 =	vld [tilespmem:s0+$0x120];
	[tilespmem:v62+s22+$0x0] =	vst.idx.msk $0xffff, v2;
	v2 =	vadd.f32 v63, v34  }
0xda: {  	v52 =	vadd.s32 v20, v43;
	[tilespmem:v60+s22+$0x0] =	vst.idx.msk $0xffff, v0;
	v0 =	vadd.f32 v61, v34;
	v60 =	vld [tilespmem:s0+$0xFFFFFE20]  }
0xdb: {  	v56 =	vadd.s32 v24, v40;
	v5 =	vld [tilespmem:$0x1FE40];
	[tilespmem:v53+s22+$0x0] =	vst.idx.msk $0xffff, v2  }
0xdc: {  	v62 =	vmov s5;
	v61 =	vld [tilespmem:s0+$0xFFFFFEB0];
	v2 =	vadd.f32 v55, v34;
	v53 =	vadd.s32 v28, v38;
	[tilespmem:v57+s22+$0x0] =	vst.idx.msk $0xffff, v0  }
0xdd: {  	v55 =	vld [tilespmem:s0+$0xFFFFFE70];
	v0 =	vadd.f32 v58, v34;
	v57 =	vadd.s32 v32, v37;
	v58 =	vadd.s32 v8, v41  }
0xde: {  	[tilespmem:v3+s22+$0x0] =	vst.idx.msk $0xffff, v2;
	v2 =	vadd.f32 v4, v34;
	v3 =	vadd.s32 v13, v51;
	v51 =	vshrl.u32 v62, $0x3;
	v62 =	vld [tilespmem:$0x1FF30]  }
0xdf: {  	[tilespmem:v52+s22+$0x0] =	vst.idx.msk $0xffff, v0;
	v0 =	vadd.f32 v54, v34;
	v54 =	vadd.f32 v60, v34;
	v60 =	vld [tilespmem:$0x1FF60]  }
0xe0: {  	v50 =	vadd.s32 v17, v50;
	v49 =	vadd.s32 v21, v49;
	v4 =	vld [tilespmem:s0+$0xFFFFFEF0]  }
0xe1: {  	v39 =	vadd.s32 v29, v39;
	v52 =	vld [tilespmem:s0+$0xFFFFFF30];
	[tilespmem:v56+s22+$0x0] =	vst.idx.msk $0xffff, v2;
	v2 =	vadd.f32 v59, v34  }
0xe2: {  	s20 =	sadd.s32 $0x1, s5;
	v45 =	vadd.s32 v13, v45;
	v47 =	vadd.s32 v5, v47;
	v56 =	vld [tilespmem:s0+$0xFFFFFF70];
	[tilespmem:v53+s22+$0x0] =	vst.idx.msk $0xffff, v0  }
0xe3: {  	v0 =	vmov s20;
	s20 =	sadd.s32 $0x2, s5;
	v53 =	vadd.f32 v55, v33;
	v55 =	vld [tilespmem:s0+$0xFFFFFFB0];
	[tilespmem:v57+s22+$0x0] =	vst.idx.msk $0xffff, v2;
	v48 =	vadd.s32 v62, v48  }
0xe4: {  	v2 =	vmov s20;
	s20 =	sadd.s32 $0x3, s5;
	[tilespmem:v58+s22+$0x0] =	vst.idx.msk $0xffff, v54;
	v54 =	vadd.f32 v61, v33;
	v57 =	vld [tilespmem:s0+$0xFFFFFFF0];
	v44 =	vadd.s32 v60, v44  }
0xe5: {  	v58 =	vmov s20;
	s20 =	sadd.s32 $0x4, s5;
	[tilespmem:v3+s22+$0x0] =	vst.idx.msk $0xffff, v53;
	v3 =	vadd.f32 v4, v33;
	v4 =	vadd.s32 v25, v42;
	v42 =	vld [tilespmem:s0+$0x30]  }
0xe6: {  	v37 =	vadd.s32 v25, v37;
	v53 =	vmov s20;
	s20 =	sadd.s32 $0x5, s5;
	[tilespmem:v50+s22+$0x0] =	vst.idx.msk $0xffff, v54;
	v63 =	vadd.f32 v52, v33  }
0xe7: {  	v0 =	vshrl.u32 v0, $0x3;
	v52 =	vld [tilespmem:s0+$0x70];
	v54 =	vmov s20;
	s20 =	sadd.s32 $0x6, s5;
	[tilespmem:v49+s22+$0x0] =	vst.idx.msk $0xffff, v3;
	v3 =	vadd.f32 v56, v33  }
0xe8: {  	v61 =	vld [tilespmem:s0+$0xB0];
	v38 =	vadd.s32 v60, v38;
	v56 =	vmov s20;
	s20 =	sadd.s32 $0x7, s5;
	[tilespmem:v48+s22+$0x0] =	vst.idx.msk $0xffff, v63;
	v63 =	vadd.f32 v55, v33  }
0xe9: {  	v50 =	vld [tilespmem:s0+$0xF0];
	v49 =	vshrl.u32 v54, $0x3;
	v55 =	vmov s20;
	s20 =	sadd.s32 $0x8, s5;
	[tilespmem:v44+s22+$0x0] =	vst.idx.msk $0xffff, v3;
	v3 =	vadd.f32 v57, v33  }
0xea: {  	s19 =	sadd.s32 $0xD, s5;
	v44 =	vadd.s32 v17, v46;
	v46 =	vld [tilespmem:s0+$0x130];
	v57 =	vmov s20;
	s20 =	sadd.s32 $0x9, s5;
	[tilespmem:v4+s22+$0x0] =	vst.idx.msk $0xffff, v63;
	v4 =	vadd.f32 v42, v33  }
0xeb: {  	v48 =	vld [tilespmem:s0+$0xFFFFFE30];
	v42 =	vadd.s32 v21, v43;
	v63 =	vmov s19;
	v59 =	vmov s20;
	s20 =	sadd.s32 $0xA, s5;
	[tilespmem:v39+s22+$0x0] =	vst.idx.msk $0xffff, v3  }
0xec: {  	v43 =	vld [tilespmem:s0+$0x170];
	v3 =	vadd.f32 v52, v33;
	v39 =	vadd.s32 v62, v40;
	v52 =	vmov s20;
	[tilespmem:v47+s22+$0x0] =	vst.idx.msk $0xffff, v4  }
0xed: {  	v40 =	vld [tilespmem:s0+$0x1B0];
	s20 =	sadd.s32 $0xB, s5;
	v4 =	vadd.f32 v61, v33;
	v62 =	vadd.s32 v5, v41;
	v41 =	vshll.u32 v51, v1  }
0xee: {  	v47 =	vshrl.u32 v56, $0x3;
	v60 =	vmov s20;
	s20 =	sadd.s32 $0xC, s5;
	[tilespmem:v45+s22+$0x0] =	vst.idx.msk $0xffff, v3;
	v3 =	vadd.f32 v50, v33  }
0xef: {  	p1 =	slt.u32 s5, $0x70;
	v51 =	vshll.u32 v0, v1;
	v61 =	vmov s20;
	[tilespmem:v44+s22+$0x0] =	vst.idx.msk $0xffff, v4;
	v4 =	vadd.f32 v46, v33  }
.Ltmp0:
0xf0: {  	s20 =	sadd.s32 $0xE, s5;
	v45 =	vshrl.u32 v2, $0x3;
	v2 =	vadd.f32 v48, v33;
	v48 =	vshrl.u32 v53, $0x3;
	[tilespmem:v42+s22+$0x0] =	vst.idx.msk $0xffff, v3;
	(pc) =	sbr.rel @p1 .LBB2_3-.Ltmp0, $4  }
0xf1: {  	v50 =	vshrl.u32 v55, $0x3;
	v5 =	vmov s20;
	v3 =	vadd.f32 v43, v33;
	[tilespmem:v39+s22+$0x0] =	vst.idx.msk $0xffff, v4  }
0xf2: {  	v46 =	vshrl.u32 v58, $0x3;
	v44 =	vshrl.u32 v59, $0x3;
	v4 =	vadd.f32 v40, v33;
	[tilespmem:v62+s22+$0x0] =	vst.idx.msk $0xffff, v2  }
0xf3: {  	v43 =	vshrl.u32 v60, $0x3;
	v42 =	vshrl.u32 v5, $0x3;
	v39 =	vshrl.u32 v61, $0x3;
	[tilespmem:v38+s22+$0x0] =	vst.idx.msk $0xffff, v3  }
0xf4: {  	s19 =	sadd.s32 $0xF, s5;
	s5 =	sadd.s32 $0x10, s5;
	v40 =	vshrl.u32 v63, $0x3;
	v38 =	vshrl.u32 v52, $0x3;
	[tilespmem:v37+s22+$0x0] =	vst.idx.msk $0xffff, v4;
	v37 =	vshrl.u32 v57, $0x3  }
0xf5: {  	v0 =	vmov s19  }
0xf6: {  	v2 =	vshll.u32 v45, v1;
	v3 =	vshll.u32 v46, v1;
	v4 =	vshll.u32 v48, v1;
	s0 =	sadd.s32 $0x400, s0  }
0xf7: {  	v5 =	vshll.u32 v49, v1;
	v25 =	vshll.u32 v47, v1;
	v46 =	vshll.u32 v50, v1;
	v62 =	vld [tilespmem:s0+$0x1C0]  }
0xf8: {  	v47 =	vshll.u32 v37, v1;
	v37 =	vbroadcast v51, $0x0;
	v50 =	vshll.u32 v38, v1;
	v63 =	vld [tilespmem:s0+$0xFFFFFE40]  }
0xf9: {  	v0 =	vshrl.u32 v0, $0x3;
	v52 =	vld [tilespmem:s0+$0xFFFFFE80];
	v38 =	vbroadcast v2, $0x0;
	v2 =	vshll.u32 v39, v1  }
0xfa: {  	v55 =	vld [tilespmem:s0+$0xFFFFFEC0];
	v39 =	vbroadcast v3, $0x0;
	v0 =	vshll.u32 v0, v1;
	v54 =	vadd.s32 v10, v37  }
0xfb: {  	v51 =	vshll.u32 v43, v1;
	v0 =	vbroadcast v0, $0x0;
	v56 =	vadd.s32 v14, v38  }
0xfc: {  	v3 =	vshll.u32 v40, v1;
	v57 =	vld [tilespmem:s0+$0xFFFFFF00];
	v40 =	vbroadcast v4, $0x0;
	v58 =	vadd.s32 v18, v39  }
0xfd: {  	v4 =	vshll.u32 v42, v1;
	v53 =	vadd.s32 v6, v0;
	v49 =	vadd.f32 v63, v36  }
0xfe: {  	v43 =	vbroadcast v25, $0x0;
	v60 =	vadd.s32 v22, v40;
	v25 =	vadd.f32 v52, v36  }
0xff: {  	v42 =	vbroadcast v5, $0x0;
	v5 =	vadd.f32 v62, v36;
	v62 =	vadd.f32 v55, v36;
	[tilespmem:v54+s22+$0x0] =	vst.idx.msk $0xffff, v49  }
0x100: {  	v61 =	vld [tilespmem:s0+$0xFFFFFF80];
	[tilespmem:v56+s22+$0x0] =	vst.idx.msk $0xffff, v25  }
0x101: {  	v59 =	vld [tilespmem:s0+$0xFFFFFF40];
	v63 =	vadd.f32 v57, v36;
	[tilespmem:v58+s22+$0x0] =	vst.idx.msk $0xffff, v62  }
0x102: {  	v48 =	vshll.u32 v44, v1;
	v44 =	vbroadcast v46, $0x0;
	v52 =	vld [tilespmem:s0+$0xFFFFFFC0];
	v49 =	vadd.s32 v30, v43;
	[tilespmem:v53+s22+$0x0] =	vst.idx.msk $0xffff, v5  }
0x103: {  	[tilespmem:v60+s22+$0x0] =	vst.idx.msk $0xffff, v63;
	v5 =	vadd.s32 v26, v42;
	v53 =	vld [tilespmem:s0+$0x1D0]  }
0x104: {  	v55 =	vadd.s32 v6, v44;
	v6 =	vld [tilespmem:$0x1FFB0]  }
0x105: {  	v45 =	vbroadcast v47, $0x0;
	v47 =	vbroadcast v50, $0x0;
	v25 =	vadd.f32 v61, v36;
	v61 =	vld [tilespmem:s0+$0x80]  }
0x106: {  	v46 =	vbroadcast v48, $0x0;
	v57 =	vadd.f32 v59, v36;
	v59 =	vadd.s32 v9, v0;
	v58 =	vld [tilespmem:s0+$0x40]  }
0x107: {  	v56 =	vld [tilespmem:s0+$0x0];
	[tilespmem:v49+s22+$0x0] =	vst.idx.msk $0xffff, v25;
	v25 =	vadd.s32 v14, v47  }
0x108: {  	[tilespmem:v5+s22+$0x0] =	vst.idx.msk $0xffff, v57;
	v5 =	vadd.f32 v52, v36;
	v52 =	vadd.s32 v10, v46  }
0x109: {  	v49 =	vbroadcast v2, $0x0;
	v60 =	vadd.s32 v6, v45;
	v2 =	vadd.f32 v53, v35  }
0x10a: {  	v48 =	vbroadcast v51, $0x0;
	v51 =	vbroadcast v4, $0x0;
	v4 =	vadd.f32 v61, v36;
	[tilespmem:v55+s22+$0x0] =	vst.idx.msk $0xffff, v5  }
0x10b: {  	v50 =	vbroadcast v3, $0x0;
	v3 =	vadd.f32 v58, v36;
	[tilespmem:v59+s22+$0x0] =	vst.idx.msk $0xffff, v2  }
0x10c: {  	v5 =	vadd.f32 v56, v36;
	[tilespmem:v25+s22+$0x0] =	vst.idx.msk $0xffff, v4  }
0x10d: {  	v62 =	vld [tilespmem:s0+$0x100];
	[tilespmem:v52+s22+$0x0] =	vst.idx.msk $0xffff, v3  }
0x10e: {  	v57 =	vld [tilespmem:s0+$0xC0];
	[tilespmem:v60+s22+$0x0] =	vst.idx.msk $0xffff, v5  }
0x10f: {  	v2 =	vadd.s32 v22, v49;
	v22 =	vld [tilespmem:$0x1FE10]  }
0x110: {  	v53 =	vadd.s32 v18, v48;
	v55 =	vld [tilespmem:s0+$0x140]  }
0x111: {  	v56 =	vld [tilespmem:s0+$0x180]  }
0x112: {  	v58 =	vld [tilespmem:s0+$0x1E0];
	v5 =	vadd.s32 v26, v50  }
0x113: {  	v41 =	vbroadcast v41, $0x0;
	v61 =	vmovc v26;
	v3 =	vld [tilespmem:s0+$0xFFFFFE00];
	v26 =	vadd.f32 v57, v36;
	v60 =	vadd.s32 v30, v51  }
0x114: {  	v62 =	vadd.f32 v62, v36;
	v4 =	vld [tilespmem:s0+$0xFFFFFE50];
	v25 =	vadd.s32 v22, v0  }
0x115: {  	v52 =	vadd.s32 v6, v41;
	v55 =	vadd.f32 v55, v36;
	[tilespmem:v53+s22+$0x0] =	vst.idx.msk $0xffff, v26;
	v26 =	vld [tilespmem:s0+$0xFFFFFE90]  }
0x116: {  	v54 =	vld [tilespmem:s0+$0xFFFFFED0];
	v56 =	vadd.f32 v56, v36;
	[tilespmem:v2+s22+$0x0] =	vst.idx.msk $0xffff, v62;
	v2 =	vadd.s32 v11, v37  }
0x117: {  	v58 =	vadd.f32 v58, v34;
	[tilespmem:v5+s22+$0x0] =	vst.idx.msk $0xffff, v55;
	v5 =	vadd.s32 v15, v38;
	v55 =	vld [tilespmem:s0+$0xFFFFFF10]  }
0x118: {  	v63 =	vmov v30;
	v30 =	vadd.s32 v19, v39;
	v3 =	vadd.f32 v3, v36;
	[tilespmem:v60+s22+$0x0] =	vst.idx.msk $0xffff, v56;
	v60 =	vld [tilespmem:s0+$0xFFFFFF50]  }
0x119: {  	v4 =	vadd.f32 v4, v35;
	v62 =	vadd.s32 v23, v40;
	[tilespmem:v25+s22+$0x0] =	vst.idx.msk $0xffff, v58;
	v25 =	vld [tilespmem:s0+$0xFFFFFF90]  }
0x11a: {  	[tilespmem:v52+s22+$0x0] =	vst.idx.msk $0xffff, v3;
	v3 =	vadd.f32 v26, v35;
	v26 =	vadd.s32 v27, v42;
	v53 =	vld [tilespmem:s0+$0x1F0]  }
0x11b: {  	[tilespmem:v2+s22+$0x0] =	vst.idx.msk $0xffff, v4;
	v2 =	vadd.f32 v54, v35;
	v4 =	vadd.s32 v31, v43;
	v54 =	vld [tilespmem:s0+$0xFFFFFFD0]  }
0x11c: {  	v0 =	vadd.s32 v29, v0;
	[tilespmem:v5+s22+$0x0] =	vst.idx.msk $0xffff, v3;
	v3 =	vadd.f32 v55, v35;
	v5 =	vld [tilespmem:s0+$0x10]  }
0x11d: {  	[tilespmem:v30+s22+$0x0] =	vst.idx.msk $0xffff, v2;
	v30 =	vadd.s32 v9, v44;
	v2 =	vadd.f32 v60, v35;
	v60 =	vld [tilespmem:s0+$0x50]  }
0x11e: {  	[tilespmem:v62+s22+$0x0] =	vst.idx.msk $0xffff, v3;
	v62 =	vadd.s32 v7, v45;
	v3 =	vadd.f32 v25, v35;
	v25 =	vld [tilespmem:s0+$0x90]  }
0x11f: {  	[tilespmem:v26+s22+$0x0] =	vst.idx.msk $0xffff, v2;
	v2 =	vadd.s32 v11, v46;
	v26 =	vld [tilespmem:s0+$0xD0];
	v53 =	vadd.f32 v53, v33  }
0x120: {  	[tilespmem:v4+s22+$0x0] =	vst.idx.msk $0xffff, v3;
	v3 =	vadd.f32 v54, v35;
	v4 =	vadd.s32 v15, v47;
	v54 =	vld [tilespmem:s0+$0x110]  }
0x121: {  	v5 =	vadd.f32 v5, v35;
	[tilespmem:v0+s22+$0x0] =	vst.idx.msk $0xffff, v53;
	v0 =	vadd.s32 v19, v48;
	v53 =	vld [tilespmem:s0+$0x150]  }
0x122: {  	[tilespmem:v30+s22+$0x0] =	vst.idx.msk $0xffff, v3;
	v3 =	vadd.f32 v60, v35;
	v30 =	vadd.s32 v23, v49;
	v60 =	vld [tilespmem:s0+$0x190]  }
0x123: {  	[tilespmem:v62+s22+$0x0] =	vst.idx.msk $0xffff, v5;
	v5 =	vld [tilespmem:s0+$0xFFFFFE10];
	v23 =	vadd.s32 v27, v50;
	v62 =	vadd.f32 v25, v35  }
0x124: {  	v25 =	vadd.s32 v31, v51;
	[tilespmem:v2+s22+$0x0] =	vst.idx.msk $0xffff, v3;
	v2 =	vld [tilespmem:s0+$0xFFFFFE60];
	v3 =	vadd.f32 v26, v35  }
0x125: {  	v26 =	vld [tilespmem:s0+$0xFFFFFEA0];
	[tilespmem:v4+s22+$0x0] =	vst.idx.msk $0xffff, v62;
	v4 =	vadd.s32 v7, v41;
	v54 =	vadd.f32 v54, v35  }
0x126: {  	[tilespmem:v0+s22+$0x0] =	vst.idx.msk $0xffff, v3;
	v0 =	vadd.s32 v12, v37;
	v3 =	vld [tilespmem:s0+$0xFFFFFEE0];
	v53 =	vadd.f32 v53, v35  }
0x127: {  	v27 =	vadd.s32 v16, v38;
	[tilespmem:v30+s22+$0x0] =	vst.idx.msk $0xffff, v54;
	v30 =	vld [tilespmem:s0+$0xFFFFFF20];
	v55 =	vadd.f32 v60, v35  }
0x128: {  	v31 =	vadd.s32 v20, v39;
	v5 =	vadd.f32 v5, v35;
	v60 =	vld [tilespmem:s0+$0xFFFFFF60];
	[tilespmem:v23+s22+$0x0] =	vst.idx.msk $0xffff, v53  }
0x129: {  	v62 =	vadd.s32 v24, v40;
	v23 =	vld [tilespmem:s0+$0xFFFFFFA0];
	v2 =	vadd.f32 v2, v34;
	[tilespmem:v25+s22+$0x0] =	vst.idx.msk $0xffff, v55  }
0x12a: {  	v25 =	vld [tilespmem:s0+$0xFFFFFFE0];
	[tilespmem:v4+s22+$0x0] =	vst.idx.msk $0xffff, v5;
	v4 =	vadd.f32 v26, v34;
	v5 =	vadd.s32 v28, v42  }
0x12b: {  	[tilespmem:v0+s22+$0x0] =	vst.idx.msk $0xffff, v2;
	v0 =	vadd.f32 v3, v34;
	v2 =	vadd.s32 v32, v43;
	v3 =	vld [tilespmem:s0+$0x20]  }
0x12c: {  	v26 =	vadd.s32 v22, v44;
	[tilespmem:v27+s22+$0x0] =	vst.idx.msk $0xffff, v4;
	v4 =	vadd.f32 v30, v34;
	v27 =	vld [tilespmem:s0+$0x60]  }
0x12d: {  	v30 =	vadd.s32 v8, v45;
	[tilespmem:v31+s22+$0x0] =	vst.idx.msk $0xffff, v0;
	v0 =	vadd.f32 v60, v34;
	v31 =	vld [tilespmem:s0+$0xA0]  }
0x12e: {  	v60 =	vadd.s32 v12, v46;
	[tilespmem:v62+s22+$0x0] =	vst.idx.msk $0xffff, v4;
	v4 =	vadd.f32 v23, v34;
	v62 =	vld [tilespmem:s0+$0xE0]  }
0x12f: {  	v23 =	vld [tilespmem:s0+$0x120];
	[tilespmem:v5+s22+$0x0] =	vst.idx.msk $0xffff, v0;
	v0 =	vadd.f32 v25, v34;
	v5 =	vadd.s32 v16, v47  }
0x130: {  	[tilespmem:v2+s22+$0x0] =	vst.idx.msk $0xffff, v4;
	v2 =	vadd.f32 v3, v34;
	v3 =	vadd.s32 v20, v48;
	v4 =	vld [tilespmem:s0+$0x160]  }
0x131: {  	v25 =	vadd.s32 v24, v49;
	[tilespmem:v26+s22+$0x0] =	vst.idx.msk $0xffff, v0;
	v0 =	vadd.f32 v27, v34;
	v26 =	vld [tilespmem:s0+$0x1A0]  }
0x132: {  	v28 =	vadd.s32 v28, v50;
	[tilespmem:v30+s22+$0x0] =	vst.idx.msk $0xffff, v2;
	v2 =	vld [tilespmem:s0+$0xFFFFFE20];
	v27 =	vadd.f32 v31, v34  }
0x133: {  	v31 =	vadd.s32 v32, v51;
	[tilespmem:v60+s22+$0x0] =	vst.idx.msk $0xffff, v0;
	v0 =	vld [tilespmem:s0+$0xFFFFFE70];
	v30 =	vadd.f32 v62, v34  }
0x134: {  	v60 =	vld [tilespmem:s0+$0xFFFFFEB0];
	v56 =	vadd.f32 v23, v34;
	[tilespmem:v5+s22+$0x0] =	vst.idx.msk $0xffff, v27;
	v5 =	vadd.s32 v8, v41  }
0x135: {  	v62 =	vld [tilespmem:s0+$0xFFFFFEF0];
	[tilespmem:v3+s22+$0x0] =	vst.idx.msk $0xffff, v30;
	v3 =	vadd.s32 v13, v37;
	v4 =	vadd.f32 v4, v34  }
0x136: {  	v23 =	vadd.s32 v17, v38;
	[tilespmem:v25+s22+$0x0] =	vst.idx.msk $0xffff, v56;
	v25 =	vadd.f32 v26, v34  }
0x137: {  	[tilespmem:v28+s22+$0x0] =	vst.idx.msk $0xffff, v4;
	v2 =	vadd.f32 v2, v34;
	v4 =	vadd.s32 v21, v39  }
0x138: {  	v24 =	vld [tilespmem:s0+$0xFFFFFF30];
	[tilespmem:v31+s22+$0x0] =	vst.idx.msk $0xffff, v25;
	v0 =	vadd.f32 v0, v33  }
0x139: {  	v10 =	vld [tilespmem:$0x1FF30];
	[tilespmem:v5+s22+$0x0] =	vst.idx.msk $0xffff, v2;
	v2 =	vadd.f32 v60, v33  }
0x13a: {  	v14 =	vmov v9;
	v9 =	vld [tilespmem:$0x1FF60];
	[tilespmem:v3+s22+$0x0] =	vst.idx.msk $0xffff, v0;
	v0 =	vadd.f32 v62, v33  }
0x13b: {  	v8 =	vld [tilespmem:$0x1FFF0];
	[tilespmem:v23+s22+$0x0] =	vst.idx.msk $0xffff, v2  }
0x13c: {  	v26 =	vld [tilespmem:s0+$0xFFFFFF70];
	[tilespmem:v4+s22+$0x0] =	vst.idx.msk $0xffff, v0  }
0x13d: {  	v7 =	vld [tilespmem:$0x1FE40]  }
0x13e: {  	v28 =	vld [tilespmem:s0+$0xFFFFFFB0];
	v27 =	vadd.s32 v10, v40  }
0x13f: {  	v30 =	vld [tilespmem:s0+$0xFFFFFFF0];
	v5 =	vadd.s32 v9, v42  }
0x140: {  	v31 =	vld [tilespmem:s0+$0x30];
	v3 =	vadd.s32 v8, v43  }
0x141: {  	v44 =	vadd.s32 v29, v44;
	v52 =	vld [tilespmem:s0+$0x70];
	v2 =	vadd.f32 v24, v33  }
0x142: {  	v53 =	vld [tilespmem:s0+$0xB0];
	v0 =	vadd.f32 v26, v33;
	v4 =	vadd.s32 v7, v45  }
0x143: {  	v54 =	vadd.s32 v13, v46;
	v55 =	vld [tilespmem:s0+$0xF0];
	[tilespmem:v27+s22+$0x0] =	vst.idx.msk $0xffff, v2;
	v2 =	vadd.f32 v28, v33  }
0x144: {  	v56 =	vld [tilespmem:s0+$0x130];
	[tilespmem:v5+s22+$0x0] =	vst.idx.msk $0xffff, v0;
	v0 =	vadd.f32 v30, v33;
	v5 =	vadd.s32 v17, v47  }
0x145: {  	v57 =	vld [tilespmem:s0+$0x170];
	[tilespmem:v3+s22+$0x0] =	vst.idx.msk $0xffff, v2;
	v2 =	vadd.f32 v31, v33;
	v3 =	vadd.s32 v21, v48  }
0x146: {  	v59 =	vld [tilespmem:s0+$0x1B0];
	v58 =	vadd.s32 v10, v49;
	[tilespmem:v44+s22+$0x0] =	vst.idx.msk $0xffff, v0;
	v0 =	vadd.f32 v52, v33  }
0x147: {  	v60 =	vadd.s32 v9, v50;
	[tilespmem:v4+s22+$0x0] =	vst.idx.msk $0xffff, v2;
	v2 =	vld [tilespmem:s0+$0xFFFFFE30];
	v4 =	vadd.f32 v53, v33  }
0x148: {  	v62 =	vadd.s32 v8, v51;
	[tilespmem:v54+s22+$0x0] =	vst.idx.msk $0xffff, v0;
	v0 =	vadd.f32 v55, v33  }
0x149: {  	[tilespmem:v5+s22+$0x0] =	vst.idx.msk $0xffff, v4;
	v4 =	vadd.s32 v7, v41;
	v5 =	vadd.f32 v56, v33  }
0x14a: {  	s5 =	sshll.u32 s1, $0xA;
	[tilespmem:v3+s22+$0x0] =	vst.idx.msk $0xffff, v0;
	v0 =	vadd.f32 v57, v33  }
0x14b: {  	s19 =	sshll.u32 s16, $0x10;
	s0 =	sand.u32 $0x1800, s5;
	v3 =	vadd.f32 v59, v33;
	[tilespmem:v58+s22+$0x0] =	vst.idx.msk $0xffff, v5  }
0x14c: {  	s0 =	sor.u32 s0, s19;
	[tilespmem:v60+s22+$0x0] =	vst.idx.msk $0xffff, v0;
	v0 =	vadd.f32 v2, v33  }
0x14d: {  	s1 =	sshrl.u32 s0, $0x3;
	[tilespmem:v62+s22+$0x0] =	vst.idx.msk $0xffff, v3  }
0x14e: {  	s0 =	sadd.s32 s2, s1;
	[tilespmem:v4+s22+$0x0] =	vst.idx.msk $0xffff, v0  }
0x14f: {  	[hbm4b:s0+s3] =	stream.linear.scatter [tilespmem:s22], [sflag:$0x3], $0x80, $0x38;
	[tilespmem:$0xCF00] =	vst v63  }
0x150: {  	s20 =	simm.s32 $0x8B88;
	s5 =	sadd.s32 $0x10, s0  }
0x151: {  	[hbm4b:s5+s3] =	stream.linear.scatter [tilespmem:s20], [sflag:$0x3], $0x80, $0x38;
	[tilespmem:$0xCF00] =	vst v63  }
0x152: {  	s19 =	sadd.s32 $0x20, s0;
	s20 =	simm.s32 $0x8C10  }
0x153: {  	[hbm4b:s19+s3] =	stream.linear.scatter [tilespmem:s20], [sflag:$0x3], $0x80, $0x38;
	[tilespmem:$0xCF00] =	vst v63  }
0x154: {  	s19 =	sadd.s32 $0x30, s0;
	s20 =	simm.s32 $0x8C98  }
0x155: {  	[hbm4b:s19+s3] =	stream.linear.scatter [tilespmem:s20], [sflag:$0x3], $0x80, $0x38;
	[tilespmem:$0xCF00] =	vst v63  }
0x156: {  	s19 =	sadd.s32 $0x40, s0;
	s20 =	simm.s32 $0x8D20  }
0x157: {  	[hbm4b:s19+s3] =	stream.linear.scatter [tilespmem:s20], [sflag:$0x3], $0x80, $0x38;
	[tilespmem:$0xCF00] =	vst v63  }
0x158: {  	s19 =	sadd.s32 $0x50, s0;
	s20 =	simm.s32 $0x8DA8  }
0x159: {  	[hbm4b:s19+s3] =	stream.linear.scatter [tilespmem:s20], [sflag:$0x3], $0x80, $0x38;
	[tilespmem:$0xCF00] =	vst v63  }
0x15a: {  	s16 =	sadd.s32 $0x60, s0;
	s19 =	simm.s32 $0x8E30  }
0x15b: {  	[hbm4b:s16+s3] =	stream.linear.scatter [tilespmem:s19], [sflag:$0x3], $0x80, $0x38;
	[tilespmem:$0xCF00] =	vst v63  }
0x15c: {  	s0 =	sadd.s32 $0x70, s0;
	s20 =	simm.s32 $0x8EB8  }
0x15d: {  	[hbm4b:s0+s3] =	stream.linear.scatter [tilespmem:s20], [sflag:$0x3], $0x80, $0x38;
	[tilespmem:$0xCF00] =	vst v63  }
0x15e: {  	s16 =	simm.s32 $0x8F40;
	s0 =	sadd.s32 s1, s8  }
0x15f: {  	[hbm4b:s0+s3] =	stream.linear.scatter [tilespmem:s16], [sflag:$0x3], $0x80, $0x38;
	[tilespmem:$0xCF00] =	vst v63  }
0x160: {  	s20 =	simm.s32 $0x8FC8;
	s19 =	sadd.s32 $0x10, s0  }
0x161: {  	[hbm4b:s19+s3] =	stream.linear.scatter [tilespmem:s20], [sflag:$0x3], $0x80, $0x38;
	[tilespmem:$0xCF00] =	vst v63  }
0x162: {  	s19 =	sadd.s32 $0x20, s0;
	s20 =	simm.s32 $0x9050  }
0x163: {  	[hbm4b:s19+s3] =	stream.linear.scatter [tilespmem:s20], [sflag:$0x3], $0x80, $0x38;
	[tilespmem:$0xCF00] =	vst v63  }
0x164: {  	s19 =	sadd.s32 $0x30, s0;
	s20 =	simm.s32 $0x90D8  }
0x165: {  	[hbm4b:s19+s3] =	stream.linear.scatter [tilespmem:s20], [sflag:$0x3], $0x80, $0x38;
	[tilespmem:$0xCF00] =	vst v63  }
0x166: {  	s19 =	sadd.s32 $0x40, s0;
	s20 =	simm.s32 $0x9160  }
0x167: {  	[hbm4b:s19+s3] =	stream.linear.scatter [tilespmem:s20], [sflag:$0x3], $0x80, $0x38;
	[tilespmem:$0xCF00] =	vst v63  }
0x168: {  	s19 =	sadd.s32 $0x50, s0;
	s20 =	simm.s32 $0x91E8  }
0x169: {  	[hbm4b:s19+s3] =	stream.linear.scatter [tilespmem:s20], [sflag:$0x3], $0x80, $0x38;
	[tilespmem:$0xCF00] =	vst v63  }
0x16a: {  	s16 =	sadd.s32 $0x60, s0;
	s19 =	simm.s32 $0x9270  }
0x16b: {  	[hbm4b:s16+s3] =	stream.linear.scatter [tilespmem:s19], [sflag:$0x3], $0x80, $0x38;
	[tilespmem:$0xCF00] =	vst v63  }
0x16c: {  	s0 =	sadd.s32 $0x70, s0;
	s20 =	simm.s32 $0x92F8  }
0x16d: {  	[hbm4b:s0+s3] =	stream.linear.scatter [tilespmem:s20], [sflag:$0x3], $0x80, $0x38;
	[tilespmem:$0xCF00] =	vst v63  }
0x16e: {  	s16 =	simm.s32 $0x9380;
	s0 =	sadd.s32 s1, s9  }
0x16f: {  	[hbm4b:s0+s3] =	stream.linear.scatter [tilespmem:s16], [sflag:$0x3], $0x80, $0x38;
	[tilespmem:$0xCF00] =	vst v63  }
0x170: {  	s20 =	simm.s32 $0x9408;
	s19 =	sadd.s32 $0x10, s0  }
0x171: {  	[hbm4b:s19+s3] =	stream.linear.scatter [tilespmem:s20], [sflag:$0x3], $0x80, $0x38;
	[tilespmem:$0xCF00] =	vst v63  }
0x172: {  	s19 =	sadd.s32 $0x20, s0;
	s20 =	simm.s32 $0x9490  }
0x173: {  	[hbm4b:s19+s3] =	stream.linear.scatter [tilespmem:s20], [sflag:$0x3], $0x80, $0x38;
	[tilespmem:$0xCF00] =	vst v63  }
0x174: {  	s19 =	sadd.s32 $0x30, s0;
	s20 =	simm.s32 $0x9518  }
0x175: {  	[hbm4b:s19+s3] =	stream.linear.scatter [tilespmem:s20], [sflag:$0x3], $0x80, $0x38;
	[tilespmem:$0xCF00] =	vst v63  }
0x176: {  	s19 =	sadd.s32 $0x40, s0;
	s20 =	simm.s32 $0x95A0  }
0x177: {  	[hbm4b:s19+s3] =	stream.linear.scatter [tilespmem:s20], [sflag:$0x3], $0x80, $0x38;
	[tilespmem:$0xCF00] =	vst v63  }
0x178: {  	s19 =	sadd.s32 $0x50, s0;
	s20 =	simm.s32 $0x9628  }
0x179: {  	[hbm4b:s19+s3] =	stream.linear.scatter [tilespmem:s20], [sflag:$0x3], $0x80, $0x38;
	[tilespmem:$0xCF00] =	vst v63  }
0x17a: {  	s16 =	sadd.s32 $0x60, s0;
	s19 =	simm.s32 $0x96B0  }
0x17b: {  	[hbm4b:s16+s3] =	stream.linear.scatter [tilespmem:s19], [sflag:$0x3], $0x80, $0x38;
	[tilespmem:$0xCF00] =	vst v63  }
0x17c: {  	s0 =	sadd.s32 $0x70, s0;
	s20 =	simm.s32 $0x9738  }
0x17d: {  	[hbm4b:s0+s3] =	stream.linear.scatter [tilespmem:s20], [sflag:$0x3], $0x80, $0x38;
	[tilespmem:$0xCF00] =	vst v63  }
0x17e: {  	s16 =	simm.s32 $0x97C0;
	s0 =	sadd.s32 s1, s10  }
0x17f: {  	[hbm4b:s0+s3] =	stream.linear.scatter [tilespmem:s16], [sflag:$0x3], $0x80, $0x38;
	[tilespmem:$0xCF00] =	vst v63  }
0x180: {  	s20 =	simm.s32 $0x9848;
	s19 =	sadd.s32 $0x10, s0  }
0x181: {  	[hbm4b:s19+s3] =	stream.linear.scatter [tilespmem:s20], [sflag:$0x3], $0x80, $0x38;
	[tilespmem:$0xCF00] =	vst v63  }
0x182: {  	s19 =	sadd.s32 $0x20, s0;
	s20 =	simm.s32 $0x98D0  }
0x183: {  	[hbm4b:s19+s3] =	stream.linear.scatter [tilespmem:s20], [sflag:$0x3], $0x80, $0x38;
	[tilespmem:$0xCF00] =	vst v63  }
0x184: {  	s19 =	sadd.s32 $0x30, s0;
	s20 =	simm.s32 $0x9958  }
0x185: {  	[hbm4b:s19+s3] =	stream.linear.scatter [tilespmem:s20], [sflag:$0x3], $0x80, $0x38;
	[tilespmem:$0xCF00] =	vst v63  }
0x186: {  	s19 =	sadd.s32 $0x40, s0;
	s20 =	simm.s32 $0x99E0  }
0x187: {  	[hbm4b:s19+s3] =	stream.linear.scatter [tilespmem:s20], [sflag:$0x3], $0x80, $0x38;
	[tilespmem:$0xCF00] =	vst v63  }
0x188: {  	s19 =	sadd.s32 $0x50, s0;
	s20 =	simm.s32 $0x9A68  }
0x189: {  	[hbm4b:s19+s3] =	stream.linear.scatter [tilespmem:s20], [sflag:$0x3], $0x80, $0x38;
	[tilespmem:$0xCF00] =	vst v63  }
0x18a: {  	s16 =	sadd.s32 $0x60, s0;
	s19 =	simm.s32 $0x9AF0  }
0x18b: {  	[hbm4b:s16+s3] =	stream.linear.scatter [tilespmem:s19], [sflag:$0x3], $0x80, $0x38;
	[tilespmem:$0xCF00] =	vst v63  }
0x18c: {  	s0 =	sadd.s32 $0x70, s0;
	s20 =	simm.s32 $0x9B78  }
0x18d: {  	[hbm4b:s0+s3] =	stream.linear.scatter [tilespmem:s20], [sflag:$0x3], $0x80, $0x38;
	[tilespmem:$0xCF00] =	vst v63  }
0x18e: {  	s16 =	simm.s32 $0x9C00;
	s0 =	sadd.s32 s1, s11  }
0x18f: {  	[hbm4b:s0+s3] =	stream.linear.scatter [tilespmem:s16], [sflag:$0x3], $0x80, $0x38;
	[tilespmem:$0xCF00] =	vst v63  }
0x190: {  	s20 =	simm.s32 $0x9C88;
	s19 =	sadd.s32 $0x10, s0  }
0x191: {  	[hbm4b:s19+s3] =	stream.linear.scatter [tilespmem:s20], [sflag:$0x3], $0x80, $0x38;
	[tilespmem:$0xCF00] =	vst v63  }
0x192: {  	s19 =	sadd.s32 $0x20, s0;
	s20 =	simm.s32 $0x9D10  }
0x193: {  	[hbm4b:s19+s3] =	stream.linear.scatter [tilespmem:s20], [sflag:$0x3], $0x80, $0x38;
	[tilespmem:$0xCF00] =	vst v63  }
0x194: {  	s19 =	sadd.s32 $0x30, s0;
	s20 =	simm.s32 $0x9D98  }
0x195: {  	[hbm4b:s19+s3] =	stream.linear.scatter [tilespmem:s20], [sflag:$0x3], $0x80, $0x38;
	[tilespmem:$0xCF00] =	vst v63  }
0x196: {  	s19 =	sadd.s32 $0x40, s0;
	s20 =	simm.s32 $0x9E20  }
0x197: {  	[hbm4b:s19+s3] =	stream.linear.scatter [tilespmem:s20], [sflag:$0x3], $0x80, $0x38;
	[tilespmem:$0xCF00] =	vst v63  }
0x198: {  	s19 =	sadd.s32 $0x50, s0;
	s20 =	simm.s32 $0x9EA8  }
0x199: {  	[hbm4b:s19+s3] =	stream.linear.scatter [tilespmem:s20], [sflag:$0x3], $0x80, $0x38;
	[tilespmem:$0xCF00] =	vst v63  }
0x19a: {  	s16 =	sadd.s32 $0x60, s0;
	s19 =	simm.s32 $0x9F30  }
0x19b: {  	[hbm4b:s16+s3] =	stream.linear.scatter [tilespmem:s19], [sflag:$0x3], $0x80, $0x38;
	[tilespmem:$0xCF00] =	vst v63  }
0x19c: {  	s0 =	sadd.s32 $0x70, s0;
	s20 =	simm.s32 $0x9FB8  }
0x19d: {  	[hbm4b:s0+s3] =	stream.linear.scatter [tilespmem:s20], [sflag:$0x3], $0x80, $0x38;
	[tilespmem:$0xCF00] =	vst v63  }
0x19e: {  	s16 =	simm.s32 $0xA040;
	s0 =	sadd.s32 s1, s12  }
0x19f: {  	[hbm4b:s0+s3] =	stream.linear.scatter [tilespmem:s16], [sflag:$0x3], $0x80, $0x38;
	[tilespmem:$0xCF00] =	vst v63  }
0x1a0: {  	s20 =	simm.s32 $0xA0C8;
	s19 =	sadd.s32 $0x10, s0  }
0x1a1: {  	[hbm4b:s19+s3] =	stream.linear.scatter [tilespmem:s20], [sflag:$0x3], $0x80, $0x38;
	[tilespmem:$0xCF00] =	vst v63  }
0x1a2: {  	s19 =	sadd.s32 $0x20, s0;
	s20 =	simm.s32 $0xA150  }
0x1a3: {  	[hbm4b:s19+s3] =	stream.linear.scatter [tilespmem:s20], [sflag:$0x3], $0x80, $0x38;
	[tilespmem:$0xCF00] =	vst v63  }
0x1a4: {  	s19 =	sadd.s32 $0x30, s0;
	s20 =	simm.s32 $0xA1D8  }
0x1a5: {  	[hbm4b:s19+s3] =	stream.linear.scatter [tilespmem:s20], [sflag:$0x3], $0x80, $0x38;
	[tilespmem:$0xCF00] =	vst v63  }
0x1a6: {  	s19 =	sadd.s32 $0x40, s0;
	s20 =	simm.s32 $0xA260  }
0x1a7: {  	[hbm4b:s19+s3] =	stream.linear.scatter [tilespmem:s20], [sflag:$0x3], $0x80, $0x38;
	[tilespmem:$0xCF00] =	vst v63  }
0x1a8: {  	s19 =	sadd.s32 $0x50, s0;
	s20 =	simm.s32 $0xA2E8  }
0x1a9: {  	[hbm4b:s19+s3] =	stream.linear.scatter [tilespmem:s20], [sflag:$0x3], $0x80, $0x38;
	[tilespmem:$0xCF00] =	vst v63  }
0x1aa: {  	s16 =	sadd.s32 $0x60, s0;
	s19 =	simm.s32 $0xA370  }
0x1ab: {  	[hbm4b:s16+s3] =	stream.linear.scatter [tilespmem:s19], [sflag:$0x3], $0x80, $0x38;
	[tilespmem:$0xCF00] =	vst v63  }
0x1ac: {  	s0 =	sadd.s32 $0x70, s0;
	s20 =	simm.s32 $0xA3F8  }
0x1ad: {  	[hbm4b:s0+s3] =	stream.linear.scatter [tilespmem:s20], [sflag:$0x3], $0x80, $0x38;
	[tilespmem:$0xCF00] =	vst v63  }
0x1ae: {  	s16 =	simm.s32 $0xA480;
	s0 =	sadd.s32 s1, s13  }
0x1af: {  	[hbm4b:s0+s3] =	stream.linear.scatter [tilespmem:s16], [sflag:$0x3], $0x80, $0x38;
	[tilespmem:$0xCF00] =	vst v63  }
0x1b0: {  	s20 =	simm.s32 $0xA508;
	s19 =	sadd.s32 $0x10, s0  }
0x1b1: {  	[hbm4b:s19+s3] =	stream.linear.scatter [tilespmem:s20], [sflag:$0x3], $0x80, $0x38;
	[tilespmem:$0xCF00] =	vst v63  }
0x1b2: {  	s19 =	sadd.s32 $0x20, s0;
	s20 =	simm.s32 $0xA590  }
0x1b3: {  	[hbm4b:s19+s3] =	stream.linear.scatter [tilespmem:s20], [sflag:$0x3], $0x80, $0x38;
	[tilespmem:$0xCF00] =	vst v63  }
0x1b4: {  	s19 =	sadd.s32 $0x30, s0;
	s20 =	simm.s32 $0xA618  }
0x1b5: {  	[hbm4b:s19+s3] =	stream.linear.scatter [tilespmem:s20], [sflag:$0x3], $0x80, $0x38;
	[tilespmem:$0xCF00] =	vst v63  }
0x1b6: {  	s19 =	sadd.s32 $0x40, s0;
	s20 =	simm.s32 $0xA6A0  }
0x1b7: {  	[hbm4b:s19+s3] =	stream.linear.scatter [tilespmem:s20], [sflag:$0x3], $0x80, $0x38;
	[tilespmem:$0xCF00] =	vst v63  }
0x1b8: {  	s19 =	sadd.s32 $0x50, s0;
	s20 =	simm.s32 $0xA728  }
0x1b9: {  	[hbm4b:s19+s3] =	stream.linear.scatter [tilespmem:s20], [sflag:$0x3], $0x80, $0x38;
	[tilespmem:$0xCF00] =	vst v63  }
0x1ba: {  	s16 =	sadd.s32 $0x60, s0;
	s19 =	simm.s32 $0xA7B0  }
0x1bb: {  	[hbm4b:s16+s3] =	stream.linear.scatter [tilespmem:s19], [sflag:$0x3], $0x80, $0x38;
	[tilespmem:$0xCF00] =	vst v63  }
0x1bc: {  	s0 =	sadd.s32 $0x70, s0;
	s20 =	simm.s32 $0xA838  }
0x1bd: {  	[hbm4b:s0+s3] =	stream.linear.scatter [tilespmem:s20], [sflag:$0x3], $0x80, $0x38;
	[tilespmem:$0xCF00] =	vst v63  }
0x1be: {  	s16 =	simm.s32 $0xA8C0;
	s0 =	sadd.s32 s1, s14  }
0x1bf: {  	[hbm4b:s0+s3] =	stream.linear.scatter [tilespmem:s16], [sflag:$0x3], $0x80, $0x38;
	[tilespmem:$0xCF00] =	vst v63  }
0x1c0: {  	s20 =	simm.s32 $0xA948;
	s19 =	sadd.s32 $0x10, s0  }
0x1c1: {  	[hbm4b:s19+s3] =	stream.linear.scatter [tilespmem:s20], [sflag:$0x3], $0x80, $0x38;
	[tilespmem:$0xCF00] =	vst v63  }
0x1c2: {  	s19 =	sadd.s32 $0x20, s0;
	s20 =	simm.s32 $0xA9D0  }
0x1c3: {  	[hbm4b:s19+s3] =	stream.linear.scatter [tilespmem:s20], [sflag:$0x3], $0x80, $0x38;
	[tilespmem:$0xCF00] =	vst v63  }
0x1c4: {  	s19 =	sadd.s32 $0x30, s0;
	s20 =	simm.s32 $0xAA58  }
0x1c5: {  	[hbm4b:s19+s3] =	stream.linear.scatter [tilespmem:s20], [sflag:$0x3], $0x80, $0x38;
	[tilespmem:$0xCF00] =	vst v63  }
0x1c6: {  	s19 =	sadd.s32 $0x40, s0;
	s20 =	simm.s32 $0xAAE0  }
0x1c7: {  	[hbm4b:s19+s3] =	stream.linear.scatter [tilespmem:s20], [sflag:$0x3], $0x80, $0x38;
	[tilespmem:$0xCF00] =	vst v63  }
0x1c8: {  	p1 =	sne.s32 s29, $0x18;
	s19 =	sadd.s32 $0x50, s0;
	s20 =	simm.s32 $0xAB68  }
0x1c9: {  	[hbm4b:s19+s3] =	stream.linear.scatter [tilespmem:s20], [sflag:$0x3], $0x80, $0x38;
	[tilespmem:$0xCF00] =	vst v63  }
.Ltmp1:
0x1ca: {  	_ = 	snop;
	(pc) =	sbr.rel @p1 .LBB2_6-.Ltmp1, $4  }
0x1cb: {  	s16 =	sadd.s32 $0x60, s0;
	s19 =	simm.s32 $0xABF0  }
0x1cc: {  	[hbm4b:s16+s3] =	stream.linear.scatter [tilespmem:s19], [sflag:$0x3], $0x80, $0x38;
	[tilespmem:$0xCF00] =	vst v63  }
0x1cd: {  	s0 =	sadd.s32 $0x70, s0;
	s20 =	simm.s32 $0xAC78  }
0x1ce: {  	v18 =	vmov v29;
	v9 =	vmov v22;
	v10 =	vmov v8;
	[hbm4b:s0+s3] =	stream.linear.scatter [tilespmem:s20], [sflag:$0x3], $0x80, $0x38;
	[tilespmem:$0xCF00] =	vst v63  }
.Ltmp2:
0x1cf: {  	(pc) =	sbr.rel .LBB2_7-.Ltmp2, $4  }
0x1d0: {  	_ = 	snop  }
0x1d1: {  	_ =	swait.ge [sflag:s7], $0x2000  }
0x1d2: {  	[sflag:s7] =	ssyncset.done $0x0  }
0x1d3: {  	[sflag:s7] =	ssyncadd.s32 $0xFFFFE000  }
.LBB2_6:
.Ltmp3:
0x1d4: {  	s0 =	sadd.s32 $0x100, s31;
	s5 =	simm.s32 $0x4B00;
	(pc) =	sbr.rel @p0 .LBB2_8-.Ltmp3, $4  }
0x1d5: {  	[tilespmem:s5], [sflag:$0x1] =	stream.indirect.gather [hbm4b:s4+s18], $0x40, s0, s18, $0xb8;
	[tilespmem:$0xCF00] =	vst v63  }
0x1d6: {  	_ =	swait.ge [sflag:s7], $0x2000  }
0x1d7: {  	[sflag:s7] =	ssyncset.done $0x0  }
0x1d8: {  	[sflag:s7] =	ssyncadd.s32 $0xFFFFE000  }
.LBB2_7:
0x1d9: {  	_ =	swait.ge [sflag:s15], $0x400  }
0x1da: {  	[sflag:s15] =	ssyncset.done $0x0  }
0x1db: {  	[sflag:s15] =	ssyncadd.s32 $0xFFFFFC00  }
0x1dc: {  	_ =	swait.ge [sflag:s15], $0x400  }
0x1dd: {  	[sflag:s15] =	ssyncset.done $0x0  }
0x1de: {  	[sflag:s15] =	ssyncadd.s32 $0xFFFFFC00  }
0x1df: {  	_ =	swait.ge [sflag:s15], $0x400  }
0x1e0: {  	[sflag:s15] =	ssyncset.done $0x0  }
0x1e1: {  	[sflag:s15] =	ssyncadd.s32 $0xFFFFFC00  }
0x1e2: {  	_ =	swait.ge [sflag:s15], $0x400  }
0x1e3: {  	[sflag:s15] =	ssyncset.done $0x0  }
0x1e4: {  	[sflag:s15] =	ssyncadd.s32 $0xFFFFFC00  }
0x1e5: {  	_ =	swait.ge [sflag:s15], $0x400  }
0x1e6: {  	[sflag:s15] =	ssyncset.done $0x0  }
0x1e7: {  	[sflag:s15] =	ssyncadd.s32 $0xFFFFFC00  }
0x1e8: {  	_ =	swait.ge [sflag:s15], $0x400  }
0x1e9: {  	[sflag:s15] =	ssyncset.done $0x0  }
0x1ea: {  	[sflag:s15] =	ssyncadd.s32 $0xFFFFFC00  }
0x1eb: {  	_ =	swait.ge [sflag:s15], $0x400  }
0x1ec: {  	[sflag:s15] =	ssyncset.done $0x0  }
0x1ed: {  	[sflag:s15] =	ssyncadd.s32 $0xFFFFFC00  }
0x1ee: {  	_ =	swait.ge [sflag:s15], $0x400  }
0x1ef: {  	[sflag:s15] =	ssyncset.done $0x0  }
0x1f0: {  	[sflag:s15] =	ssyncadd.s32 $0xFFFFFC00  }
.LBB2_8:
0x1f1: {  	s0 =	simm.s32 $0x0  }
0x1f2: {  	s5 =	simm.s32 $0x1;
	s20 =	simm.s32 $0x2;
	s31 =	simm.s32 $0x3;
	v0 =	vmov s0  }
0x1f3: {  	s16 =	simm.s32 $0x4;
	s19 =	simm.s32 $0x5;
	v2 =	vmov s5;
	v3 =	vmov s20;
	v4 =	vmov s31;
	s20 =	simm.s32 $0x6  }
0x1f4: {  	v5 =	vmov s16;
	s31 =	simm.s32 $0x7;
	v33 =	vmov s19;
	s19 =	simm.s32 $0x8;
	s16 =	simm.s32 $0xB;
	v34 =	vmov s20  }
0x1f5: {  	v35 =	vmov s31;
	v36 =	vmov s19;
	v39 =	vmov s16  }
0x1f6: {  	v7 =	vld [tilespmem:$0x1FFA0];
	s5 =	simm.s32 $0xF;
	v2 =	vshrl.u32 v2, $0x3;
	v3 =	vshrl.u32 v3, $0x3;
	v4 =	vshrl.u32 v4, $0x3  }
0x1f7: {  	v8 =	vld [tilespmem:$0x1FEC0];
	s20 =	simm.s32 $0x9;
	s31 =	simm.s32 $0xA;
	s19 =	simm.s32 $0xC;
	v5 =	vshrl.u32 v5, $0x3;
	v33 =	vshrl.u32 v33, $0x3;
	v46 =	vmov s5  }
0x1f8: {  	v11 =	vld [tilespmem:$0x1FE80];
	v37 =	vmov s20;
	v38 =	vmov s31;
	v40 =	vmov s19  }
0x1f9: {  	v12 =	vld [tilespmem:$0x1FF70];
	v43 =	vshrl.u32 v34, $0x3;
	v44 =	vshrl.u32 v35, $0x3;
	v45 =	vshrl.u32 v36, $0x3  }
0x1fa: {  	v13 =	vld [tilespmem:$0x1FF00];
	s0 =	simm.s32 $0x6D00;
	v39 =	vshrl.u32 v39, $0x3;
	v2 =	vshll.u32 v2, v1;
	v3 =	vshll.u32 v3, v1  }
0x1fb: {  	v52 =	vld [tilespmem:s0+$0x1C0];
	s20 =	simm.s32 $0xD;
	s31 =	simm.s32 $0xE;
	v4 =	vshll.u32 v4, v1;
	v5 =	vshll.u32 v5, v1;
	v47 =	vshll.u32 v33, v1  }
0x1fc: {  	v54 =	vld [tilespmem:s0+$0xFFFFFE40];
	v46 =	vshrl.u32 v46, $0x3;
	v41 =	vmov s20;
	v42 =	vmov s31  }
0x1fd: {  	v56 =	vld [tilespmem:s0+$0xFFFFFEC0];
	v38 =	vshrl.u32 v38, $0x3;
	v40 =	vshrl.u32 v40, $0x3;
	v43 =	vshll.u32 v43, v1  }
0x1fe: {  	v58 =	vld [tilespmem:s0+$0xFFFFFF00];
	v44 =	vshll.u32 v44, v1;
	v46 =	vshll.u32 v46, v1;
	v51 =	vbroadcast v2, $0x0  }
0x1ff: {  	v36 =	vld [tilespmem:s30+$0x1900];
	v45 =	vshll.u32 v45, v1;
	v50 =	vbroadcast v3, $0x0;
	v49 =	vbroadcast v4, $0x0  }
0x200: {  	v59 =	vld [tilespmem:s0+$0xFFFFFF40];
	v48 =	vbroadcast v5, $0x0;
	v41 =	vshrl.u32 v41, $0x3;
	v53 =	vbroadcast v46, $0x0  }
0x201: {  	v2 =	vshll.u32 v38, v1;
	v38 =	vshll.u32 v39, v1;
	v39 =	vld [tilespmem:s0+$0xFFFFFE80];
	v55 =	vadd.s32 v8, v51  }
0x202: {  	v60 =	vld [tilespmem:s0+$0xFFFFFF80];
	v42 =	vshrl.u32 v42, $0x3;
	v3 =	vshll.u32 v40, v1;
	v40 =	vadd.s32 v7, v53  }
0x203: {  	v62 =	vld [tilespmem:s0+$0xFFFFFFC0];
	v46 =	vbroadcast v47, $0x0;
	v43 =	vbroadcast v43, $0x0;
	v57 =	vadd.s32 v11, v50  }
0x204: {  	v15 =	vmovc v61;
	v35 =	vld [tilespmem:s30+$0x1910];
	v5 =	vshll.u32 v42, v1;
	v42 =	vadd.s32 v12, v49;
	v32 =	vadd.f32 v54, v36  }
0x205: {  	v16 =	vmovc v63;
	v34 =	vld [tilespmem:s30+$0x1920];
	v4 =	vshll.u32 v41, v1;
	v47 =	vadd.f32 v52, v36;
	v54 =	vadd.s32 v13, v48  }
0x206: {  	v33 =	vld [tilespmem:s30+$0x1930];
	v41 =	vbroadcast v44, $0x0;
	v61 =	vadd.s32 v61, v46;
	v39 =	vadd.f32 v39, v36;
	[tilespmem:v55+s17+$0x0] =	vst.idx.msk $0xffff, v32  }
0x207: {  	v37 =	vshrl.u32 v37, $0x3;
	v52 =	vadd.s32 v63, v43;
	v32 =	vadd.f32 v56, v36;
	[tilespmem:v40+s17+$0x0] =	vst.idx.msk $0xffff, v47  }
0x208: {  	v63 =	vadd.f32 v58, v36;
	v56 =	vadd.s32 v7, v41;
	[tilespmem:v57+s17+$0x0] =	vst.idx.msk $0xffff, v39;
	v57 =	vld [tilespmem:s0+$0x0];
	v47 =	vbroadcast v45, $0x0  }
0x209: {  	v0 =	vshrl.u32 v0, $0x3;
	v37 =	vshll.u32 v37, v1;
	v40 =	vadd.f32 v59, v36;
	v55 =	vld [tilespmem:s0+$0x1D0];
	[tilespmem:v42+s17+$0x0] =	vst.idx.msk $0xffff, v32  }
0x20a: {  	v44 =	vbroadcast v37, $0x0;
	v58 =	vld [tilespmem:s0+$0x40];
	[tilespmem:v54+s17+$0x0] =	vst.idx.msk $0xffff, v63;
	v32 =	vadd.f32 v60, v36;
	v54 =	vadd.s32 v6, v47  }
0x20b: {  	v59 =	vadd.s32 v14, v53;
	v45 =	vbroadcast v2, $0x0;
	v2 =	vadd.f32 v62, v36;
	v60 =	vld [tilespmem:s0+$0x80];
	[tilespmem:v61+s17+$0x0] =	vst.idx.msk $0xffff, v40  }
0x20c: {  	v0 =	vshll.u32 v0, v1;
	v62 =	vld [tilespmem:s0+$0xC0];
	v42 =	vbroadcast v38, $0x0;
	v61 =	vadd.s32 v8, v44;
	[tilespmem:v52+s17+$0x0] =	vst.idx.msk $0xffff, v32  }
0x20d: {  	v39 =	vbroadcast v3, $0x0;
	v63 =	vld [tilespmem:s0+$0x100];
	v52 =	vadd.s32 v11, v45;
	[tilespmem:v56+s17+$0x0] =	vst.idx.msk $0xffff, v2;
	v2 =	vadd.f32 v57, v36  }
0x20e: {  	v38 =	vbroadcast v4, $0x0;
	v32 =	vld [tilespmem:s0+$0x140];
	v3 =	vadd.f32 v55, v35;
	v55 =	vadd.s32 v12, v42  }
0x20f: {  	v37 =	vbroadcast v5, $0x0;
	v4 =	vadd.f32 v58, v36;
	v58 =	vld [tilespmem:s0+$0x180];
	v57 =	vadd.s32 v13, v39;
	[tilespmem:v54+s17+$0x0] =	vst.idx.msk $0xffff, v2  }
0x210: {  	v2 =	vadd.f32 v60, v36;
	[tilespmem:v59+s17+$0x0] =	vst.idx.msk $0xffff, v3;
	v3 =	vadd.s32 v15, v38  }
0x211: {  	v40 =	vbroadcast v0, $0x0;
	v0 =	vadd.f32 v62, v36;
	v54 =	vld [tilespmem:s0+$0xFFFFFE00];
	[tilespmem:v61+s17+$0x0] =	vst.idx.msk $0xffff, v4;
	v4 =	vadd.s32 v16, v37  }
0x212: {  	v59 =	vld [tilespmem:s0+$0xFFFFFE50];
	[tilespmem:v52+s17+$0x0] =	vst.idx.msk $0xffff, v2;
	v2 =	vadd.f32 v63, v36  }
0x213: {  	v5 =	vld [tilespmem:s0+$0x1E0];
	[tilespmem:v55+s17+$0x0] =	vst.idx.msk $0xffff, v0;
	v0 =	vadd.f32 v32, v36  }
0x214: {  	v60 =	vadd.s32 v6, v40;
	v6 =	vld [tilespmem:$0x1FE50];
	[tilespmem:v57+s17+$0x0] =	vst.idx.msk $0xffff, v2;
	v2 =	vadd.f32 v58, v36  }
0x215: {  	v8 =	vld [tilespmem:$0x1FE90];
	[tilespmem:v3+s17+$0x0] =	vst.idx.msk $0xffff, v0  }
0x216: {  	v11 =	vld [tilespmem:$0x1FED0];
	[tilespmem:v4+s17+$0x0] =	vst.idx.msk $0xffff, v2  }
0x217: {  	v23 =	vld [tilespmem:$0x1FF10]  }
0x218: {  	v61 =	vld [tilespmem:s0+$0xFFFFFE90];
	v52 =	vadd.s32 v9, v53  }
0x219: {  	v62 =	vld [tilespmem:s0+$0xFFFFFED0];
	v32 =	vadd.s32 v6, v51  }
0x21a: {  	v63 =	vld [tilespmem:s0+$0xFFFFFF10];
	v3 =	vadd.f32 v54, v36;
	v57 =	vadd.s32 v8, v50  }
0x21b: {  	v0 =	vadd.f32 v5, v34;
	v5 =	vadd.s32 v11, v49  }
0x21c: {  	v2 =	vadd.f32 v59, v35;
	[tilespmem:v60+s17+$0x0] =	vst.idx.msk $0xffff, v3;
	v4 =	vadd.s32 v23, v48  }
0x21d: {  	[tilespmem:v52+s17+$0x0] =	vst.idx.msk $0xffff, v0;
	v0 =	vadd.f32 v61, v35  }
0x21e: {  	v27 =	vld [tilespmem:$0x1FF40];
	[tilespmem:v32+s17+$0x0] =	vst.idx.msk $0xffff, v2;
	v2 =	vadd.f32 v62, v35  }
0x21f: {  	v31 =	vld [tilespmem:$0x1FF80];
	[tilespmem:v57+s17+$0x0] =	vst.idx.msk $0xffff, v0;
	v0 =	vadd.f32 v63, v35  }
0x220: {  	v54 =	vld [tilespmem:s0+$0xFFFFFF50];
	[tilespmem:v5+s17+$0x0] =	vst.idx.msk $0xffff, v2  }
0x221: {  	v59 =	vld [tilespmem:s0+$0xFFFFFF90];
	[tilespmem:v4+s17+$0x0] =	vst.idx.msk $0xffff, v0  }
0x222: {  	v7 =	vld [tilespmem:$0x1FE20]  }
0x223: {  	v52 =	vld [tilespmem:s0+$0x1F0];
	v3 =	vadd.s32 v27, v46  }
0x224: {  	v62 =	vld [tilespmem:s0+$0xFFFFFFD0];
	v61 =	vadd.s32 v31, v43  }
0x225: {  	v53 =	vadd.s32 v18, v53;
	v63 =	vld [tilespmem:s0+$0x10]  }
0x226: {  	v2 =	vadd.f32 v54, v35;
	v5 =	vadd.s32 v14, v41;
	v54 =	vld [tilespmem:s0+$0x50]  }
0x227: {  	v58 =	vld [tilespmem:s0+$0x90];
	v0 =	vadd.f32 v59, v35;
	v4 =	vadd.s32 v7, v47  }
0x228: {  	v52 =	vadd.f32 v52, v33;
	[tilespmem:v3+s17+$0x0] =	vst.idx.msk $0xffff, v2;
	v2 =	vadd.s32 v6, v44  }
0x229: {  	v55 =	vadd.s32 v8, v45;
	v3 =	vld [tilespmem:s0+$0xD0];
	[tilespmem:v61+s17+$0x0] =	vst.idx.msk $0xffff, v0;
	v0 =	vadd.f32 v62, v35  }
0x22a: {  	v32 =	vld [tilespmem:s0+$0x110];
	[tilespmem:v53+s17+$0x0] =	vst.idx.msk $0xffff, v52;
	v57 =	vadd.f32 v63, v35  }
0x22b: {  	v59 =	vadd.s32 v11, v42;
	[tilespmem:v5+s17+$0x0] =	vst.idx.msk $0xffff, v0;
	v0 =	vadd.f32 v54, v35  }
0x22c: {  	v60 =	vld [tilespmem:s0+$0x150];
	v5 =	vadd.s32 v23, v39;
	[tilespmem:v4+s17+$0x0] =	vst.idx.msk $0xffff, v57;
	v4 =	vadd.f32 v58, v35  }
0x22d: {  	v52 =	vld [tilespmem:s0+$0x190];
	[tilespmem:v2+s17+$0x0] =	vst.idx.msk $0xffff, v0  }
0x22e: {  	v53 =	vld [tilespmem:s0+$0xFFFFFE10];
	v0 =	vadd.f32 v3, v35;
	[tilespmem:v55+s17+$0x0] =	vst.idx.msk $0xffff, v4  }
0x22f: {  	v4 =	vadd.f32 v32, v35;
	v12 =	vld [tilespmem:$0x1FE60]  }
0x230: {  	v57 =	vld [tilespmem:s0+$0xFFFFFE60];
	[tilespmem:v59+s17+$0x0] =	vst.idx.msk $0xffff, v0  }
0x231: {  	v54 =	vadd.s32 v27, v38;
	v16 =	vld [tilespmem:$0x1FEA0];
	[tilespmem:v5+s17+$0x0] =	vst.idx.msk $0xffff, v4  }
0x232: {  	v2 =	vadd.s32 v31, v37;
	v20 =	vld [tilespmem:$0x1FEE0]  }
0x233: {  	v3 =	vadd.s32 v7, v40  }
0x234: {  	v58 =	vld [tilespmem:s0+$0xFFFFFEA0];
	v0 =	vadd.f32 v60, v35;
	v55 =	vadd.s32 v12, v51  }
0x235: {  	v32 =	vld [tilespmem:s0+$0xFFFFFEE0];
	v4 =	vadd.f32 v52, v35  }
0x236: {  	v61 =	vld [tilespmem:s0+$0xFFFFFF60];
	v5 =	vadd.f32 v53, v35;
	[tilespmem:v54+s17+$0x0] =	vst.idx.msk $0xffff, v0;
	v59 =	vadd.s32 v16, v50  }
0x237: {  	v0 =	vadd.f32 v57, v34;
	v24 =	vld [tilespmem:$0x1FF20];
	[tilespmem:v2+s17+$0x0] =	vst.idx.msk $0xffff, v4;
	v52 =	vadd.s32 v20, v49  }
0x238: {  	v63 =	vld [tilespmem:s0+$0xFFFFFFA0];
	[tilespmem:v3+s17+$0x0] =	vst.idx.msk $0xffff, v5  }
0x239: {  	v2 =	vadd.f32 v58, v34;
	v28 =	vld [tilespmem:$0x1FF50];
	[tilespmem:v55+s17+$0x0] =	vst.idx.msk $0xffff, v0  }
0x23a: {  	v0 =	vadd.f32 v32, v34;
	v32 =	vld [tilespmem:$0x1FF90]  }
0x23b: {  	v60 =	vld [tilespmem:s0+$0xFFFFFF20];
	[tilespmem:v59+s17+$0x0] =	vst.idx.msk $0xffff, v2  }
0x23c: {  	v4 =	vld [tilespmem:s0+$0xFFFFFFE0];
	[tilespmem:v52+s17+$0x0] =	vst.idx.msk $0xffff, v0  }
0x23d: {  	v62 =	vadd.s32 v24, v48;
	v8 =	vld [tilespmem:$0x1FE30]  }
0x23e: {  	v58 =	vld [tilespmem:s0+$0x60];
	v3 =	vadd.s32 v28, v46  }
0x23f: {  	v55 =	vld [tilespmem:s0+$0x20];
	v5 =	vadd.s32 v32, v43  }
0x240: {  	v2 =	vadd.f32 v60, v34;
	v59 =	vld [tilespmem:s0+$0xFFFFFE20]  }
0x241: {  	v56 =	vadd.s32 v9, v41;
	v53 =	vld [tilespmem:s0+$0xFFFFFE70];
	v0 =	vadd.f32 v61, v34  }
0x242: {  	v61 =	vld [tilespmem:s0+$0xA0];
	[tilespmem:v62+s17+$0x0] =	vst.idx.msk $0xffff, v2;
	v2 =	vadd.f32 v63, v34;
	v60 =	vadd.s32 v8, v47  }
0x243: {  	v62 =	vadd.s32 v12, v44;
	v63 =	vld [tilespmem:s0+$0xE0];
	[tilespmem:v3+s17+$0x0] =	vst.idx.msk $0xffff, v0  }
0x244: {  	v0 =	vadd.f32 v4, v34;
	v3 =	vld [tilespmem:s0+$0x120];
	[tilespmem:v5+s17+$0x0] =	vst.idx.msk $0xffff, v2;
	v5 =	vadd.s32 v16, v45  }
0x245: {  	v4 =	vld [tilespmem:s0+$0x160];
	v2 =	vadd.f32 v55, v34  }
0x246: {  	[tilespmem:v56+s17+$0x0] =	vst.idx.msk $0xffff, v0;
	v0 =	vadd.f32 v58, v34;
	v56 =	vadd.s32 v20, v42;
	v55 =	vld [tilespmem:s0+$0x1A0]  }
0x247: {  	v58 =	vadd.s32 v24, v39;
	[tilespmem:v60+s17+$0x0] =	vst.idx.msk $0xffff, v2;
	v2 =	vadd.f32 v61, v34;
	v60 =	vld [tilespmem:s0+$0xFFFFFEB0]  }
0x248: {  	[tilespmem:v62+s17+$0x0] =	vst.idx.msk $0xffff, v0;
	v61 =	vld [tilespmem:s0+$0xFFFFFEF0]  }
0x249: {  	v52 =	vadd.s32 v28, v38;
	v0 =	vadd.f32 v63, v34;
	v13 =	vld [tilespmem:$0x1FE70];
	[tilespmem:v5+s17+$0x0] =	vst.idx.msk $0xffff, v2  }
0x24a: {  	v3 =	vadd.f32 v3, v34;
	v17 =	vld [tilespmem:$0x1FEB0]  }
0x24b: {  	[tilespmem:v56+s17+$0x0] =	vst.idx.msk $0xffff, v0;
	v56 =	vld [tilespmem:s0+$0xFFFFFF70]  }
0x24c: {  	s16 =	simm.s32 $0x10;
	v54 =	vadd.s32 v32, v37;
	v4 =	vadd.f32 v4, v34;
	v21 =	vld [tilespmem:$0x1FEF0];
	[tilespmem:v58+s17+$0x0] =	vst.idx.msk $0xffff, v3  }
0x24d: {  	v57 =	vadd.s32 v8, v40;
	v2 =	vmov s16;
	v25 =	vld [tilespmem:$0x1FF30]  }
0x24e: {  	v0 =	vshrl.u32 v2, $0x3;
	v2 =	vadd.f32 v59, v34;
	v59 =	vld [tilespmem:s0+$0xFFFFFFF0];
	v51 =	vadd.s32 v13, v51;
	[tilespmem:v52+s17+$0x0] =	vst.idx.msk $0xffff, v4  }
0x24f: {  	s19 =	simm.s32 $0x11;
	v41 =	vadd.s32 v18, v41;
	v53 =	vadd.f32 v53, v33;
	v55 =	vadd.f32 v55, v34;
	v29 =	vld [tilespmem:$0x1FF60]  }
0x250: {  	s20 =	simm.s32 $0x12;
	v43 =	vadd.s32 v10, v43;
	v3 =	vmov s19;
	v5 =	vadd.s32 v17, v50;
	v50 =	vld [tilespmem:s0+$0xFFFFFF30]  }
0x251: {  	s30 =	simm.s32 $0x13;
	v58 =	vld [tilespmem:s0+$0xFFFFFFB0];
	v4 =	vmov s20;
	v52 =	vadd.f32 v60, v33;
	[tilespmem:v54+s17+$0x0] =	vst.idx.msk $0xffff, v55;
	v49 =	vadd.s32 v21, v49  }
0x252: {  	s31 =	simm.s32 $0x14;
	v60 =	vld [tilespmem:s0+$0x30];
	v44 =	vadd.s32 v13, v44;
	v54 =	vmov s30;
	[tilespmem:v57+s17+$0x0] =	vst.idx.msk $0xffff, v2;
	v48 =	vadd.s32 v25, v48  }
0x253: {  	v55 =	vadd.f32 v61, v33;
	v2 =	vmov s31;
	[tilespmem:v51+s17+$0x0] =	vst.idx.msk $0xffff, v53;
	v53 =	vadd.f32 v56, v33;
	v56 =	vld [tilespmem:s0+$0xB0]  }
0x254: {  	s30 =	simm.s32 $0x18;
	v45 =	vadd.s32 v17, v45;
	v42 =	vadd.s32 v21, v42;
	v46 =	vadd.s32 v29, v46;
	v9 =	vld [tilespmem:$0x1FE40]  }
0x255: {  	s16 =	simm.s32 $0x15;
	v57 =	vld [tilespmem:s0+$0x70];
	v61 =	vmov s30;
	v39 =	vadd.s32 v25, v39;
	v50 =	vadd.f32 v50, v33;
	[tilespmem:v5+s17+$0x0] =	vst.idx.msk $0xffff, v52  }
0x256: {  	s19 =	simm.s32 $0x16;
	s20 =	simm.s32 $0x17;
	v51 =	vmov s16;
	v38 =	vadd.s32 v29, v38;
	v52 =	vadd.f32 v58, v33;
	v58 =	vld [tilespmem:s0+$0xF0];
	[tilespmem:v49+s17+$0x0] =	vst.idx.msk $0xffff, v55  }
0x257: {  	s16 =	simm.s32 $0x1A;
	v5 =	vmov s19;
	v55 =	vmov s20;
	v49 =	vadd.f32 v59, v33;
	[tilespmem:v48+s17+$0x0] =	vst.idx.msk $0xffff, v50  }
0x258: {  	s19 =	simm.s32 $0x1B;
	s20 =	simm.s32 $0x1C;
	v48 =	vadd.f32 v60, v33;
	v50 =	vld [tilespmem:s0+$0x170];
	[tilespmem:v43+s17+$0x0] =	vst.idx.msk $0xffff, v52;
	v43 =	vmov s16;
	v56 =	vadd.f32 v56, v33  }
0x259: {  	s31 =	simm.s32 $0x19;
	v52 =	vld [tilespmem:s0+$0xFFFFFE30];
	v60 =	vmov s19;
	v62 =	vmov s20;
	v47 =	vadd.s32 v9, v47;
	[tilespmem:v46+s17+$0x0] =	vst.idx.msk $0xffff, v53  }
0x25a: {  	v59 =	vld [tilespmem:s0+$0x130];
	v53 =	vmov s31;
	v46 =	vadd.f32 v57, v33;
	[tilespmem:v41+s17+$0x0] =	vst.idx.msk $0xffff, v49;
	v40 =	vadd.s32 v9, v40  }
0x25b: {  	v57 =	vld [tilespmem:s0+$0x1B0];
	s31 =	simm.s32 $0x1E;
	v41 =	vshll.u32 v0, v1;
	v0 =	vshrl.u32 v3, $0x3;
	[tilespmem:v45+s17+$0x0] =	vst.idx.msk $0xffff, v56;
	v49 =	vadd.f32 v58, v33  }
0x25c: {  	v63 =	vmov s31;
	v45 =	vshrl.u32 v5, $0x3;
	v58 =	vadd.s32 v10, v37;
	[tilespmem:v44+s17+$0x0] =	vst.idx.msk $0xffff, v46  }
0x25d: {  	v46 =	vshrl.u32 v4, $0x3;
	v37 =	vshrl.u32 v61, $0x3;
	v44 =	vadd.f32 v50, v33;
	[tilespmem:v42+s17+$0x0] =	vst.idx.msk $0xffff, v49  }
0x25e: {  	v4 =	vadd.f32 v52, v33;
	v49 =	vshrl.u32 v51, $0x3;
	v50 =	vshrl.u32 v55, $0x3;
	[tilespmem:v47+s17+$0x0] =	vst.idx.msk $0xffff, v48  }
0x25f: {  	s30 =	simm.s32 $0x1D;
	v51 =	vshll.u32 v0, v1;
	v42 =	vshrl.u32 v63, $0x3;
	v48 =	vadd.f32 v59, v33;
	[tilespmem:v38+s17+$0x0] =	vst.idx.msk $0xffff, v44  }
0x260: {  	v59 =	vmov s30;
	v3 =	vadd.f32 v57, v33;
	v47 =	vshrl.u32 v54, $0x3;
	[tilespmem:v40+s17+$0x0] =	vst.idx.msk $0xffff, v4  }
0x261: {  	v44 =	vshrl.u32 v53, $0x3;
	v38 =	vshrl.u32 v43, $0x3;
	v43 =	vshrl.u32 v60, $0x3;
	[tilespmem:v39+s17+$0x0] =	vst.idx.msk $0xffff, v48  }
0x262: {  	s29 =	sadd.s32 $0x1, s29;
	s5 =	simm.s32 $0x20;
	s16 =	simm.s32 $0x1F;
	v40 =	vshrl.u32 v59, $0x3;
	v48 =	vshrl.u32 v2, $0x3;
	[tilespmem:v58+s17+$0x0] =	vst.idx.msk $0xffff, v3;
	v39 =	vshrl.u32 v62, $0x3  }
.LBB2_9:
0x263: {  	v22 =	vld [tilespmem:$0x1FFA0]  }
0x264: {  	v26 =	vld [tilespmem:$0x1FEC0]  }
0x265: {  	v30 =	vld [tilespmem:$0x1FE80]  }
0x266: {  	v11 =	vld [tilespmem:$0x1FF70]  }
0x267: {  	v14 =	vld [tilespmem:$0x1FF00]  }
0x268: {  	v6 =	vld [tilespmem:$0x1FFC0]  }
0x269: {  	v15 =	vld [tilespmem:$0x1FFD0]  }
0x26a: {  	v0 =	vshll.u32 v46, v1;
	v3 =	vmov s16;
	s0 =	sadd.s32 $0x400, s0;
	v19 =	vld [tilespmem:$0x1FFB0]  }
0x26b: {  	v2 =	vshll.u32 v47, v1;
	v4 =	vshll.u32 v48, v1;
	v3 =	vshrl.u32 v3, $0x3;
	v47 =	vld [tilespmem:s0+$0x1C0]  }
0x26c: {  	v5 =	vshll.u32 v49, v1;
	v45 =	vshll.u32 v45, v1;
	v54 =	vld [tilespmem:s0+$0xFFFFFE80];
	v3 =	vshll.u32 v3, v1  }
0x26d: {  	v46 =	vshll.u32 v50, v1;
	v51 =	vbroadcast v51, $0x0;
	v52 =	vbroadcast v3, $0x0;
	v3 =	vld [tilespmem:s0+$0xFFFFFE40]  }
0x26e: {  	v37 =	vshll.u32 v37, v1;
	v53 =	vshll.u32 v44, v1;
	v50 =	vbroadcast v0, $0x0;
	v57 =	vld [tilespmem:s0+$0xFFFFFEC0]  }
0x26f: {  	v0 =	vshll.u32 v39, v1;
	v49 =	vbroadcast v2, $0x0;
	v58 =	vld [tilespmem:s0+$0xFFFFFF00];
	v56 =	vadd.s32 v26, v51  }
0x270: {  	v2 =	vshll.u32 v40, v1;
	v48 =	vbroadcast v4, $0x0;
	v60 =	vld [tilespmem:s0+$0xFFFFFF40];
	v55 =	vadd.s32 v22, v52  }
0x271: {  	v4 =	vshll.u32 v42, v1;
	v44 =	vbroadcast v5, $0x0;
	v62 =	vld [tilespmem:s0+$0xFFFFFF80];
	v40 =	vadd.s32 v30, v50  }
0x272: {  	v63 =	vld [tilespmem:s0+$0xFFFFFFC0];
	v39 =	vbroadcast v46, $0x0;
	v59 =	vadd.s32 v11, v49;
	v3 =	vadd.f32 v3, v36  }
0x273: {  	v61 =	vadd.s32 v14, v48;
	v5 =	vadd.f32 v47, v36;
	v47 =	vbroadcast v37, $0x0;
	v37 =	vld [tilespmem:s0+$0x40]  }
0x274: {  	v42 =	vbroadcast v45, $0x0;
	v45 =	vadd.f32 v54, v36;
	[tilespmem:v56+s17+$0x0] =	vst.idx.msk $0xffff, v3;
	v3 =	vadd.f32 v57, v36;
	v57 =	vld [tilespmem:s0+$0x0]  }
0x275: {  	v54 =	vadd.s32 v6, v44;
	[tilespmem:v55+s17+$0x0] =	vst.idx.msk $0xffff, v5;
	v56 =	vadd.s32 v22, v39;
	v22 =	vld [tilespmem:$0x1FFE0]  }
0x276: {  	v5 =	vadd.s32 v15, v42;
	[tilespmem:v40+s17+$0x0] =	vst.idx.msk $0xffff, v45;
	v55 =	vld [tilespmem:s0+$0x1D0]  }
0x277: {  	v40 =	vadd.f32 v58, v36;
	[tilespmem:v59+s17+$0x0] =	vst.idx.msk $0xffff, v3;
	v59 =	vld [tilespmem:s0+$0x80]  }
0x278: {  	v38 =	vshll.u32 v38, v1;
	v43 =	vshll.u32 v43, v1;
	v3 =	vadd.f32 v60, v36;
	v60 =	vld [tilespmem:s0+$0xC0]  }
0x279: {  	v45 =	vbroadcast v53, $0x0;
	v58 =	vadd.s32 v19, v47;
	[tilespmem:v61+s17+$0x0] =	vst.idx.msk $0xffff, v40;
	v40 =	vadd.f32 v62, v36;
	v61 =	vld [tilespmem:s0+$0x100]  }
0x27a: {  	v62 =	vld [tilespmem:s0+$0x180];
	[tilespmem:v54+s17+$0x0] =	vst.idx.msk $0xffff, v3;
	v3 =	vadd.f32 v63, v36;
	v53 =	vadd.s32 v22, v52  }
0x27b: {  	v46 =	vbroadcast v38, $0x0;
	v43 =	vbroadcast v43, $0x0;
	v54 =	vadd.s32 v26, v45;
	v63 =	vld [tilespmem:$0x1FE10];
	[tilespmem:v5+s17+$0x0] =	vst.idx.msk $0xffff, v40  }
0x27c: {  	v38 =	vbroadcast v2, $0x0;
	v40 =	vbroadcast v0, $0x0;
	[tilespmem:v56+s17+$0x0] =	vst.idx.msk $0xffff, v3;
	v3 =	vadd.f32 v57, v36;
	v56 =	vld [tilespmem:s0+$0x140]  }
0x27d: {  	v5 =	vadd.s32 v30, v46;
	v0 =	vadd.f32 v55, v35;
	v55 =	vadd.s32 v11, v43;
	v11 =	vld [tilespmem:$0x1FE90]  }
0x27e: {  	v2 =	vadd.f32 v37, v36;
	v57 =	vadd.s32 v14, v40;
	v14 =	vld [tilespmem:$0x1FED0];
	[tilespmem:v58+s17+$0x0] =	vst.idx.msk $0xffff, v3  }
0x27f: {  	v41 =	vbroadcast v41, $0x0;
	v37 =	vbroadcast v4, $0x0;
	v3 =	vadd.s32 v6, v38;
	v6 =	vld [tilespmem:$0x1FE50];
	[tilespmem:v53+s17+$0x0] =	vst.idx.msk $0xffff, v0  }
0x280: {  	[tilespmem:v54+s17+$0x0] =	vst.idx.msk $0xffff, v2;
	v0 =	vadd.f32 v59, v36;
	v4 =	vld [tilespmem:s0+$0x1E0]  }
0x281: {  	v2 =	vadd.f32 v60, v36;
	v54 =	vadd.s32 v15, v37;
	v53 =	vld [tilespmem:s0+$0xFFFFFE00];
	v59 =	vadd.s32 v19, v41  }
0x282: {  	v58 =	vld [tilespmem:s0+$0xFFFFFE50];
	[tilespmem:v5+s17+$0x0] =	vst.idx.msk $0xffff, v0;
	v0 =	vadd.f32 v61, v36;
	v5 =	vadd.s32 v63, v52  }
0x283: {  	v60 =	vld [tilespmem:s0+$0xFFFFFE90];
	[tilespmem:v55+s17+$0x0] =	vst.idx.msk $0xffff, v2;
	v2 =	vadd.f32 v56, v36;
	v52 =	vadd.s32 v18, v52  }
0x284: {  	v56 =	vld [tilespmem:s0+$0xFFFFFED0];
	v55 =	vadd.s32 v6, v51;
	[tilespmem:v57+s17+$0x0] =	vst.idx.msk $0xffff, v0;
	v0 =	vadd.f32 v62, v36  }
0x285: {  	v61 =	vld [tilespmem:s0+$0xFFFFFF10];
	[tilespmem:v3+s17+$0x0] =	vst.idx.msk $0xffff, v2;
	v57 =	vadd.s32 v11, v50;
	v2 =	vadd.f32 v4, v34  }
0x286: {  	v3 =	vadd.f32 v53, v36;
	v53 =	vld [tilespmem:s0+$0xFFFFFF50];
	v4 =	vadd.s32 v14, v49;
	[tilespmem:v54+s17+$0x0] =	vst.idx.msk $0xffff, v0  }
0x287: {  	v0 =	vadd.f32 v58, v35;
	v54 =	vadd.s32 v23, v48;
	v58 =	vld [tilespmem:s0+$0xFFFFFF90];
	[tilespmem:v5+s17+$0x0] =	vst.idx.msk $0xffff, v2  }
0x288: {  	[tilespmem:v59+s17+$0x0] =	vst.idx.msk $0xffff, v3;
	v3 =	vadd.s32 v27, v44;
	v2 =	vadd.f32 v60, v35;
	v5 =	vld [tilespmem:s0+$0x1F0]  }
0x289: {  	v62 =	vadd.s32 v31, v42;
	[tilespmem:v55+s17+$0x0] =	vst.idx.msk $0xffff, v0;
	v0 =	vadd.f32 v56, v35;
	v60 =	vld [tilespmem:s0+$0xFFFFFFD0]  }
0x28a: {  	v59 =	vadd.s32 v14, v43;
	[tilespmem:v57+s17+$0x0] =	vst.idx.msk $0xffff, v2;
	v2 =	vadd.f32 v61, v35;
	v61 =	vld [tilespmem:s0+$0x10]  }
0x28b: {  	[tilespmem:v4+s17+$0x0] =	vst.idx.msk $0xffff, v0;
	v0 =	vadd.f32 v53, v35;
	v4 =	vadd.s32 v22, v39;
	v53 =	vld [tilespmem:s0+$0x50]  }
0x28c: {  	[tilespmem:v54+s17+$0x0] =	vst.idx.msk $0xffff, v2;
	v2 =	vadd.f32 v58, v35;
	v54 =	vadd.s32 v7, v47;
	v58 =	vld [tilespmem:s0+$0x90]  }
0x28d: {  	[tilespmem:v3+s17+$0x0] =	vst.idx.msk $0xffff, v0;
	v0 =	vadd.s32 v6, v45;
	v3 =	vld [tilespmem:s0+$0xD0];
	v5 =	vadd.f32 v5, v33  }
0x28e: {  	v55 =	vadd.s32 v11, v46;
	v56 =	vld [tilespmem:s0+$0x110];
	[tilespmem:v62+s17+$0x0] =	vst.idx.msk $0xffff, v2;
	v2 =	vadd.f32 v60, v35  }
0x28f: {  	v60 =	vld [tilespmem:s0+$0x150];
	v57 =	vadd.f32 v61, v35;
	v61 =	vadd.s32 v24, v48;
	[tilespmem:v52+s17+$0x0] =	vst.idx.msk $0xffff, v5  }
0x290: {  	v48 =	vadd.s32 v25, v48;
	[tilespmem:v4+s17+$0x0] =	vst.idx.msk $0xffff, v2;
	v2 =	vadd.f32 v53, v35;
	v5 =	vld [tilespmem:s0+$0x190]  }
0x291: {  	v4 =	vadd.s32 v23, v40;
	v52 =	vld [tilespmem:s0+$0xFFFFFE10];
	[tilespmem:v54+s17+$0x0] =	vst.idx.msk $0xffff, v57;
	v62 =	vadd.f32 v58, v35  }
0x292: {  	v54 =	vadd.s32 v27, v38;
	[tilespmem:v0+s17+$0x0] =	vst.idx.msk $0xffff, v2;
	v0 =	vadd.f32 v3, v35  }
0x293: {  	v53 =	vadd.f32 v56, v35;
	v57 =	vld [tilespmem:s0+$0xFFFFFE60];
	v2 =	vadd.s32 v31, v37;
	[tilespmem:v55+s17+$0x0] =	vst.idx.msk $0xffff, v62  }
0x294: {  	v56 =	vld [tilespmem:s0+$0xFFFFFEE0];
	v3 =	vadd.s32 v7, v41;
	v55 =	vadd.s32 v12, v51;
	[tilespmem:v59+s17+$0x0] =	vst.idx.msk $0xffff, v0  }
0x295: {  	v58 =	vld [tilespmem:s0+$0xFFFFFEA0];
	v0 =	vadd.f32 v60, v35;
	v59 =	vadd.s32 v16, v50;
	v50 =	vadd.s32 v17, v50  }
0x296: {  	v62 =	vld [tilespmem:s0+$0xFFFFFFA0];
	[tilespmem:v4+s17+$0x0] =	vst.idx.msk $0xffff, v53;
	v4 =	vadd.f32 v5, v35;
	v5 =	vadd.f32 v52, v35  }
0x297: {  	v60 =	vld [tilespmem:s0+$0xFFFFFF20];
	v52 =	vadd.s32 v20, v49;
	v49 =	vadd.s32 v21, v49;
	[tilespmem:v54+s17+$0x0] =	vst.idx.msk $0xffff, v0  }
0x298: {  	v53 =	vld [tilespmem:s0+$0xFFFFFF60];
	v0 =	vadd.f32 v57, v34;
	v54 =	vadd.s32 v32, v37;
	[tilespmem:v2+s17+$0x0] =	vst.idx.msk $0xffff, v4  }
0x299: {  	v57 =	vadd.s32 v8, v41;
	v37 =	vadd.s32 v10, v37;
	[tilespmem:v3+s17+$0x0] =	vst.idx.msk $0xffff, v5;
	v4 =	vld [tilespmem:s0+$0xFFFFFFE0]  }
0x29a: {  	v2 =	vadd.f32 v58, v34;
	v3 =	vadd.s32 v28, v44;
	v5 =	vadd.s32 v32, v42;
	v58 =	vld [tilespmem:s0+$0x60]  }
0x29b: {  	v44 =	vadd.s32 v29, v44;
	[tilespmem:v55+s17+$0x0] =	vst.idx.msk $0xffff, v0;
	v0 =	vadd.f32 v56, v34;
	v55 =	vld [tilespmem:s0+$0x20]  }
0x29c: {  	v56 =	vadd.s32 v63, v39;
	[tilespmem:v59+s17+$0x0] =	vst.idx.msk $0xffff, v2;
	v2 =	vadd.f32 v60, v34;
	v60 =	vld [tilespmem:s0+$0xA0]  }
0x29d: {  	v63 =	vadd.s32 v8, v47;
	v59 =	vld [tilespmem:s0+$0xFFFFFE20];
	[tilespmem:v52+s17+$0x0] =	vst.idx.msk $0xffff, v0;
	v0 =	vadd.f32 v53, v34  }
0x29e: {  	v53 =	vld [tilespmem:s0+$0xFFFFFE70];
	[tilespmem:v61+s17+$0x0] =	vst.idx.msk $0xffff, v2;
	v2 =	vadd.f32 v62, v34;
	v61 =	vadd.s32 v12, v45  }
0x29f: {  	v62 =	vld [tilespmem:s0+$0xE0];
	[tilespmem:v3+s17+$0x0] =	vst.idx.msk $0xffff, v0;
	v0 =	vadd.f32 v4, v34;
	v3 =	vadd.s32 v16, v46  }
0x2a0: {  	v39 =	vadd.s32 v18, v39;
	v4 =	vld [tilespmem:s0+$0x120];
	[tilespmem:v5+s17+$0x0] =	vst.idx.msk $0xffff, v2;
	v2 =	vadd.f32 v55, v34  }
0x2a1: {  	v5 =	vadd.s32 v20, v43;
	v55 =	vld [tilespmem:s0+$0x160];
	[tilespmem:v56+s17+$0x0] =	vst.idx.msk $0xffff, v0;
	v0 =	vadd.f32 v58, v34  }
0x2a2: {  	v56 =	vadd.s32 v24, v40;
	v58 =	vld [tilespmem:s0+$0x1A0];
	[tilespmem:v63+s17+$0x0] =	vst.idx.msk $0xffff, v2;
	v2 =	vadd.f32 v60, v34  }
0x2a3: {  	v52 =	vadd.s32 v28, v38;
	v60 =	vld [tilespmem:s0+$0xFFFFFEB0];
	v63 =	vadd.f32 v59, v34;
	[tilespmem:v61+s17+$0x0] =	vst.idx.msk $0xffff, v0  }
0x2a4: {  	v0 =	vadd.f32 v62, v34;
	v61 =	vadd.f32 v53, v33;
	v53 =	vld [tilespmem:s0+$0xFFFFFFB0];
	[tilespmem:v3+s17+$0x0] =	vst.idx.msk $0xffff, v2  }
0x2a5: {  	v2 =	vadd.f32 v4, v34;
	v3 =	vadd.s32 v13, v51;
	v4 =	vld [tilespmem:s0+$0xFFFFFEF0];
	[tilespmem:v57+s17+$0x0] =	vst.idx.msk $0xffff, v63  }
0x2a6: {  	v47 =	vadd.s32 v9, v47;
	v51 =	vld [tilespmem:s0+$0xFFFFFF30];
	[tilespmem:v5+s17+$0x0] =	vst.idx.msk $0xffff, v0;
	v0 =	vadd.f32 v55, v34  }
0x2a7: {  	s20 =	sadd.s32 $0x3, s5;
	v38 =	vadd.s32 v29, v38;
	v5 =	vmov s5;
	[tilespmem:v56+s17+$0x0] =	vst.idx.msk $0xffff, v2;
	v2 =	vadd.f32 v58, v34;
	v56 =	vld [tilespmem:s0+$0xFFFFFF70]  }
0x2a8: {  	s31 =	sadd.s32 $0x1, s5;
	s30 =	sadd.s32 $0x4, s5;
	v45 =	vadd.s32 v13, v45;
	v57 =	vmov s20;
	v5 =	vshrl.u32 v5, $0x3;
	[tilespmem:v52+s17+$0x0] =	vst.idx.msk $0xffff, v0  }
0x2a9: {  	s19 =	sadd.s32 $0x2, s5;
	v55 =	vld [tilespmem:s0+$0xFFFFFFF0];
	v0 =	vmov s31;
	v62 =	vadd.f32 v60, v33;
	v52 =	vmov s30;
	[tilespmem:v54+s17+$0x0] =	vst.idx.msk $0xffff, v2  }
0x2aa: {  	s31 =	sadd.s32 $0x5, s5;
	v2 =	vmov s19;
	[tilespmem:v3+s17+$0x0] =	vst.idx.msk $0xffff, v61;
	v3 =	vadd.f32 v4, v33;
	v4 =	vadd.s32 v10, v42;
	v42 =	vld [tilespmem:s0+$0x30]  }
0x2ab: {  	s20 =	sadd.s32 $0x7, s5;
	v60 =	vld [tilespmem:s0+$0x70];
	v54 =	vmov s31;
	v0 =	vshrl.u32 v0, $0x3;
	[tilespmem:v50+s17+$0x0] =	vst.idx.msk $0xffff, v62;
	v63 =	vadd.f32 v51, v33  }
0x2ac: {  	s31 =	sadd.s32 $0x9, s5;
	v61 =	vld [tilespmem:s0+$0xB0];
	v62 =	vadd.f32 v53, v33;
	v53 =	vmov s20;
	s20 =	sadd.s32 $0xB, s5;
	[tilespmem:v49+s17+$0x0] =	vst.idx.msk $0xffff, v3;
	v3 =	vadd.f32 v56, v33  }
0x2ad: {  	s19 =	sadd.s32 $0x6, s5;
	v58 =	vmov s31;
	v59 =	vmov s20;
	v50 =	vshrl.u32 v53, $0x3;
	[tilespmem:v48+s17+$0x0] =	vst.idx.msk $0xffff, v63;
	v63 =	vld [tilespmem:s0+$0xF0]  }
0x2ae: {  	v56 =	vmov s19;
	[tilespmem:v44+s17+$0x0] =	vst.idx.msk $0xffff, v3;
	v3 =	vadd.f32 v55, v33;
	v44 =	vadd.s32 v17, v46;
	v46 =	vld [tilespmem:s0+$0x130]  }
0x2af: {  	s19 =	sadd.s32 $0xA, s5;
	v49 =	vshrl.u32 v54, $0x3;
	[tilespmem:v4+s17+$0x0] =	vst.idx.msk $0xffff, v62;
	v4 =	vadd.f32 v42, v33;
	v42 =	vadd.s32 v21, v43;
	v43 =	vld [tilespmem:s0+$0x170]  }
0x2b0: {  	s30 =	sadd.s32 $0x8, s5;
	s31 =	sadd.s32 $0xD, s5;
	v48 =	vld [tilespmem:s0+$0xFFFFFE30];
	v51 =	vmov s19;
	[tilespmem:v39+s17+$0x0] =	vst.idx.msk $0xffff, v3;
	v3 =	vadd.f32 v60, v33;
	v39 =	vadd.s32 v25, v40  }
0x2b1: {  	v55 =	vmov s30;
	s30 =	sadd.s32 $0xC, s5;
	v62 =	vmov s31;
	v40 =	vld [tilespmem:s0+$0x1B0];
	[tilespmem:v47+s17+$0x0] =	vst.idx.msk $0xffff, v4;
	v4 =	vadd.f32 v61, v33  }
0x2b2: {  	v60 =	vmov s30;
	v61 =	vadd.s32 v9, v41;
	[tilespmem:v45+s17+$0x0] =	vst.idx.msk $0xffff, v3;
	v3 =	vadd.f32 v63, v33  }
0x2b3: {  	p0 =	slt.u32 s5, $0x70;
	s19 =	sadd.s32 $0xE, s5;
	v41 =	vshll.u32 v5, v1;
	v47 =	vshrl.u32 v57, $0x3;
	[tilespmem:v44+s17+$0x0] =	vst.idx.msk $0xffff, v4;
	v4 =	vadd.f32 v46, v33  }
.Ltmp4:
0x2b4: {  	v63 =	vmov s19;
	v45 =	vshrl.u32 v56, $0x3;
	[tilespmem:v42+s17+$0x0] =	vst.idx.msk $0xffff, v3;
	v3 =	vadd.f32 v43, v33;
	(pc) =	sbr.rel @p0 .LBB2_9-.Ltmp4, $4  }
0x2b5: {  	v46 =	vshrl.u32 v2, $0x3;
	v2 =	vadd.f32 v48, v33;
	v48 =	vshrl.u32 v52, $0x3;
	[tilespmem:v39+s17+$0x0] =	vst.idx.msk $0xffff, v4  }
0x2b6: {  	v44 =	vshrl.u32 v58, $0x3;
	v43 =	vshrl.u32 v59, $0x3;
	v4 =	vadd.f32 v40, v33;
	[tilespmem:v38+s17+$0x0] =	vst.idx.msk $0xffff, v3  }
0x2b7: {  	v42 =	vshrl.u32 v63, $0x3;
	v39 =	vshrl.u32 v60, $0x3;
	v40 =	vshrl.u32 v62, $0x3;
	[tilespmem:v61+s17+$0x0] =	vst.idx.msk $0xffff, v2  }
0x2b8: {  	s16 =	sadd.s32 $0xF, s5;
	s5 =	sadd.s32 $0x10, s5;
	v38 =	vshrl.u32 v51, $0x3;
	v51 =	vshll.u32 v0, v1;
	[tilespmem:v37+s17+$0x0] =	vst.idx.msk $0xffff, v4;
	v37 =	vshrl.u32 v55, $0x3  }
0x2b9: {  	v14 =	vld [tilespmem:$0x1FFA0]  }
0x2ba: {  	v11 =	vld [tilespmem:$0x1FEC0]  }
0x2bb: {  	v3 =	vmov s16;
	v15 =	vld [tilespmem:$0x1FE80]  }
0x2bc: {  	v0 =	vshll.u32 v46, v1;
	v30 =	vld [tilespmem:$0x1FF70];
	v3 =	vshrl.u32 v3, $0x3  }
0x2bd: {  	v2 =	vshll.u32 v47, v1;
	v4 =	vshll.u32 v48, v1;
	s0 =	sadd.s32 $0x400, s0;
	v22 =	vld [tilespmem:$0x1FF00];
	v3 =	vshll.u32 v3, v1  }
0x2be: {  	v5 =	vshll.u32 v49, v1;
	v46 =	vshll.u32 v50, v1;
	v60 =	vld [tilespmem:s0+$0x1C0];
	v3 =	vbroadcast v3, $0x0  }
0x2bf: {  	v47 =	vshll.u32 v37, v1;
	v37 =	vbroadcast v51, $0x0;
	v50 =	vshll.u32 v38, v1;
	v61 =	vld [tilespmem:s0+$0xFFFFFE40]  }
0x2c0: {  	v52 =	vld [tilespmem:s0+$0xFFFFFE80];
	v38 =	vbroadcast v0, $0x0;
	v0 =	vshll.u32 v39, v1;
	v53 =	vadd.s32 v14, v3  }
0x2c1: {  	v55 =	vld [tilespmem:s0+$0xFFFFFEC0];
	v39 =	vbroadcast v2, $0x0;
	v2 =	vshll.u32 v40, v1;
	v54 =	vadd.s32 v11, v37  }
0x2c2: {  	v57 =	vld [tilespmem:s0+$0xFFFFFF00];
	v40 =	vbroadcast v4, $0x0;
	v4 =	vshll.u32 v42, v1;
	v56 =	vadd.s32 v15, v38  }
0x2c3: {  	v42 =	vbroadcast v5, $0x0;
	v58 =	vadd.s32 v30, v39;
	v5 =	vadd.f32 v60, v36  }
0x2c4: {  	v49 =	vadd.f32 v61, v36;
	v60 =	vadd.s32 v22, v40  }
0x2c5: {  	v59 =	vld [tilespmem:s0+$0xFFFFFF40];
	v62 =	vadd.f32 v52, v36;
	[tilespmem:v53+s17+$0x0] =	vst.idx.msk $0xffff, v5  }
0x2c6: {  	v63 =	vadd.f32 v55, v36;
	v26 =	vld [tilespmem:$0x1FFC0];
	[tilespmem:v54+s17+$0x0] =	vst.idx.msk $0xffff, v49  }
0x2c7: {  	v54 =	vadd.f32 v57, v36;
	v6 =	vld [tilespmem:$0x1FFD0];
	[tilespmem:v56+s17+$0x0] =	vst.idx.msk $0xffff, v62  }
0x2c8: {  	v48 =	vshll.u32 v44, v1;
	v44 =	vbroadcast v46, $0x0;
	v61 =	vld [tilespmem:s0+$0xFFFFFF80];
	[tilespmem:v58+s17+$0x0] =	vst.idx.msk $0xffff, v63  }
0x2c9: {  	v45 =	vshll.u32 v45, v1;
	v63 =	vld [tilespmem:$0x1FFE0];
	[tilespmem:v60+s17+$0x0] =	vst.idx.msk $0xffff, v54  }
0x2ca: {  	v51 =	vshll.u32 v43, v1;
	v43 =	vbroadcast v45, $0x0;
	v55 =	vadd.s32 v14, v44;
	v14 =	vld [tilespmem:$0x1FFB0]  }
0x2cb: {  	v52 =	vld [tilespmem:s0+$0xFFFFFFC0];
	v5 =	vadd.s32 v26, v42  }
0x2cc: {  	v53 =	vld [tilespmem:s0+$0x1D0];
	v49 =	vadd.s32 v6, v43  }
0x2cd: {  	v45 =	vbroadcast v47, $0x0;
	v56 =	vld [tilespmem:s0+$0x0]  }
0x2ce: {  	v46 =	vbroadcast v48, $0x0;
	v57 =	vadd.f32 v59, v36;
	v58 =	vld [tilespmem:s0+$0x40];
	v59 =	vadd.s32 v63, v3  }
0x2cf: {  	v47 =	vbroadcast v50, $0x0;
	v54 =	vadd.f32 v61, v36;
	v61 =	vld [tilespmem:s0+$0x80];
	v60 =	vadd.s32 v14, v45  }
0x2d0: {  	v48 =	vbroadcast v51, $0x0;
	[tilespmem:v5+s17+$0x0] =	vst.idx.msk $0xffff, v57;
	v5 =	vadd.f32 v52, v36;
	v52 =	vadd.s32 v11, v46;
	v57 =	vld [tilespmem:s0+$0xC0]  }
0x2d1: {  	v62 =	vld [tilespmem:s0+$0x100];
	[tilespmem:v49+s17+$0x0] =	vst.idx.msk $0xffff, v54;
	v54 =	vadd.s32 v15, v47;
	v49 =	vbroadcast v0, $0x0;
	v0 =	vadd.f32 v53, v35  }
0x2d2: {  	v50 =	vbroadcast v2, $0x0;
	v53 =	vadd.s32 v30, v48;
	[tilespmem:v55+s17+$0x0] =	vst.idx.msk $0xffff, v5;
	v5 =	vadd.f32 v56, v36;
	v55 =	vld [tilespmem:s0+$0x140]  }
0x2d3: {  	v51 =	vbroadcast v4, $0x0;
	v2 =	vadd.f32 v58, v36;
	v56 =	vld [tilespmem:s0+$0x180];
	[tilespmem:v59+s17+$0x0] =	vst.idx.msk $0xffff, v0;
	v0 =	vadd.s32 v22, v49  }
0x2d4: {  	v4 =	vadd.f32 v61, v36;
	[tilespmem:v60+s17+$0x0] =	vst.idx.msk $0xffff, v5;
	v5 =	vadd.s32 v26, v50  }
0x2d5: {  	[tilespmem:v52+s17+$0x0] =	vst.idx.msk $0xffff, v2;
	v52 =	vadd.f32 v57, v36;
	v57 =	vadd.s32 v6, v51  }
0x2d6: {  	v58 =	vld [tilespmem:s0+$0x1E0];
	[tilespmem:v54+s17+$0x0] =	vst.idx.msk $0xffff, v4;
	v54 =	vadd.f32 v62, v36  }
0x2d7: {  	v60 =	vld [tilespmem:$0x1FE10];
	[tilespmem:v53+s17+$0x0] =	vst.idx.msk $0xffff, v52;
	v55 =	vadd.f32 v55, v36  }
0x2d8: {  	v2 =	vld [tilespmem:s0+$0xFFFFFE00];
	v56 =	vadd.f32 v56, v36;
	[tilespmem:v0+s17+$0x0] =	vst.idx.msk $0xffff, v54  }
0x2d9: {  	v19 =	vld [tilespmem:$0x1FE50];
	[tilespmem:v5+s17+$0x0] =	vst.idx.msk $0xffff, v55  }
0x2da: {  	v61 =	vld [tilespmem:$0x1FE90];
	[tilespmem:v57+s17+$0x0] =	vst.idx.msk $0xffff, v56  }
0x2db: {  	v41 =	vbroadcast v41, $0x0;
	v62 =	vld [tilespmem:$0x1FED0]  }
0x2dc: {  	v4 =	vld [tilespmem:s0+$0xFFFFFE50];
	v59 =	vadd.s32 v60, v3  }
0x2dd: {  	v52 =	vadd.s32 v14, v41;
	v53 =	vld [tilespmem:s0+$0xFFFFFE90]  }
0x2de: {  	v54 =	vld [tilespmem:s0+$0xFFFFFED0];
	v0 =	vadd.s32 v19, v37  }
0x2df: {  	v55 =	vld [tilespmem:s0+$0xFFFFFF10];
	v58 =	vadd.f32 v58, v34;
	v5 =	vadd.s32 v61, v38  }
0x2e0: {  	v2 =	vadd.f32 v2, v36;
	v56 =	vld [tilespmem:s0+$0xFFFFFF50];
	v36 =	vadd.s32 v62, v39  }
0x2e1: {  	v57 =	vadd.s32 v23, v40;
	v4 =	vadd.f32 v4, v35;
	[tilespmem:v59+s17+$0x0] =	vst.idx.msk $0xffff, v58;
	v58 =	vld [tilespmem:s0+$0xFFFFFF90]  }
0x2e2: {  	[tilespmem:v52+s17+$0x0] =	vst.idx.msk $0xffff, v2;
	v2 =	vadd.f32 v53, v35;
	v52 =	vadd.s32 v27, v42;
	v53 =	vld [tilespmem:s0+$0x1F0]  }
0x2e3: {  	[tilespmem:v0+s17+$0x0] =	vst.idx.msk $0xffff, v4;
	v0 =	vadd.f32 v54, v35;
	v4 =	vadd.s32 v31, v43;
	v54 =	vld [tilespmem:s0+$0xFFFFFFD0]  }
0x2e4: {  	v3 =	vadd.s32 v18, v3;
	[tilespmem:v5+s17+$0x0] =	vst.idx.msk $0xffff, v2;
	v2 =	vadd.f32 v55, v35;
	v5 =	vld [tilespmem:s0+$0x10]  }
0x2e5: {  	v55 =	vld [tilespmem:s0+$0x50];
	[tilespmem:v36+s17+$0x0] =	vst.idx.msk $0xffff, v0;
	v0 =	vadd.f32 v56, v35;
	v36 =	vadd.s32 v63, v44  }
0x2e6: {  	v56 =	vadd.s32 v7, v45;
	[tilespmem:v57+s17+$0x0] =	vst.idx.msk $0xffff, v2;
	v2 =	vadd.f32 v58, v35;
	v57 =	vld [tilespmem:s0+$0x90]  }
0x2e7: {  	[tilespmem:v52+s17+$0x0] =	vst.idx.msk $0xffff, v0;
	v0 =	vadd.s32 v19, v46;
	v52 =	vld [tilespmem:s0+$0xD0];
	v53 =	vadd.f32 v53, v33  }
0x2e8: {  	[tilespmem:v4+s17+$0x0] =	vst.idx.msk $0xffff, v2;
	v2 =	vadd.f32 v54, v35;
	v4 =	vadd.s32 v61, v47;
	v54 =	vld [tilespmem:s0+$0x110]  }
0x2e9: {  	v5 =	vadd.f32 v5, v35;
	[tilespmem:v3+s17+$0x0] =	vst.idx.msk $0xffff, v53;
	v3 =	vadd.s32 v62, v48;
	v53 =	vld [tilespmem:s0+$0x150]  }
0x2ea: {  	[tilespmem:v36+s17+$0x0] =	vst.idx.msk $0xffff, v2;
	v2 =	vadd.f32 v55, v35;
	v36 =	vadd.s32 v23, v49;
	v55 =	vld [tilespmem:s0+$0x190]  }
0x2eb: {  	[tilespmem:v56+s17+$0x0] =	vst.idx.msk $0xffff, v5;
	v5 =	vld [tilespmem:s0+$0xFFFFFE10];
	v56 =	vadd.f32 v57, v35;
	v57 =	vadd.s32 v27, v50  }
0x2ec: {  	[tilespmem:v0+s17+$0x0] =	vst.idx.msk $0xffff, v2;
	v0 =	vld [tilespmem:s0+$0xFFFFFE60];
	v2 =	vadd.f32 v52, v35;
	v52 =	vadd.s32 v31, v51  }
0x2ed: {  	[tilespmem:v4+s17+$0x0] =	vst.idx.msk $0xffff, v56;
	v4 =	vadd.s32 v7, v41;
	v56 =	vld [tilespmem:s0+$0xFFFFFEA0];
	v54 =	vadd.f32 v54, v35  }
0x2ee: {  	[tilespmem:v3+s17+$0x0] =	vst.idx.msk $0xffff, v2;
	v2 =	vadd.s32 v12, v37;
	v3 =	vld [tilespmem:s0+$0xFFFFFEE0];
	v53 =	vadd.f32 v53, v35  }
0x2ef: {  	[tilespmem:v36+s17+$0x0] =	vst.idx.msk $0xffff, v54;
	v36 =	vadd.s32 v16, v38;
	v54 =	vld [tilespmem:s0+$0xFFFFFF20];
	v55 =	vadd.f32 v55, v35  }
0x2f0: {  	v5 =	vadd.f32 v5, v35;
	[tilespmem:v57+s17+$0x0] =	vst.idx.msk $0xffff, v53;
	v35 =	vadd.s32 v20, v39;
	v53 =	vld [tilespmem:s0+$0xFFFFFF60]  }
0x2f1: {  	v0 =	vadd.f32 v0, v34;
	[tilespmem:v52+s17+$0x0] =	vst.idx.msk $0xffff, v55;
	v52 =	vadd.s32 v24, v40;
	v55 =	vld [tilespmem:s0+$0xFFFFFFA0]  }
0x2f2: {  	[tilespmem:v4+s17+$0x0] =	vst.idx.msk $0xffff, v5;
	v4 =	vadd.f32 v56, v34;
	v5 =	vadd.s32 v28, v42;
	v56 =	vld [tilespmem:s0+$0xFFFFFFE0]  }
0x2f3: {  	[tilespmem:v2+s17+$0x0] =	vst.idx.msk $0xffff, v0;
	v0 =	vadd.f32 v3, v34;
	v2 =	vadd.s32 v32, v43;
	v3 =	vld [tilespmem:s0+$0x20]  }
0x2f4: {  	[tilespmem:v36+s17+$0x0] =	vst.idx.msk $0xffff, v4;
	v4 =	vadd.f32 v54, v34;
	v36 =	vadd.s32 v60, v44;
	v54 =	vld [tilespmem:s0+$0x60]  }
0x2f5: {  	[tilespmem:v35+s17+$0x0] =	vst.idx.msk $0xffff, v0;
	v0 =	vadd.f32 v53, v34;
	v35 =	vadd.s32 v8, v45;
	v53 =	vld [tilespmem:s0+$0xA0]  }
0x2f6: {  	v60 =	vld [tilespmem:s0+$0xE0];
	[tilespmem:v52+s17+$0x0] =	vst.idx.msk $0xffff, v4;
	v4 =	vadd.f32 v55, v34;
	v52 =	vadd.s32 v12, v46  }
0x2f7: {  	[tilespmem:v5+s17+$0x0] =	vst.idx.msk $0xffff, v0;
	v0 =	vadd.f32 v56, v34;
	v5 =	vadd.s32 v16, v47;
	v56 =	vld [tilespmem:s0+$0x120]  }
0x2f8: {  	[tilespmem:v2+s17+$0x0] =	vst.idx.msk $0xffff, v4;
	v2 =	vadd.f32 v3, v34;
	v3 =	vadd.s32 v20, v48;
	v4 =	vld [tilespmem:s0+$0x160]  }
0x2f9: {  	[tilespmem:v36+s17+$0x0] =	vst.idx.msk $0xffff, v0;
	v0 =	vadd.f32 v54, v34;
	v36 =	vadd.s32 v24, v49;
	v54 =	vld [tilespmem:s0+$0x1A0]  }
0x2fa: {  	[tilespmem:v35+s17+$0x0] =	vst.idx.msk $0xffff, v2;
	v2 =	vld [tilespmem:s0+$0xFFFFFE20];
	v59 =	vadd.f32 v53, v34;
	v53 =	vadd.s32 v28, v50  }
0x2fb: {  	v55 =	vadd.s32 v32, v51;
	v60 =	vadd.f32 v60, v34;
	[tilespmem:v52+s17+$0x0] =	vst.idx.msk $0xffff, v0;
	v0 =	vld [tilespmem:s0+$0xFFFFFE70]  }
0x2fc: {  	v35 =	vld [tilespmem:s0+$0xFFFFFEB0];
	[tilespmem:v5+s17+$0x0] =	vst.idx.msk $0xffff, v59;
	v5 =	vadd.s32 v8, v41;
	v56 =	vadd.f32 v56, v34  }
0x2fd: {  	v59 =	vld [tilespmem:s0+$0xFFFFFEF0];
	[tilespmem:v3+s17+$0x0] =	vst.idx.msk $0xffff, v60;
	v3 =	vadd.s32 v13, v37;
	v4 =	vadd.f32 v4, v34  }
0x2fe: {  	[tilespmem:v36+s17+$0x0] =	vst.idx.msk $0xffff, v56;
	v36 =	vadd.s32 v17, v38;
	v38 =	vld [tilespmem:s0+$0xFFFFFF30];
	v60 =	vadd.f32 v54, v34  }
0x2ff: {  	v54 =	vld [tilespmem:s0+$0xFFFFFF70];
	[tilespmem:v53+s17+$0x0] =	vst.idx.msk $0xffff, v4;
	v2 =	vadd.f32 v2, v34;
	v4 =	vadd.s32 v21, v39  }
0x300: {  	v57 =	vld [tilespmem:s0+$0xFFFFFFB0];
	v56 =	vadd.s32 v25, v40;
	[tilespmem:v55+s17+$0x0] =	vst.idx.msk $0xffff, v60;
	v0 =	vadd.f32 v0, v33  }
0x301: {  	v58 =	vld [tilespmem:s0+$0xFFFFFFF0];
	[tilespmem:v5+s17+$0x0] =	vst.idx.msk $0xffff, v2;
	v2 =	vadd.f32 v35, v33;
	v5 =	vadd.s32 v29, v42  }
0x302: {  	[tilespmem:v3+s17+$0x0] =	vst.idx.msk $0xffff, v0;
	v0 =	vadd.f32 v59, v33;
	v3 =	vadd.s32 v10, v43;
	v59 =	vld [tilespmem:s0+$0x30]  }
0x303: {  	v60 =	vadd.s32 v18, v44;
	v44 =	vld [tilespmem:s0+$0x70];
	[tilespmem:v36+s17+$0x0] =	vst.idx.msk $0xffff, v2;
	v2 =	vadd.f32 v38, v33  }
0x304: {  	v52 =	vld [tilespmem:s0+$0xB0];
	[tilespmem:v4+s17+$0x0] =	vst.idx.msk $0xffff, v0;
	v0 =	vadd.f32 v54, v33;
	v4 =	vadd.s32 v9, v45  }
0x305: {  	v53 =	vadd.s32 v13, v46;
	v54 =	vld [tilespmem:s0+$0xF0];
	[tilespmem:v56+s17+$0x0] =	vst.idx.msk $0xffff, v2;
	v2 =	vadd.f32 v57, v33  }
0x306: {  	v55 =	vld [tilespmem:s0+$0x130];
	[tilespmem:v5+s17+$0x0] =	vst.idx.msk $0xffff, v0;
	v0 =	vadd.f32 v58, v33;
	v5 =	vadd.s32 v17, v47  }
0x307: {  	v56 =	vld [tilespmem:s0+$0x170];
	[tilespmem:v3+s17+$0x0] =	vst.idx.msk $0xffff, v2;
	v2 =	vadd.f32 v59, v33;
	v3 =	vadd.s32 v21, v48  }
0x308: {  	v57 =	vadd.s32 v25, v49;
	v58 =	vld [tilespmem:s0+$0x1B0];
	[tilespmem:v60+s17+$0x0] =	vst.idx.msk $0xffff, v0;
	v0 =	vadd.f32 v44, v33  }
0x309: {  	v59 =	vadd.s32 v29, v50;
	[tilespmem:v4+s17+$0x0] =	vst.idx.msk $0xffff, v2;
	v2 =	vld [tilespmem:s0+$0xFFFFFE30];
	v4 =	vadd.f32 v52, v33  }
0x30a: {  	v60 =	vadd.s32 v10, v51;
	[tilespmem:v53+s17+$0x0] =	vst.idx.msk $0xffff, v0;
	v0 =	vadd.f32 v54, v33  }
0x30b: {  	[tilespmem:v5+s17+$0x0] =	vst.idx.msk $0xffff, v4;
	v4 =	vadd.s32 v9, v41;
	v5 =	vadd.f32 v55, v33  }
0x30c: {  	[tilespmem:v3+s17+$0x0] =	vst.idx.msk $0xffff, v0;
	v0 =	vadd.f32 v56, v33  }
0x30d: {  	v3 =	vadd.f32 v58, v33;
	[tilespmem:v57+s17+$0x0] =	vst.idx.msk $0xffff, v5  }
0x30e: {  	[tilespmem:v59+s17+$0x0] =	vst.idx.msk $0xffff, v0;
	v0 =	vadd.f32 v2, v33  }
0x30f: {  	s0 =	sor.u32 $0x80, s1;
	[tilespmem:v60+s17+$0x0] =	vst.idx.msk $0xffff, v3  }
0x310: {  	s1 =	sadd.s32 s2, s0;
	[tilespmem:v4+s17+$0x0] =	vst.idx.msk $0xffff, v0  }
0x311: {  	[hbm4b:s1+s3] =	stream.linear.scatter [tilespmem:s17], [sflag:$0x4], $0x80, $0x38;
	[tilespmem:$0xCF00] =	vst v63  }
0x312: {  	s20 =	simm.s32 $0xAD88;
	s5 =	sadd.s32 $0x10, s1  }
0x313: {  	[hbm4b:s5+s3] =	stream.linear.scatter [tilespmem:s20], [sflag:$0x4], $0x80, $0x38;
	[tilespmem:$0xCF00] =	vst v63  }
0x314: {  	s31 =	simm.s32 $0xAE10;
	s30 =	sadd.s32 $0x20, s1  }
0x315: {  	[hbm4b:s30+s3] =	stream.linear.scatter [tilespmem:s31], [sflag:$0x4], $0x80, $0x38;
	[tilespmem:$0xCF00] =	vst v63  }
0x316: {  	s19 =	sadd.s32 $0x30, s1;
	s20 =	simm.s32 $0xAE98  }
0x317: {  	[hbm4b:s19+s3] =	stream.linear.scatter [tilespmem:s20], [sflag:$0x4], $0x80, $0x38;
	[tilespmem:$0xCF00] =	vst v63  }
0x318: {  	s30 =	sadd.s32 $0x40, s1;
	s31 =	simm.s32 $0xAF20  }
0x319: {  	[hbm4b:s30+s3] =	stream.linear.scatter [tilespmem:s31], [sflag:$0x4], $0x80, $0x38;
	[tilespmem:$0xCF00] =	vst v63  }
0x31a: {  	s16 =	sadd.s32 $0x50, s1;
	s19 =	simm.s32 $0xAFA8  }
0x31b: {  	[hbm4b:s16+s3] =	stream.linear.scatter [tilespmem:s19], [sflag:$0x4], $0x80, $0x38;
	[tilespmem:$0xCF00] =	vst v63  }
0x31c: {  	s20 =	sadd.s32 $0x60, s1;
	s30 =	simm.s32 $0xB030  }
0x31d: {  	[hbm4b:s20+s3] =	stream.linear.scatter [tilespmem:s30], [sflag:$0x4], $0x80, $0x38;
	[tilespmem:$0xCF00] =	vst v63  }
0x31e: {  	s1 =	sadd.s32 $0x70, s1;
	s31 =	simm.s32 $0xB0B8  }
0x31f: {  	[hbm4b:s1+s3] =	stream.linear.scatter [tilespmem:s31], [sflag:$0x4], $0x80, $0x38;
	[tilespmem:$0xCF00] =	vst v63  }
0x320: {  	s16 =	simm.s32 $0xB140;
	s1 =	sadd.s32 s0, s8  }
0x321: {  	[hbm4b:s1+s3] =	stream.linear.scatter [tilespmem:s16], [sflag:$0x4], $0x80, $0x38;
	[tilespmem:$0xCF00] =	vst v63  }
0x322: {  	s20 =	simm.s32 $0xB1C8;
	s19 =	sadd.s32 $0x10, s1  }
0x323: {  	[hbm4b:s19+s3] =	stream.linear.scatter [tilespmem:s20], [sflag:$0x4], $0x80, $0x38;
	[tilespmem:$0xCF00] =	vst v63  }
0x324: {  	s31 =	simm.s32 $0xB250;
	s30 =	sadd.s32 $0x20, s1  }
0x325: {  	[hbm4b:s30+s3] =	stream.linear.scatter [tilespmem:s31], [sflag:$0x4], $0x80, $0x38;
	[tilespmem:$0xCF00] =	vst v63  }
0x326: {  	s19 =	sadd.s32 $0x30, s1;
	s20 =	simm.s32 $0xB2D8  }
0x327: {  	[hbm4b:s19+s3] =	stream.linear.scatter [tilespmem:s20], [sflag:$0x4], $0x80, $0x38;
	[tilespmem:$0xCF00] =	vst v63  }
0x328: {  	s30 =	sadd.s32 $0x40, s1;
	s31 =	simm.s32 $0xB360  }
0x329: {  	[hbm4b:s30+s3] =	stream.linear.scatter [tilespmem:s31], [sflag:$0x4], $0x80, $0x38;
	[tilespmem:$0xCF00] =	vst v63  }
0x32a: {  	s16 =	sadd.s32 $0x50, s1;
	s19 =	simm.s32 $0xB3E8  }
0x32b: {  	[hbm4b:s16+s3] =	stream.linear.scatter [tilespmem:s19], [sflag:$0x4], $0x80, $0x38;
	[tilespmem:$0xCF00] =	vst v63  }
0x32c: {  	s20 =	sadd.s32 $0x60, s1;
	s30 =	simm.s32 $0xB470  }
0x32d: {  	[hbm4b:s20+s3] =	stream.linear.scatter [tilespmem:s30], [sflag:$0x4], $0x80, $0x38;
	[tilespmem:$0xCF00] =	vst v63  }
0x32e: {  	s1 =	sadd.s32 $0x70, s1;
	s31 =	simm.s32 $0xB4F8  }
0x32f: {  	[hbm4b:s1+s3] =	stream.linear.scatter [tilespmem:s31], [sflag:$0x4], $0x80, $0x38;
	[tilespmem:$0xCF00] =	vst v63  }
0x330: {  	s16 =	simm.s32 $0xB580;
	s1 =	sadd.s32 s0, s9  }
0x331: {  	[hbm4b:s1+s3] =	stream.linear.scatter [tilespmem:s16], [sflag:$0x4], $0x80, $0x38;
	[tilespmem:$0xCF00] =	vst v63  }
0x332: {  	s20 =	simm.s32 $0xB608;
	s19 =	sadd.s32 $0x10, s1  }
0x333: {  	[hbm4b:s19+s3] =	stream.linear.scatter [tilespmem:s20], [sflag:$0x4], $0x80, $0x38;
	[tilespmem:$0xCF00] =	vst v63  }
0x334: {  	s31 =	simm.s32 $0xB690;
	s30 =	sadd.s32 $0x20, s1  }
0x335: {  	[hbm4b:s30+s3] =	stream.linear.scatter [tilespmem:s31], [sflag:$0x4], $0x80, $0x38;
	[tilespmem:$0xCF00] =	vst v63  }
0x336: {  	s19 =	sadd.s32 $0x30, s1;
	s20 =	simm.s32 $0xB718  }
0x337: {  	[hbm4b:s19+s3] =	stream.linear.scatter [tilespmem:s20], [sflag:$0x4], $0x80, $0x38;
	[tilespmem:$0xCF00] =	vst v63  }
0x338: {  	s30 =	sadd.s32 $0x40, s1;
	s31 =	simm.s32 $0xB7A0  }
0x339: {  	[hbm4b:s30+s3] =	stream.linear.scatter [tilespmem:s31], [sflag:$0x4], $0x80, $0x38;
	[tilespmem:$0xCF00] =	vst v63  }
0x33a: {  	s16 =	sadd.s32 $0x50, s1;
	s19 =	simm.s32 $0xB828  }
0x33b: {  	[hbm4b:s16+s3] =	stream.linear.scatter [tilespmem:s19], [sflag:$0x4], $0x80, $0x38;
	[tilespmem:$0xCF00] =	vst v63  }
0x33c: {  	s20 =	sadd.s32 $0x60, s1;
	s30 =	simm.s32 $0xB8B0  }
0x33d: {  	[hbm4b:s20+s3] =	stream.linear.scatter [tilespmem:s30], [sflag:$0x4], $0x80, $0x38;
	[tilespmem:$0xCF00] =	vst v63  }
0x33e: {  	s1 =	sadd.s32 $0x70, s1;
	s31 =	simm.s32 $0xB938  }
0x33f: {  	[hbm4b:s1+s3] =	stream.linear.scatter [tilespmem:s31], [sflag:$0x4], $0x80, $0x38;
	[tilespmem:$0xCF00] =	vst v63  }
0x340: {  	s16 =	simm.s32 $0xB9C0;
	s1 =	sadd.s32 s0, s10  }
0x341: {  	[hbm4b:s1+s3] =	stream.linear.scatter [tilespmem:s16], [sflag:$0x4], $0x80, $0x38;
	[tilespmem:$0xCF00] =	vst v63  }
0x342: {  	s20 =	simm.s32 $0xBA48;
	s19 =	sadd.s32 $0x10, s1  }
0x343: {  	[hbm4b:s19+s3] =	stream.linear.scatter [tilespmem:s20], [sflag:$0x4], $0x80, $0x38;
	[tilespmem:$0xCF00] =	vst v63  }
0x344: {  	s31 =	simm.s32 $0xBAD0;
	s30 =	sadd.s32 $0x20, s1  }
0x345: {  	[hbm4b:s30+s3] =	stream.linear.scatter [tilespmem:s31], [sflag:$0x4], $0x80, $0x38;
	[tilespmem:$0xCF00] =	vst v63  }
0x346: {  	s19 =	sadd.s32 $0x30, s1;
	s20 =	simm.s32 $0xBB58  }
0x347: {  	[hbm4b:s19+s3] =	stream.linear.scatter [tilespmem:s20], [sflag:$0x4], $0x80, $0x38;
	[tilespmem:$0xCF00] =	vst v63  }
0x348: {  	s30 =	sadd.s32 $0x40, s1;
	s31 =	simm.s32 $0xBBE0  }
0x349: {  	[hbm4b:s30+s3] =	stream.linear.scatter [tilespmem:s31], [sflag:$0x4], $0x80, $0x38;
	[tilespmem:$0xCF00] =	vst v63  }
0x34a: {  	s16 =	sadd.s32 $0x50, s1;
	s19 =	simm.s32 $0xBC68  }
0x34b: {  	[hbm4b:s16+s3] =	stream.linear.scatter [tilespmem:s19], [sflag:$0x4], $0x80, $0x38;
	[tilespmem:$0xCF00] =	vst v63  }
0x34c: {  	s20 =	sadd.s32 $0x60, s1;
	s30 =	simm.s32 $0xBCF0  }
0x34d: {  	[hbm4b:s20+s3] =	stream.linear.scatter [tilespmem:s30], [sflag:$0x4], $0x80, $0x38;
	[tilespmem:$0xCF00] =	vst v63  }
0x34e: {  	s1 =	sadd.s32 $0x70, s1;
	s31 =	simm.s32 $0xBD78  }
0x34f: {  	[hbm4b:s1+s3] =	stream.linear.scatter [tilespmem:s31], [sflag:$0x4], $0x80, $0x38;
	[tilespmem:$0xCF00] =	vst v63  }
0x350: {  	s16 =	simm.s32 $0xBE00;
	s1 =	sadd.s32 s0, s11  }
0x351: {  	[hbm4b:s1+s3] =	stream.linear.scatter [tilespmem:s16], [sflag:$0x4], $0x80, $0x38;
	[tilespmem:$0xCF00] =	vst v63  }
0x352: {  	s20 =	simm.s32 $0xBE88;
	s19 =	sadd.s32 $0x10, s1  }
0x353: {  	[hbm4b:s19+s3] =	stream.linear.scatter [tilespmem:s20], [sflag:$0x4], $0x80, $0x38;
	[tilespmem:$0xCF00] =	vst v63  }
0x354: {  	s31 =	simm.s32 $0xBF10;
	s30 =	sadd.s32 $0x20, s1  }
0x355: {  	[hbm4b:s30+s3] =	stream.linear.scatter [tilespmem:s31], [sflag:$0x4], $0x80, $0x38;
	[tilespmem:$0xCF00] =	vst v63  }
0x356: {  	s19 =	sadd.s32 $0x30, s1;
	s20 =	simm.s32 $0xBF98  }
0x357: {  	[hbm4b:s19+s3] =	stream.linear.scatter [tilespmem:s20], [sflag:$0x4], $0x80, $0x38;
	[tilespmem:$0xCF00] =	vst v63  }
0x358: {  	s30 =	sadd.s32 $0x40, s1;
	s31 =	simm.s32 $0xC020  }
0x359: {  	[hbm4b:s30+s3] =	stream.linear.scatter [tilespmem:s31], [sflag:$0x4], $0x80, $0x38;
	[tilespmem:$0xCF00] =	vst v63  }
0x35a: {  	s16 =	sadd.s32 $0x50, s1;
	s19 =	simm.s32 $0xC0A8  }
0x35b: {  	[hbm4b:s16+s3] =	stream.linear.scatter [tilespmem:s19], [sflag:$0x4], $0x80, $0x38;
	[tilespmem:$0xCF00] =	vst v63  }
0x35c: {  	s20 =	sadd.s32 $0x60, s1;
	s30 =	simm.s32 $0xC130  }
0x35d: {  	[hbm4b:s20+s3] =	stream.linear.scatter [tilespmem:s30], [sflag:$0x4], $0x80, $0x38;
	[tilespmem:$0xCF00] =	vst v63  }
0x35e: {  	s1 =	sadd.s32 $0x70, s1;
	s31 =	simm.s32 $0xC1B8  }
0x35f: {  	[hbm4b:s1+s3] =	stream.linear.scatter [tilespmem:s31], [sflag:$0x4], $0x80, $0x38;
	[tilespmem:$0xCF00] =	vst v63  }
0x360: {  	s16 =	simm.s32 $0xC240;
	s1 =	sadd.s32 s0, s12  }
0x361: {  	[hbm4b:s1+s3] =	stream.linear.scatter [tilespmem:s16], [sflag:$0x4], $0x80, $0x38;
	[tilespmem:$0xCF00] =	vst v63  }
0x362: {  	s20 =	simm.s32 $0xC2C8;
	s19 =	sadd.s32 $0x10, s1  }
0x363: {  	[hbm4b:s19+s3] =	stream.linear.scatter [tilespmem:s20], [sflag:$0x4], $0x80, $0x38;
	[tilespmem:$0xCF00] =	vst v63  }
0x364: {  	s31 =	simm.s32 $0xC350;
	s30 =	sadd.s32 $0x20, s1  }
0x365: {  	[hbm4b:s30+s3] =	stream.linear.scatter [tilespmem:s31], [sflag:$0x4], $0x80, $0x38;
	[tilespmem:$0xCF00] =	vst v63  }
0x366: {  	s19 =	sadd.s32 $0x30, s1;
	s20 =	simm.s32 $0xC3D8  }
0x367: {  	[hbm4b:s19+s3] =	stream.linear.scatter [tilespmem:s20], [sflag:$0x4], $0x80, $0x38;
	[tilespmem:$0xCF00] =	vst v63  }
0x368: {  	s30 =	sadd.s32 $0x40, s1;
	s31 =	simm.s32 $0xC460  }
0x369: {  	[hbm4b:s30+s3] =	stream.linear.scatter [tilespmem:s31], [sflag:$0x4], $0x80, $0x38;
	[tilespmem:$0xCF00] =	vst v63  }
0x36a: {  	s16 =	sadd.s32 $0x50, s1;
	s19 =	simm.s32 $0xC4E8  }
0x36b: {  	[hbm4b:s16+s3] =	stream.linear.scatter [tilespmem:s19], [sflag:$0x4], $0x80, $0x38;
	[tilespmem:$0xCF00] =	vst v63  }
0x36c: {  	s20 =	sadd.s32 $0x60, s1;
	s30 =	simm.s32 $0xC570  }
0x36d: {  	[hbm4b:s20+s3] =	stream.linear.scatter [tilespmem:s30], [sflag:$0x4], $0x80, $0x38;
	[tilespmem:$0xCF00] =	vst v63  }
0x36e: {  	s1 =	sadd.s32 $0x70, s1;
	s31 =	simm.s32 $0xC5F8  }
0x36f: {  	[hbm4b:s1+s3] =	stream.linear.scatter [tilespmem:s31], [sflag:$0x4], $0x80, $0x38;
	[tilespmem:$0xCF00] =	vst v63  }
0x370: {  	s16 =	simm.s32 $0xC680;
	s1 =	sadd.s32 s0, s13  }
0x371: {  	[hbm4b:s1+s3] =	stream.linear.scatter [tilespmem:s16], [sflag:$0x4], $0x80, $0x38;
	[tilespmem:$0xCF00] =	vst v63  }
0x372: {  	s20 =	simm.s32 $0xC708;
	s19 =	sadd.s32 $0x10, s1  }
0x373: {  	[hbm4b:s19+s3] =	stream.linear.scatter [tilespmem:s20], [sflag:$0x4], $0x80, $0x38;
	[tilespmem:$0xCF00] =	vst v63  }
0x374: {  	s31 =	simm.s32 $0xC790;
	s30 =	sadd.s32 $0x20, s1  }
0x375: {  	[hbm4b:s30+s3] =	stream.linear.scatter [tilespmem:s31], [sflag:$0x4], $0x80, $0x38;
	[tilespmem:$0xCF00] =	vst v63  }
0x376: {  	s19 =	sadd.s32 $0x30, s1;
	s20 =	simm.s32 $0xC818  }
0x377: {  	[hbm4b:s19+s3] =	stream.linear.scatter [tilespmem:s20], [sflag:$0x4], $0x80, $0x38;
	[tilespmem:$0xCF00] =	vst v63  }
0x378: {  	s30 =	sadd.s32 $0x40, s1;
	s31 =	simm.s32 $0xC8A0  }
0x379: {  	[hbm4b:s30+s3] =	stream.linear.scatter [tilespmem:s31], [sflag:$0x4], $0x80, $0x38;
	[tilespmem:$0xCF00] =	vst v63  }
0x37a: {  	s19 =	sadd.s32 $0x50, s1;
	s20 =	simm.s32 $0xC928  }
0x37b: {  	[hbm4b:s19+s3] =	stream.linear.scatter [tilespmem:s20], [sflag:$0x4], $0x80, $0x38;
	[tilespmem:$0xCF00] =	vst v63  }
0x37c: {  	s30 =	sadd.s32 $0x60, s1;
	s31 =	simm.s32 $0xC9B0  }
0x37d: {  	[hbm4b:s30+s3] =	stream.linear.scatter [tilespmem:s31], [sflag:$0x4], $0x80, $0x38;
	[tilespmem:$0xCF00] =	vst v63  }
0x37e: {  	s1 =	sadd.s32 $0x70, s1;
	s19 =	simm.s32 $0xCA38  }
0x37f: {  	[hbm4b:s1+s3] =	stream.linear.scatter [tilespmem:s19], [sflag:$0x4], $0x80, $0x38;
	[tilespmem:$0xCF00] =	vst v63  }
0x380: {  	s0 =	sadd.s32 s0, s14;
	s20 =	simm.s32 $0xCAC0  }
0x381: {  	[hbm4b:s0+s3] =	stream.linear.scatter [tilespmem:s20], [sflag:$0x4], $0x80, $0x38;
	[tilespmem:$0xCF00] =	vst v63  }
0x382: {  	s30 =	sadd.s32 $0x10, s0;
	s31 =	simm.s32 $0xCB48  }
0x383: {  	[hbm4b:s30+s3] =	stream.linear.scatter [tilespmem:s31], [sflag:$0x4], $0x80, $0x38;
	[tilespmem:$0xCF00] =	vst v63  }
0x384: {  	s5 =	sadd.s32 $0x20, s0;
	s16 =	simm.s32 $0xCBD0  }
0x385: {  	[hbm4b:s5+s3] =	stream.linear.scatter [tilespmem:s16], [sflag:$0x4], $0x80, $0x38;
	[tilespmem:$0xCF00] =	vst v63  }
0x386: {  	s19 =	sadd.s32 $0x30, s0  }
0x387: {  	[hbm4b:s19+s3] =	stream.linear.scatter [tilespmem:s23], [sflag:$0x4], $0x80, $0x38;
	[tilespmem:$0xCF00] =	vst v63  }
0x388: {  	s20 =	sadd.s32 $0x40, s0  }
0x389: {  	[hbm4b:s20+s3] =	stream.linear.scatter [tilespmem:s24], [sflag:$0x4], $0x80, $0x38;
	[tilespmem:$0xCF00] =	vst v63  }
0x38a: {  	p0 =	sne.s32 s29, $0x19;
	s30 =	sadd.s32 $0x50, s0  }
0x38b: {  	[hbm4b:s30+s3] =	stream.linear.scatter [tilespmem:s25], [sflag:$0x4], $0x80, $0x38;
	[tilespmem:$0xCF00] =	vst v63  }
.Ltmp5:
0x38c: {  	_ = 	snop;
	(pc) =	sbr.rel @p0 .LBB2_2-.Ltmp5, $4  }
0x38d: {  	s31 =	sadd.s32 $0x60, s0  }
0x38e: {  	[hbm4b:s31+s3] =	stream.linear.scatter [tilespmem:s26], [sflag:$0x4], $0x80, $0x38;
	[tilespmem:$0xCF00] =	vst v63  }
0x38f: {  	v25 =	vmovc v26;
	v33 =	vmovc v15;
	v15 =	vmov v30;
	v30 =	vmov v6;
	v2 =	vmov v10;
	s0 =	sadd.s32 $0x70, s0  }
0x390: {  	v5 =	vmovc v63;
	v4 =	vmovc v61;
	v3 =	vld [tilespmem:$0x1FFA0];
	v0 =	vmov v9;
	v9 =	vmov v11;
	v11 =	vmov v19;
	[hbm4b:s0+s3] =	stream.linear.scatter [tilespmem:s28], [sflag:$0x4], $0x80, $0x38  }
0x391: {  	s0 =	simm.s32 $0x3  }
0x392: {  	_ =	swait.ge [sflag:s0], $0x400  }
0x393: {  	[sflag:s0] =	ssyncset.done $0x0  }
0x394: {  	[sflag:s0] =	ssyncadd.s32 $0xFFFFFC00  }
0x395: {  	_ =	swait.ge [sflag:s0], $0x400  }
0x396: {  	[sflag:s0] =	ssyncset.done $0x0  }
0x397: {  	[sflag:s0] =	ssyncadd.s32 $0xFFFFFC00  }
0x398: {  	_ =	swait.ge [sflag:s0], $0x400  }
0x399: {  	[sflag:s0] =	ssyncset.done $0x0  }
0x39a: {  	[sflag:s0] =	ssyncadd.s32 $0xFFFFFC00  }
0x39b: {  	_ =	swait.ge [sflag:s0], $0x400  }
0x39c: {  	[sflag:s0] =	ssyncset.done $0x0  }
0x39d: {  	[sflag:s0] =	ssyncadd.s32 $0xFFFFFC00  }
0x39e: {  	_ =	swait.ge [sflag:s0], $0x400  }
0x39f: {  	[sflag:s0] =	ssyncset.done $0x0  }
0x3a0: {  	[sflag:s0] =	ssyncadd.s32 $0xFFFFFC00  }
0x3a1: {  	_ =	swait.ge [sflag:s0], $0x400  }
0x3a2: {  	[sflag:s0] =	ssyncset.done $0x0  }
0x3a3: {  	[sflag:s0] =	ssyncadd.s32 $0xFFFFFC00  }
0x3a4: {  	_ =	swait.ge [sflag:s0], $0x400  }
0x3a5: {  	[sflag:s0] =	ssyncset.done $0x0  }
0x3a6: {  	[sflag:s0] =	ssyncadd.s32 $0xFFFFFC00  }
0x3a7: {  	_ =	swait.ge [sflag:s0], $0x400  }
0x3a8: {  	[sflag:s0] =	ssyncset.done $0x0  }
0x3a9: {  	[sflag:s0] =	ssyncadd.s32 $0xFFFFFC00  }
0x3aa: {  	_ =	swait.ge [sflag:s15], $0x400  }
0x3ab: {  	[sflag:s15] =	ssyncset.done $0x0  }
0x3ac: {  	[sflag:s15] =	ssyncadd.s32 $0xFFFFFC00  }
0x3ad: {  	_ =	swait.ge [sflag:s15], $0x400  }
0x3ae: {  	[sflag:s15] =	ssyncset.done $0x0  }
0x3af: {  	[sflag:s15] =	ssyncadd.s32 $0xFFFFFC00  }
0x3b0: {  	_ =	swait.ge [sflag:s15], $0x400  }
0x3b1: {  	[sflag:s15] =	ssyncset.done $0x0  }
0x3b2: {  	[sflag:s15] =	ssyncadd.s32 $0xFFFFFC00  }
0x3b3: {  	_ =	swait.ge [sflag:s15], $0x400  }
0x3b4: {  	[sflag:s15] =	ssyncset.done $0x0  }
0x3b5: {  	[sflag:s15] =	ssyncadd.s32 $0xFFFFFC00  }
0x3b6: {  	_ =	swait.ge [sflag:s15], $0x400  }
0x3b7: {  	[sflag:s15] =	ssyncset.done $0x0  }
0x3b8: {  	[sflag:s15] =	ssyncadd.s32 $0xFFFFFC00  }
0x3b9: {  	_ =	swait.ge [sflag:s15], $0x400  }
0x3ba: {  	[sflag:s15] =	ssyncset.done $0x0  }
0x3bb: {  	[sflag:s15] =	ssyncadd.s32 $0xFFFFFC00  }
0x3bc: {  	_ =	swait.ge [sflag:s15], $0x400  }
0x3bd: {  	[sflag:s15] =	ssyncset.done $0x0  }
0x3be: {  	[sflag:s15] =	ssyncadd.s32 $0xFFFFFC00  }
0x3bf: {  	_ =	swait.ge [sflag:s15], $0x400  }
0x3c0: {  	s1 =	rddreg [dreg:$0x6]  }
0x3c1: {  	s31 =	rddreg [dreg:$0x5];
	s1 =	sadd.s32 $0x1, s1  }
0x3c2: {  	p0 =	sne.s32 s1, s31  }
.Ltmp6:
0x3c3: {  	_ = 	snop;
	(pc) =	sbr.rel @p0 .LBB2_1-.Ltmp6, $3  }
0x3c4: {  	_ =	sdelay $0x1  }
0x3c5: {  	[sflag:s15] =	ssyncset.done $0x0  }
0x3c6: {  	[sflag:s15] =	ssyncadd.s32 $0xFFFFFC00  }
0x3c7: {  	_ =	sfence.sel $0x180000  }
0x3c8: {  	[bflag:$0x0] =	sbarrier.arrive $0xFFFF  }
0x3c9: {  	_ =	strace $0x90000047  }
0x3ca: {  	s0 =	stileid.u32;
	[bflag:$0x2] =	sbarrier.arrive $0xFFFF  }
0x3cb: {  	p0 =	sne.s32 s0, $0x0;
	s0 =	rddreg [dreg:$0x2]  }
0x3cc: {  	s0 =	sadd.s32 @!p0 $0x100000, s0  }
0x3cd: {  	[sflag:s0] =	ssyncadd.tile.s32 @!p0 $0x1;
	_ =	shalt  }
.Lfunc_end2:
_tile_overlayer_lowered:
.L_overlay_start_2:
0x3ce: {  	(tag) =	ssettag $0x2  }
0x3cf: {  	s0 =	rddreg [dreg:$0x0];
	s2 =	stileid.u32  }
0x3d0: {  	s1 =	rddreg [dreg:$0x1];
	p0 =	sne.s32 s2, $0x0  }
0x3d1: {  	s3 =	rddreg [dreg:$0x2];
	[bflag:$0x3] =	sbarrier.arrive $0xFFFF;
	s2 =	simm.s32 @!p0 $0x1C05  }
0x3d2: {  	[timem:s3], [sflag:s2] =	dma.local @!p0 [hbm:s0], s1  }
0x3d3: {  	s0 =	simm.s32 @!p0 $0x5  }
0x3d4: {  	_ =	swait.ge @!p0 [sflag:s0], s1  }
0x3d5: {  	s1 =	ssub.s32 @!p0 $0x0, s1;
	[sflag:s0] =	ssyncset.done @!p0 $0x0  }
0x3d6: {  	[sflag:s0] =	ssyncadd.s32 @!p0 s1  }
0x3d7: {  	[bflag:$0x3] =	sbarrier.arrive $0xFFFF  }
0x3d8: {  	_ =	shalt  }

</sc_bundles>
